<compile_context>
chip_gen: v7x
topology: tpu7x:2x2x1
jax: 0.10.2.dev20260603
libtpu: 0.0.44.dev20260713+nightly
codegen_flags: <defaults>
</compile_context>

<pallas_src>
import functools

import jax
import jax.numpy as jnp
from jax import lax
from jax.experimental import pallas as pl
from jax.experimental.pallas import tpu as pltpu
from jax.experimental.pallas import tpu_sc as plsc


def kernel(input_ids, token_table, pos_table):
    B, L = input_ids.shape
    V, D = token_table.shape
    LANES = 16
    HALF = L // 2

    info = plsc.get_sparse_core_info()
    NW = info.num_cores * info.num_subcores
    seqs_w = B // NW

    tab128 = token_table.reshape(V // 2, 2 * D)

    ids_hi = (input_ids >> 1).reshape(B * 2, HALF)
    ids_off = (input_ids & 1) << 6

    mesh = plsc.VectorSubcoreMesh(core_axis_name="c", subcore_axis_name="s")

    @functools.partial(
        pl.kernel,
        mesh=mesh,
        out_type=jax.ShapeDtypeStruct((B, L, D), jnp.float32),
        scratch_types=[
            pltpu.VMEM((L, D), jnp.float32),
            pltpu.VMEM((2 * seqs_w, HALF), jnp.int32),
            pltpu.VMEM((1, L), jnp.int32),
            pltpu.VMEM((L, 2 * D), jnp.float32),
            pltpu.VMEM((L, D), jnp.float32),
            pltpu.SemaphoreType.DMA,
        ],
    )
    def emb(hi_hbm, off_hbm, tab_hbm, pos_hbm, out_hbm,
            pos_v, idx_v, off_v, rows_v, out_v, sem):
        c = lax.axis_index("c")
        s = lax.axis_index("s")
        wid = s * info.num_cores + c
        base_seq = wid * seqs_w

        pltpu.sync_copy(pos_hbm, pos_v)
        pltpu.sync_copy(hi_hbm.at[pl.ds(base_seq * 2, 2 * seqs_w)], idx_v)

        def body(i, carry):
            cp0 = pltpu.async_copy(
                tab_hbm.at[idx_v.at[2 * i]], rows_v.at[pl.ds(0, HALF)], sem)
            cp1 = pltpu.async_copy(
                tab_hbm.at[idx_v.at[2 * i + 1]], rows_v.at[pl.ds(HALF, HALF)],
                sem)
            cp2 = pltpu.async_copy(
                off_hbm.at[pl.ds(base_seq + i, 1)], off_v, sem)
            cp0.wait()
            cp1.wait()
            cp2.wait()

            def add_group(g, carry2):
                offs = off_v[0, pl.ds(g * LANES, LANES)]
                for rr in range(LANES):
                    r = g * LANES + rr
                    off = offs[rr]
                    for j in range(D // LANES):
                        sl = pl.ds(j * LANES, LANES)
                        out_v[r, sl] = \
                            rows_v[r, pl.ds(off + j * LANES, LANES)] \
                            + pos_v[r, sl]
                return carry2

            lax.fori_loop(0, L // LANES, add_group, 0)
            offs = off_v[0, pl.ds(L - LANES, LANES)]
            for rr in range(L % LANES, LANES):
                r = L - LANES + rr
                off = offs[rr]
                for j in range(D // LANES):
                    sl = pl.ds(j * LANES, LANES)
                    out_v[r, sl] = rows_v[r, pl.ds(off + j * LANES, LANES)] \
                        + pos_v[r, sl]
            pltpu.sync_copy(out_v, out_hbm.at[base_seq + i])
            return carry

        lax.fori_loop(0, seqs_w, body, 0)

    return emb(ids_hi, ids_off, tab128, pos_table)

# --- scband reference (transcript-rebuilt; emitter-appended) ---
"""Pipeline reference for scband-token-pos-embedding-11793980195304 (READ-ONLY COPY).

The authoritative reference and input builder live on the scoring server;
editing this copy changes nothing except your own understanding.
"""

import jax, jax.numpy as jnp
import numpy as np

VOCAB = 1000000
EMB = 64
MAXLEN = 200
B = 4096
L = 200

def setup_inputs(seed: int = 0) -> dict:
    key = jax.random.key(seed)
    k1, k2, k3 = jax.random.split(key, 3)
    input_ids = jax.random.randint(k1, (B, L), 0, VOCAB, dtype=jnp.int64 if jax.config.jax_enable_x64 else jnp.int32)
    token_table = jax.random.normal(k2, (VOCAB, EMB), dtype=jnp.float32) * 0.02
    pos_table = jax.random.normal(k3, (MAXLEN, EMB), dtype=jnp.float32) * 0.02
    return {"input_ids": input_ids, "token_table": token_table, "pos_table": pos_table}

def reference(input_ids, token_table, pos_table):
    seq_length = input_ids.shape[1]
    tok_embeddings = jnp.take(token_table, input_ids, axis=0)  # [B, L, EMB]
    pos_indices = jnp.arange(seq_length)
    pos_embeddings = jnp.take(pos_table, pos_indices, axis=0)  # [L, EMB]
    final_embeddings = tok_embeddings + pos_embeddings[None, :, :]
    return final_embeddings

if __name__ == "__main__":
    import jax
    _d = setup_inputs()
    print(jax.jit(kernel)(*tuple(_d.values())))

</pallas_src>

<mosaic_0001>
#map = affine_map<(d0, d1) -> (0, 0)>
#map1 = affine_map<(d0, d1) -> (0, 0, 0)>
module attributes {stable_mosaic.version = 14 : i64} {
  func.func @emb(%arg0: i32, %arg1: i32, %arg2: memref<8192x100xi32, #tpu.memory_space<hbm>>, %arg3: memref<4096x200xi32, #tpu.memory_space<hbm>>, %arg4: memref<500000x128xf32, #tpu.memory_space<hbm>>, %arg5: memref<200x64xf32, #tpu.memory_space<hbm>>, %arg6: memref<4096x200x64xf32, #tpu.memory_space<hbm>>, %arg7: memref<200x64xf32, #tpu.memory_space<vmem>>, %arg8: memref<256x100xi32, #tpu.memory_space<vmem>>, %arg9: memref<1x200xi32, #tpu.memory_space<vmem>>, %arg10: memref<200x128xf32, #tpu.memory_space<vmem>>, %arg11: memref<200x64xf32, #tpu.memory_space<vmem>>, %arg12: memref<!tpu.dma_semaphore, #tpu.memory_space<semaphore_mem>>) attributes {dimension_semantics = [#tpu.dimension_semantics<core_parallel>, #tpu.dimension_semantics<subcore_parallel>], iteration_bounds = array<i64: 2, 16>, scalar_prefetch = 0 : i64, scratch_operands = 6 : i64, tpu.core_type = #tpu.core_type<sc_vector_subcore>, window_params = [{transform_indices = #map}, {transform_indices = #map}, {transform_indices = #map}, {transform_indices = #map}, {transform_indices = #map1}]} {
    %mul3A = arith.constant 2 : i32
    %mul3A_0 = arith.muli %arg1, %mul3A : i32
    %add3A = arith.addi %mul3A_0, %arg0 : i32
    %mul3A_1 = arith.constant 128 : i32
    %mul3A_2 = arith.muli %add3A, %mul3A_1 : i32
    "tpu.region"() ({
      %run_scoped3A = tpu.sem_alloc : memref<!tpu.dma_semaphore, #tpu.memory_space<semaphore_mem>>
      tpu.enqueue_dma source(%arg5 : memref<200x64xf32, #tpu.memory_space<hbm>>) target(%arg7 : memref<200x64xf32, #tpu.memory_space<vmem>>) target_semaphore(%run_scoped3A : memref<!tpu.dma_semaphore, #tpu.memory_space<semaphore_mem>>)
      tpu.wait_dma2 semaphore(%run_scoped3A : memref<!tpu.dma_semaphore, #tpu.memory_space<semaphore_mem>>) src(%arg5 : memref<200x64xf32, #tpu.memory_space<hbm>>) dst(%arg7 : memref<200x64xf32, #tpu.memory_space<vmem>>)
      tpu.yield
    }) : () -> ()
    %mul3A_3 = arith.constant 2 : i32
    %mul3A_4 = arith.muli %mul3A_2, %mul3A_3 : i32
    "tpu.region"() ({
      %run_scoped3A = tpu.sem_alloc : memref<!tpu.dma_semaphore, #tpu.memory_space<semaphore_mem>>
      %dma_start3A = arith.constant 0 : i32
      %dma_start3A_10 = tpu.memref_slice %arg2[%mul3A_4, %dma_start3A] : memref<8192x100xi32, #tpu.memory_space<hbm>> -> memref<256x100xi32, #tpu.memory_space<hbm>>
      %dma_start3A_11 = arith.constant 0 : i32
      %dma_start3A_12 = tpu.memref_slice %arg2[%mul3A_4, %dma_start3A_11] : memref<8192x100xi32, #tpu.memory_space<hbm>> -> memref<256x100xi32, #tpu.memory_space<hbm>>
      tpu.enqueue_dma source(%dma_start3A_12 : memref<256x100xi32, #tpu.memory_space<hbm>>) target(%arg8 : memref<256x100xi32, #tpu.memory_space<vmem>>) target_semaphore(%run_scoped3A : memref<!tpu.dma_semaphore, #tpu.memory_space<semaphore_mem>>)
      %dma_wait3A = arith.constant 0 : i32
      %dma_wait3A_13 = tpu.memref_slice %arg2[%mul3A_4, %dma_wait3A] : memref<8192x100xi32, #tpu.memory_space<hbm>> -> memref<256x100xi32, #tpu.memory_space<hbm>>
      %dma_wait3A_14 = arith.constant 0 : i32
      %dma_wait3A_15 = tpu.memref_slice %arg2[%mul3A_4, %dma_wait3A_14] : memref<8192x100xi32, #tpu.memory_space<hbm>> -> memref<256x100xi32, #tpu.memory_space<hbm>>
      tpu.wait_dma2 semaphore(%run_scoped3A : memref<!tpu.dma_semaphore, #tpu.memory_space<semaphore_mem>>) src(%dma_wait3A_15 : memref<256x100xi32, #tpu.memory_space<hbm>>) dst(%arg8 : memref<256x100xi32, #tpu.memory_space<vmem>>)
      tpu.yield
    }) : () -> ()
    %scan3A = arith.constant 0 : i32
    %scan3A_5 = arith.constant 0 : i32
    %scan3A_6 = arith.constant 128 : i32
    %scan3A_7 = arith.addi %scan3A_5, %scan3A_6 : i32
    %scan3A_8 = arith.constant 1 : i32
    scf.for %scan3A_10 = %scan3A_5 to %scan3A_7 step %scan3A_8  : i32 {
      %mul3A_11 = arith.constant 2 : i32
      %mul3A_12 = arith.muli %mul3A_11, %scan3A_10 : i32
      %dma_start3A = arith.constant 0 : i32
      %dma_start3A_13 = arith.constant 0 : i32
      %dma_start3A_14 = tpu.memref_slice %arg10[%dma_start3A, %dma_start3A_13] : memref<200x128xf32, #tpu.memory_space<vmem>> -> memref<100x128xf32, #tpu.memory_space<vmem>>
      %dma_start3A_15 = arith.constant 0 : i32
      %dma_start3A_16 = tpu.memref_slice %arg8[%mul3A_12, %dma_start3A_15] : memref<256x100xi32, #tpu.memory_space<vmem>> -> memref<1x100xi32, #tpu.memory_space<vmem>>
      %dma_start3A_17 = tpu.memref_squeeze %dma_start3A_16 : memref<1x100xi32, #tpu.memory_space<vmem>> -> memref<100xi32, #tpu.memory_space<vmem>>
      %dma_start3A_18 = arith.constant 0 : i32
      %dma_start3A_19 = arith.constant 0 : i32
      %dma_start3A_20 = tpu.memref_slice %arg4[%dma_start3A_18, %dma_start3A_19] : memref<500000x128xf32, #tpu.memory_space<hbm>> -> memref<500000x128xf32, #tpu.memory_space<hbm>>
      tpu.enqueue_indirect_dma source(%dma_start3A_20 : memref<500000x128xf32, #tpu.memory_space<hbm>>) target(%dma_start3A_14 : memref<100x128xf32, #tpu.memory_space<vmem>>) offsets(%dma_start3A_17 : memref<100xi32, #tpu.memory_space<vmem>>) semaphore(%arg12 : memref<!tpu.dma_semaphore, #tpu.memory_space<semaphore_mem>>)
      %mul3A_21 = arith.constant 2 : i32
      %mul3A_22 = arith.muli %mul3A_21, %scan3A_10 : i32
      %add3A_23 = arith.constant 1 : i32
      %add3A_24 = arith.addi %mul3A_22, %add3A_23 : i32
      %dma_start3A_25 = arith.constant 100 : i32
      %dma_start3A_26 = arith.constant 0 : i32
      %dma_start3A_27 = tpu.memref_slice %arg10[%dma_start3A_25, %dma_start3A_26] : memref<200x128xf32, #tpu.memory_space<vmem>> -> memref<100x128xf32, #tpu.memory_space<vmem>>
      %dma_start3A_28 = arith.constant 0 : i32
      %dma_start3A_29 = tpu.memref_slice %arg8[%add3A_24, %dma_start3A_28] : memref<256x100xi32, #tpu.memory_space<vmem>> -> memref<1x100xi32, #tpu.memory_space<vmem>>
      %dma_start3A_30 = tpu.memref_squeeze %dma_start3A_29 : memref<1x100xi32, #tpu.memory_space<vmem>> -> memref<100xi32, #tpu.memory_space<vmem>>
      %dma_start3A_31 = arith.constant 0 : i32
      %dma_start3A_32 = arith.constant 0 : i32
      %dma_start3A_33 = tpu.memref_slice %arg4[%dma_start3A_31, %dma_start3A_32] : memref<500000x128xf32, #tpu.memory_space<hbm>> -> memref<500000x128xf32, #tpu.memory_space<hbm>>
      tpu.enqueue_indirect_dma source(%dma_start3A_33 : memref<500000x128xf32, #tpu.memory_space<hbm>>) target(%dma_start3A_27 : memref<100x128xf32, #tpu.memory_space<vmem>>) offsets(%dma_start3A_30 : memref<100xi32, #tpu.memory_space<vmem>>) semaphore(%arg12 : memref<!tpu.dma_semaphore, #tpu.memory_space<semaphore_mem>>)
      %add3A_34 = arith.addi %mul3A_2, %scan3A_10 : i32
      %dma_start3A_35 = arith.constant 0 : i32
      %dma_start3A_36 = tpu.memref_slice %arg3[%add3A_34, %dma_start3A_35] : memref<4096x200xi32, #tpu.memory_space<hbm>> -> memref<1x200xi32, #tpu.memory_space<hbm>>
      %dma_start3A_37 = arith.constant 0 : i32
      %dma_start3A_38 = tpu.memref_slice %arg3[%add3A_34, %dma_start3A_37] : memref<4096x200xi32, #tpu.memory_space<hbm>> -> memref<1x200xi32, #tpu.memory_space<hbm>>
      tpu.enqueue_dma source(%dma_start3A_38 : memref<1x200xi32, #tpu.memory_space<hbm>>) target(%arg9 : memref<1x200xi32, #tpu.memory_space<vmem>>) target_semaphore(%arg12 : memref<!tpu.dma_semaphore, #tpu.memory_space<semaphore_mem>>)
      %dma_wait3A = arith.constant 0 : i32
      %dma_wait3A_39 = arith.constant 0 : i32
      %dma_wait3A_40 = tpu.memref_slice %arg10[%dma_wait3A, %dma_wait3A_39] : memref<200x128xf32, #tpu.memory_space<vmem>> -> memref<100x128xf32, #tpu.memory_space<vmem>>
      %dma_wait3A_41 = arith.constant 0 : i32
      %dma_wait3A_42 = tpu.memref_slice %arg8[%mul3A_12, %dma_wait3A_41] : memref<256x100xi32, #tpu.memory_space<vmem>> -> memref<1x100xi32, #tpu.memory_space<vmem>>
      %dma_wait3A_43 = tpu.memref_squeeze %dma_wait3A_42 : memref<1x100xi32, #tpu.memory_space<vmem>> -> memref<100xi32, #tpu.memory_space<vmem>>
      %dma_wait3A_44 = arith.constant 0 : i32
      %dma_wait3A_45 = arith.constant 0 : i32
      %dma_wait3A_46 = tpu.memref_slice %arg4[%dma_wait3A_44, %dma_wait3A_45] : memref<500000x128xf32, #tpu.memory_space<hbm>> -> memref<500000x128xf32, #tpu.memory_space<hbm>>
      tpu.wait_indirect_dma semaphore(%arg12 : memref<!tpu.dma_semaphore, #tpu.memory_space<semaphore_mem>>) src(%dma_wait3A_46 : memref<500000x128xf32, #tpu.memory_space<hbm>>) dst(%dma_wait3A_40 : memref<100x128xf32, #tpu.memory_space<vmem>>)
      %dma_wait3A_47 = arith.constant 100 : i32
      %dma_wait3A_48 = arith.constant 0 : i32
      %dma_wait3A_49 = tpu.memref_slice %arg10[%dma_wait3A_47, %dma_wait3A_48] : memref<200x128xf32, #tpu.memory_space<vmem>> -> memref<100x128xf32, #tpu.memory_space<vmem>>
      %dma_wait3A_50 = arith.constant 0 : i32
      %dma_wait3A_51 = tpu.memref_slice %arg8[%add3A_24, %dma_wait3A_50] : memref<256x100xi32, #tpu.memory_space<vmem>> -> memref<1x100xi32, #tpu.memory_space<vmem>>
      %dma_wait3A_52 = tpu.memref_squeeze %dma_wait3A_51 : memref<1x100xi32, #tpu.memory_space<vmem>> -> memref<100xi32, #tpu.memory_space<vmem>>
      %dma_wait3A_53 = arith.constant 0 : i32
      %dma_wait3A_54 = arith.constant 0 : i32
      %dma_wait3A_55 = tpu.memref_slice %arg4[%dma_wait3A_53, %dma_wait3A_54] : memref<500000x128xf32, #tpu.memory_space<hbm>> -> memref<500000x128xf32, #tpu.memory_space<hbm>>
      tpu.wait_indirect_dma semaphore(%arg12 : memref<!tpu.dma_semaphore, #tpu.memory_space<semaphore_mem>>) src(%dma_wait3A_55 : memref<500000x128xf32, #tpu.memory_space<hbm>>) dst(%dma_wait3A_49 : memref<100x128xf32, #tpu.memory_space<vmem>>)
      %dma_wait3A_56 = arith.constant 0 : i32
      %dma_wait3A_57 = tpu.memref_slice %arg3[%add3A_34, %dma_wait3A_56] : memref<4096x200xi32, #tpu.memory_space<hbm>> -> memref<1x200xi32, #tpu.memory_space<hbm>>
      %dma_wait3A_58 = arith.constant 0 : i32
      %dma_wait3A_59 = tpu.memref_slice %arg3[%add3A_34, %dma_wait3A_58] : memref<4096x200xi32, #tpu.memory_space<hbm>> -> memref<1x200xi32, #tpu.memory_space<hbm>>
      tpu.wait_dma2 semaphore(%arg12 : memref<!tpu.dma_semaphore, #tpu.memory_space<semaphore_mem>>) src(%dma_wait3A_59 : memref<1x200xi32, #tpu.memory_space<hbm>>) dst(%arg9 : memref<1x200xi32, #tpu.memory_space<vmem>>)
      %scan3A_60 = arith.constant 0 : i32
      %scan3A_61 = arith.constant 0 : i32
      %scan3A_62 = arith.constant 12 : i32
      %scan3A_63 = arith.addi %scan3A_61, %scan3A_62 : i32
      %scan3A_64 = arith.constant 1 : i32
      scf.for %scan3A_692 = %scan3A_61 to %scan3A_63 step %scan3A_64  : i32 {
        %mul3A_693 = arith.constant 16 : i32
        %mul3A_694 = arith.muli %scan3A_692, %mul3A_693 : i32
        %get3A_695 = arith.constant 0 : i32
        %get3A_696 = arith.index_cast %get3A_695 : i32 to index
        %get3A_697 = arith.index_cast %mul3A_694 : i32 to index
        %get3A_698 = tpu.vector_load %arg9[%get3A_696, %get3A_697] {strides = array<i32>} : memref<1x200xi32, #tpu.memory_space<vmem>>, vector<1x16xi32>,
        %get3A_699 = vector.shape_cast %get3A_698 : vector<1x16xi32> to vector<16xi32>
        %mul3A_700 = arith.constant 16 : i32
        %mul3A_701 = arith.muli %scan3A_692, %mul3A_700 : i32
        %add3A_702 = arith.constant 0 : i32
        %add3A_703 = arith.addi %mul3A_701, %add3A_702 : i32
        %slice3A_704 = vector.extract_strided_slice %get3A_699 {offsets = [0], sizes = [1], strides = [1]} : vector<16xi32> to vector<1xi32>
        %squeeze3A_705 = vector.extract %slice3A_704[0] : i32 from vector<1xi32>
        %add3A_706 = arith.constant 0 : i32
        %add3A_707 = arith.addi %squeeze3A_705, %add3A_706 : i32
        %get3A_708 = arith.index_cast %add3A_703 : i32 to index
        %get3A_709 = arith.index_cast %add3A_707 : i32 to index
        %get3A_710 = tpu.vector_load %arg10[%get3A_708, %get3A_709] {strides = array<i32>} : memref<200x128xf32, #tpu.memory_space<vmem>>, vector<1x16xf32>,
        %get3A_711 = vector.shape_cast %get3A_710 : vector<1x16xf32> to vector<16xf32>
        %get3A_712 = arith.index_cast %add3A_703 : i32 to index
        %get3A_713 = arith.constant 0 : index
        %get3A_714 = tpu.vector_load %arg7[%get3A_712, %get3A_713] {strides = array<i32>} : memref<200x64xf32, #tpu.memory_space<vmem>>, vector<1x16xf32>,
        %get3A_715 = vector.shape_cast %get3A_714 : vector<1x16xf32> to vector<16xf32>
        %add3A_716 = arith.addf %get3A_711, %get3A_715 : vector<16xf32>
        %swap3A_717 = arith.index_cast %add3A_703 : i32 to index
        %swap3A_718 = arith.constant 0 : index
        %swap3A_719 = tpu.vector_load %arg11[%swap3A_717, %swap3A_718] {strides = array<i32>} : memref<200x64xf32, #tpu.memory_space<vmem>>, vector<1x16xf32>,
        %swap3A_720 = vector.shape_cast %swap3A_719 : vector<1x16xf32> to vector<16xf32>
        %swap3A_721 = vector.shape_cast %add3A_716 : vector<16xf32> to vector<1x16xf32>
        tpu.vector_store %arg11[%swap3A_717, %swap3A_718], %swap3A_721 {strides = array<i32>} : memref<200x64xf32, #tpu.memory_space<vmem>>, vector<1x16xf32>,
        %add3A_722 = arith.constant 16 : i32
        %add3A_723 = arith.addi %squeeze3A_705, %add3A_722 : i32
        %get3A_724 = arith.index_cast %add3A_703 : i32 to index
        %get3A_725 = arith.index_cast %add3A_723 : i32 to index
        %get3A_726 = tpu.vector_load %arg10[%get3A_724, %get3A_725] {strides = array<i32>} : memref<200x128xf32, #tpu.memory_space<vmem>>, vector<1x16xf32>,
        %get3A_727 = vector.shape_cast %get3A_726 : vector<1x16xf32> to vector<16xf32>
        %get3A_728 = arith.index_cast %add3A_703 : i32 to index
        %get3A_729 = arith.constant 16 : index
        %get3A_730 = tpu.vector_load %arg7[%get3A_728, %get3A_729] {strides = array<i32>} : memref<200x64xf32, #tpu.memory_space<vmem>>, vector<1x16xf32>,
        %get3A_731 = vector.shape_cast %get3A_730 : vector<1x16xf32> to vector<16xf32>
        %add3A_732 = arith.addf %get3A_727, %get3A_731 : vector<16xf32>
        %swap3A_733 = arith.index_cast %add3A_703 : i32 to index
        %swap3A_734 = arith.constant 16 : index
        %swap3A_735 = tpu.vector_load %arg11[%swap3A_733, %swap3A_734] {strides = array<i32>} : memref<200x64xf32, #tpu.memory_space<vmem>>, vector<1x16xf32>,
        %swap3A_736 = vector.shape_cast %swap3A_735 : vector<1x16xf32> to vector<16xf32>
        %swap3A_737 = vector.shape_cast %add3A_732 : vector<16xf32> to vector<1x16xf32>
        tpu.vector_store %arg11[%swap3A_733, %swap3A_734], %swap3A_737 {strides = array<i32>} : memref<200x64xf32, #tpu.memory_space<vmem>>, vector<1x16xf32>,
        %add3A_738 = arith.constant 32 : i32
        %add3A_739 = arith.addi %squeeze3A_705, %add3A_738 : i32
        %get3A_740 = arith.index_cast %add3A_703 : i32 to index
        %get3A_741 = arith.index_cast %add3A_739 : i32 to index
        %get3A_742 = tpu.vector_load %arg10[%get3A_740, %get3A_741] {strides = array<i32>} : memref<200x128xf32, #tpu.memory_space<vmem>>, vector<1x16xf32>,
        %get3A_743 = vector.shape_cast %get3A_742 : vector<1x16xf32> to vector<16xf32>
        %get3A_744 = arith.index_cast %add3A_703 : i32 to index
        %get3A_745 = arith.constant 32 : index
        %get3A_746 = tpu.vector_load %arg7[%get3A_744, %get3A_745] {strides = array<i32>} : memref<200x64xf32, #tpu.memory_space<vmem>>, vector<1x16xf32>,
        %get3A_747 = vector.shape_cast %get3A_746 : vector<1x16xf32> to vector<16xf32>
        %add3A_748 = arith.addf %get3A_743, %get3A_747 : vector<16xf32>
        %swap3A_749 = arith.index_cast %add3A_703 : i32 to index
        %swap3A_750 = arith.constant 32 : index
        %swap3A_751 = tpu.vector_load %arg11[%swap3A_749, %swap3A_750] {strides = array<i32>} : memref<200x64xf32, #tpu.memory_space<vmem>>, vector<1x16xf32>,
        %swap3A_752 = vector.shape_cast %swap3A_751 : vector<1x16xf32> to vector<16xf32>
        %swap3A_753 = vector.shape_cast %add3A_748 : vector<16xf32> to vector<1x16xf32>
        tpu.vector_store %arg11[%swap3A_749, %swap3A_750], %swap3A_753 {strides = array<i32>} : memref<200x64xf32, #tpu.memory_space<vmem>>, vector<1x16xf32>,
        %add3A_754 = arith.constant 48 : i32
        %add3A_755 = arith.addi %squeeze3A_705, %add3A_754 : i32
        %get3A_756 = arith.index_cast %add3A_703 : i32 to index
        %get3A_757 = arith.index_cast %add3A_755 : i32 to index
        %get3A_758 = tpu.vector_load %arg10[%get3A_756, %get3A_757] {strides = array<i32>} : memref<200x128xf32, #tpu.memory_space<vmem>>, vector<1x16xf32>,
        %get3A_759 = vector.shape_cast %get3A_758 : vector<1x16xf32> to vector<16xf32>
        %get3A_760 = arith.index_cast %add3A_703 : i32 to index
        %get3A_761 = arith.constant 48 : index
        %get3A_762 = tpu.vector_load %arg7[%get3A_760, %get3A_761] {strides = array<i32>} : memref<200x64xf32, #tpu.memory_space<vmem>>, vector<1x16xf32>,
        %get3A_763 = vector.shape_cast %get3A_762 : vector<1x16xf32> to vector<16xf32>
        %add3A_764 = arith.addf %get3A_759, %get3A_763 : vector<16xf32>
        %swap3A_765 = arith.index_cast %add3A_703 : i32 to index
        %swap3A_766 = arith.constant 48 : index
        %swap3A_767 = tpu.vector_load %arg11[%swap3A_765, %swap3A_766] {strides = array<i32>} : memref<200x64xf32, #tpu.memory_space<vmem>>, vector<1x16xf32>,
        %swap3A_768 = vector.shape_cast %swap3A_767 : vector<1x16xf32> to vector<16xf32>
        %swap3A_769 = vector.shape_cast %add3A_764 : vector<16xf32> to vector<1x16xf32>
        tpu.vector_store %arg11[%swap3A_765, %swap3A_766], %swap3A_769 {strides = array<i32>} : memref<200x64xf32, #tpu.memory_space<vmem>>, vector<1x16xf32>,
        %mul3A_770 = arith.constant 16 : i32
        %mul3A_771 = arith.muli %scan3A_692, %mul3A_770 : i32
        %add3A_772 = arith.constant 1 : i32
        %add3A_773 = arith.addi %mul3A_771, %add3A_772 : i32
        %slice3A_774 = vector.extract_strided_slice %get3A_699 {offsets = [1], sizes = [1], strides = [1]} : vector<16xi32> to vector<1xi32>
        %squeeze3A_775 = vector.extract %slice3A_774[0] : i32 from vector<1xi32>
        %add3A_776 = arith.constant 0 : i32
        %add3A_777 = arith.addi %squeeze3A_775, %add3A_776 : i32
        %get3A_778 = arith.index_cast %add3A_773 : i32 to index
        %get3A_779 = arith.index_cast %add3A_777 : i32 to index
        %get3A_780 = tpu.vector_load %arg10[%get3A_778, %get3A_779] {strides = array<i32>} : memref<200x128xf32, #tpu.memory_space<vmem>>, vector<1x16xf32>,
        %get3A_781 = vector.shape_cast %get3A_780 : vector<1x16xf32> to vector<16xf32>
        %get3A_782 = arith.index_cast %add3A_773 : i32 to index
        %get3A_783 = arith.constant 0 : index
        %get3A_784 = tpu.vector_load %arg7[%get3A_782, %get3A_783] {strides = array<i32>} : memref<200x64xf32, #tpu.memory_space<vmem>>, vector<1x16xf32>,
        %get3A_785 = vector.shape_cast %get3A_784 : vector<1x16xf32> to vector<16xf32>
        %add3A_786 = arith.addf %get3A_781, %get3A_785 : vector<16xf32>
        %swap3A_787 = arith.index_cast %add3A_773 : i32 to index
        %swap3A_788 = arith.constant 0 : index
        %swap3A_789 = tpu.vector_load %arg11[%swap3A_787, %swap3A_788] {strides = array<i32>} : memref<200x64xf32, #tpu.memory_space<vmem>>, vector<1x16xf32>,
        %swap3A_790 = vector.shape_cast %swap3A_789 : vector<1x16xf32> to vector<16xf32>
        %swap3A_791 = vector.shape_cast %add3A_786 : vector<16xf32> to vector<1x16xf32>
        tpu.vector_store %arg11[%swap3A_787, %swap3A_788], %swap3A_791 {strides = array<i32>} : memref<200x64xf32, #tpu.memory_space<vmem>>, vector<1x16xf32>,
        %add3A_792 = arith.constant 16 : i32
        %add3A_793 = arith.addi %squeeze3A_775, %add3A_792 : i32
        %get3A_794 = arith.index_cast %add3A_773 : i32 to index
        %get3A_795 = arith.index_cast %add3A_793 : i32 to index
        %get3A_796 = tpu.vector_load %arg10[%get3A_794, %get3A_795] {strides = array<i32>} : memref<200x128xf32, #tpu.memory_space<vmem>>, vector<1x16xf32>,
        %get3A_797 = vector.shape_cast %get3A_796 : vector<1x16xf32> to vector<16xf32>
        %get3A_798 = arith.index_cast %add3A_773 : i32 to index
        %get3A_799 = arith.constant 16 : index
        %get3A_800 = tpu.vector_load %arg7[%get3A_798, %get3A_799] {strides = array<i32>} : memref<200x64xf32, #tpu.memory_space<vmem>>, vector<1x16xf32>,
        %get3A_801 = vector.shape_cast %get3A_800 : vector<1x16xf32> to vector<16xf32>
        %add3A_802 = arith.addf %get3A_797, %get3A_801 : vector<16xf32>
        %swap3A_803 = arith.index_cast %add3A_773 : i32 to index
        %swap3A_804 = arith.constant 16 : index
        %swap3A_805 = tpu.vector_load %arg11[%swap3A_803, %swap3A_804] {strides = array<i32>} : memref<200x64xf32, #tpu.memory_space<vmem>>, vector<1x16xf32>,
        %swap3A_806 = vector.shape_cast %swap3A_805 : vector<1x16xf32> to vector<16xf32>
        %swap3A_807 = vector.shape_cast %add3A_802 : vector<16xf32> to vector<1x16xf32>
        tpu.vector_store %arg11[%swap3A_803, %swap3A_804], %swap3A_807 {strides = array<i32>} : memref<200x64xf32, #tpu.memory_space<vmem>>, vector<1x16xf32>,
        %add3A_808 = arith.constant 32 : i32
        %add3A_809 = arith.addi %squeeze3A_775, %add3A_808 : i32
        %get3A_810 = arith.index_cast %add3A_773 : i32 to index
        %get3A_811 = arith.index_cast %add3A_809 : i32 to index
        %get3A_812 = tpu.vector_load %arg10[%get3A_810, %get3A_811] {strides = array<i32>} : memref<200x128xf32, #tpu.memory_space<vmem>>, vector<1x16xf32>,
        %get3A_813 = vector.shape_cast %get3A_812 : vector<1x16xf32> to vector<16xf32>
        %get3A_814 = arith.index_cast %add3A_773 : i32 to index
        %get3A_815 = arith.constant 32 : index
        %get3A_816 = tpu.vector_load %arg7[%get3A_814, %get3A_815] {strides = array<i32>} : memref<200x64xf32, #tpu.memory_space<vmem>>, vector<1x16xf32>,
        %get3A_817 = vector.shape_cast %get3A_816 : vector<1x16xf32> to vector<16xf32>
        %add3A_818 = arith.addf %get3A_813, %get3A_817 : vector<16xf32>
        %swap3A_819 = arith.index_cast %add3A_773 : i32 to index
        %swap3A_820 = arith.constant 32 : index
        %swap3A_821 = tpu.vector_load %arg11[%swap3A_819, %swap3A_820] {strides = array<i32>} : memref<200x64xf32, #tpu.memory_space<vmem>>, vector<1x16xf32>,
        %swap3A_822 = vector.shape_cast %swap3A_821 : vector<1x16xf32> to vector<16xf32>
        %swap3A_823 = vector.shape_cast %add3A_818 : vector<16xf32> to vector<1x16xf32>
        tpu.vector_store %arg11[%swap3A_819, %swap3A_820], %swap3A_823 {strides = array<i32>} : memref<200x64xf32, #tpu.memory_space<vmem>>, vector<1x16xf32>,
        %add3A_824 = arith.constant 48 : i32
        %add3A_825 = arith.addi %squeeze3A_775, %add3A_824 : i32
        %get3A_826 = arith.index_cast %add3A_773 : i32 to index
        %get3A_827 = arith.index_cast %add3A_825 : i32 to index
        %get3A_828 = tpu.vector_load %arg10[%get3A_826, %get3A_827] {strides = array<i32>} : memref<200x128xf32, #tpu.memory_space<vmem>>, vector<1x16xf32>,
        %get3A_829 = vector.shape_cast %get3A_828 : vector<1x16xf32> to vector<16xf32>
        %get3A_830 = arith.index_cast %add3A_773 : i32 to index
        %get3A_831 = arith.constant 48 : index
        %get3A_832 = tpu.vector_load %arg7[%get3A_830, %get3A_831] {strides = array<i32>} : memref<200x64xf32, #tpu.memory_space<vmem>>, vector<1x16xf32>,
        %get3A_833 = vector.shape_cast %get3A_832 : vector<1x16xf32> to vector<16xf32>
        %add3A_834 = arith.addf %get3A_829, %get3A_833 : vector<16xf32>
        %swap3A_835 = arith.index_cast %add3A_773 : i32 to index
        %swap3A_836 = arith.constant 48 : index
        %swap3A_837 = tpu.vector_load %arg11[%swap3A_835, %swap3A_836] {strides = array<i32>} : memref<200x64xf32, #tpu.memory_space<vmem>>, vector<1x16xf32>,
        %swap3A_838 = vector.shape_cast %swap3A_837 : vector<1x16xf32> to vector<16xf32>
        %swap3A_839 = vector.shape_cast %add3A_834 : vector<16xf32> to vector<1x16xf32>
        tpu.vector_store %arg11[%swap3A_835, %swap3A_836], %swap3A_839 {strides = array<i32>} : memref<200x64xf32, #tpu.memory_space<vmem>>, vector<1x16xf32>,
        %mul3A_840 = arith.constant 16 : i32
        %mul3A_841 = arith.muli %scan3A_692, %mul3A_840 : i32
        %add3A_842 = arith.constant 2 : i32
        %add3A_843 = arith.addi %mul3A_841, %add3A_842 : i32
        %slice3A_844 = vector.extract_strided_slice %get3A_699 {offsets = [2], sizes = [1], strides = [1]} : vector<16xi32> to vector<1xi32>
        %squeeze3A_845 = vector.extract %slice3A_844[0] : i32 from vector<1xi32>
        %add3A_846 = arith.constant 0 : i32
        %add3A_847 = arith.addi %squeeze3A_845, %add3A_846 : i32
        %get3A_848 = arith.index_cast %add3A_843 : i32 to index
        %get3A_849 = arith.index_cast %add3A_847 : i32 to index
        %get3A_850 = tpu.vector_load %arg10[%get3A_848, %get3A_849] {strides = array<i32>} : memref<200x128xf32, #tpu.memory_space<vmem>>, vector<1x16xf32>,
        %get3A_851 = vector.shape_cast %get3A_850 : vector<1x16xf32> to vector<16xf32>
        %get3A_852 = arith.index_cast %add3A_843 : i32 to index
        %get3A_853 = arith.constant 0 : index
        %get3A_854 = tpu.vector_load %arg7[%get3A_852, %get3A_853] {strides = array<i32>} : memref<200x64xf32, #tpu.memory_space<vmem>>, vector<1x16xf32>,
        %get3A_855 = vector.shape_cast %get3A_854 : vector<1x16xf32> to vector<16xf32>
        %add3A_856 = arith.addf %get3A_851, %get3A_855 : vector<16xf32>
        %swap3A_857 = arith.index_cast %add3A_843 : i32 to index
        %swap3A_858 = arith.constant 0 : index
        %swap3A_859 = tpu.vector_load %arg11[%swap3A_857, %swap3A_858] {strides = array<i32>} : memref<200x64xf32, #tpu.memory_space<vmem>>, vector<1x16xf32>,
        %swap3A_860 = vector.shape_cast %swap3A_859 : vector<1x16xf32> to vector<16xf32>
        %swap3A_861 = vector.shape_cast %add3A_856 : vector<16xf32> to vector<1x16xf32>
        tpu.vector_store %arg11[%swap3A_857, %swap3A_858], %swap3A_861 {strides = array<i32>} : memref<200x64xf32, #tpu.memory_space<vmem>>, vector<1x16xf32>,
        %add3A_862 = arith.constant 16 : i32
        %add3A_863 = arith.addi %squeeze3A_845, %add3A_862 : i32
        %get3A_864 = arith.index_cast %add3A_843 : i32 to index
        %get3A_865 = arith.index_cast %add3A_863 : i32 to index
        %get3A_866 = tpu.vector_load %arg10[%get3A_864, %get3A_865] {strides = array<i32>} : memref<200x128xf32, #tpu.memory_space<vmem>>, vector<1x16xf32>,
        %get3A_867 = vector.shape_cast %get3A_866 : vector<1x16xf32> to vector<16xf32>
        %get3A_868 = arith.index_cast %add3A_843 : i32 to index
        %get3A_869 = arith.constant 16 : index
        %get3A_870 = tpu.vector_load %arg7[%get3A_868, %get3A_869] {strides = array<i32>} : memref<200x64xf32, #tpu.memory_space<vmem>>, vector<1x16xf32>,
        %get3A_871 = vector.shape_cast %get3A_870 : vector<1x16xf32> to vector<16xf32>
        %add3A_872 = arith.addf %get3A_867, %get3A_871 : vector<16xf32>
        %swap3A_873 = arith.index_cast %add3A_843 : i32 to index
        %swap3A_874 = arith.constant 16 : index
        %swap3A_875 = tpu.vector_load %arg11[%swap3A_873, %swap3A_874] {strides = array<i32>} : memref<200x64xf32, #tpu.memory_space<vmem>>, vector<1x16xf32>,
        %swap3A_876 = vector.shape_cast %swap3A_875 : vector<1x16xf32> to vector<16xf32>
        %swap3A_877 = vector.shape_cast %add3A_872 : vector<16xf32> to vector<1x16xf32>
        tpu.vector_store %arg11[%swap3A_873, %swap3A_874], %swap3A_877 {strides = array<i32>} : memref<200x64xf32, #tpu.memory_space<vmem>>, vector<1x16xf32>,
        %add3A_878 = arith.constant 32 : i32
        %add3A_879 = arith.addi %squeeze3A_845, %add3A_878 : i32
        %get3A_880 = arith.index_cast %add3A_843 : i32 to index
        %get3A_881 = arith.index_cast %add3A_879 : i32 to index
        %get3A_882 = tpu.vector_load %arg10[%get3A_880, %get3A_881] {strides = array<i32>} : memref<200x128xf32, #tpu.memory_space<vmem>>, vector<1x16xf32>,
        %get3A_883 = vector.shape_cast %get3A_882 : vector<1x16xf32> to vector<16xf32>
        %get3A_884 = arith.index_cast %add3A_843 : i32 to index
        %get3A_885 = arith.constant 32 : index
        %get3A_886 = tpu.vector_load %arg7[%get3A_884, %get3A_885] {strides = array<i32>} : memref<200x64xf32, #tpu.memory_space<vmem>>, vector<1x16xf32>,
        %get3A_887 = vector.shape_cast %get3A_886 : vector<1x16xf32> to vector<16xf32>
        %add3A_888 = arith.addf %get3A_883, %get3A_887 : vector<16xf32>
        %swap3A_889 = arith.index_cast %add3A_843 : i32 to index
        %swap3A_890 = arith.constant 32 : index
        %swap3A_891 = tpu.vector_load %arg11[%swap3A_889, %swap3A_890] {strides = array<i32>} : memref<200x64xf32, #tpu.memory_space<vmem>>, vector<1x16xf32>,
        %swap3A_892 = vector.shape_cast %swap3A_891 : vector<1x16xf32> to vector<16xf32>
        %swap3A_893 = vector.shape_cast %add3A_888 : vector<16xf32> to vector<1x16xf32>
        tpu.vector_store %arg11[%swap3A_889, %swap3A_890], %swap3A_893 {strides = array<i32>} : memref<200x64xf32, #tpu.memory_space<vmem>>, vector<1x16xf32>,
        %add3A_894 = arith.constant 48 : i32
        %add3A_895 = arith.addi %squeeze3A_845, %add3A_894 : i32
        %get3A_896 = arith.index_cast %add3A_843 : i32 to index
        %get3A_897 = arith.index_cast %add3A_895 : i32 to index
        %get3A_898 = tpu.vector_load %arg10[%get3A_896, %get3A_897] {strides = array<i32>} : memref<200x128xf32, #tpu.memory_space<vmem>>, vector<1x16xf32>,
        %get3A_899 = vector.shape_cast %get3A_898 : vector<1x16xf32> to vector<16xf32>
        %get3A_900 = arith.index_cast %add3A_843 : i32 to index
        %get3A_901 = arith.constant 48 : index
        %get3A_902 = tpu.vector_load %arg7[%get3A_900, %get3A_901] {strides = array<i32>} : memref<200x64xf32, #tpu.memory_space<vmem>>, vector<1x16xf32>,
        %get3A_903 = vector.shape_cast %get3A_902 : vector<1x16xf32> to vector<16xf32>
        %add3A_904 = arith.addf %get3A_899, %get3A_903 : vector<16xf32>
        %swap3A_905 = arith.index_cast %add3A_843 : i32 to index
        %swap3A_906 = arith.constant 48 : index
        %swap3A_907 = tpu.vector_load %arg11[%swap3A_905, %swap3A_906] {strides = array<i32>} : memref<200x64xf32, #tpu.memory_space<vmem>>, vector<1x16xf32>,
        %swap3A_908 = vector.shape_cast %swap3A_907 : vector<1x16xf32> to vector<16xf32>
        %swap3A_909 = vector.shape_cast %add3A_904 : vector<16xf32> to vector<1x16xf32>
        tpu.vector_store %arg11[%swap3A_905, %swap3A_906], %swap3A_909 {strides = array<i32>} : memref<200x64xf32, #tpu.memory_space<vmem>>, vector<1x16xf32>,
        %mul3A_910 = arith.constant 16 : i32
        %mul3A_911 = arith.muli %scan3A_692, %mul3A_910 : i32
        %add3A_912 = arith.constant 3 : i32
        %add3A_913 = arith.addi %mul3A_911, %add3A_912 : i32
        %slice3A_914 = vector.extract_strided_slice %get3A_699 {offsets = [3], sizes = [1], strides = [1]} : vector<16xi32> to vector<1xi32>
        %squeeze3A_915 = vector.extract %slice3A_914[0] : i32 from vector<1xi32>
        %add3A_916 = arith.constant 0 : i32
        %add3A_917 = arith.addi %squeeze3A_915, %add3A_916 : i32
        %get3A_918 = arith.index_cast %add3A_913 : i32 to index
        %get3A_919 = arith.index_cast %add3A_917 : i32 to index
        %get3A_920 = tpu.vector_load %arg10[%get3A_918, %get3A_919] {strides = array<i32>} : memref<200x128xf32, #tpu.memory_space<vmem>>, vector<1x16xf32>,
        %get3A_921 = vector.shape_cast %get3A_920 : vector<1x16xf32> to vector<16xf32>
        %get3A_922 = arith.index_cast %add3A_913 : i32 to index
        %get3A_923 = arith.constant 0 : index
        %get3A_924 = tpu.vector_load %arg7[%get3A_922, %get3A_923] {strides = array<i32>} : memref<200x64xf32, #tpu.memory_space<vmem>>, vector<1x16xf32>,
        %get3A_925 = vector.shape_cast %get3A_924 : vector<1x16xf32> to vector<16xf32>
        %add3A_926 = arith.addf %get3A_921, %get3A_925 : vector<16xf32>
        %swap3A_927 = arith.index_cast %add3A_913 : i32 to index
        %swap3A_928 = arith.constant 0 : index
        %swap3A_929 = tpu.vector_load %arg11[%swap3A_927, %swap3A_928] {strides = array<i32>} : memref<200x64xf32, #tpu.memory_space<vmem>>, vector<1x16xf32>,
        %swap3A_930 = vector.shape_cast %swap3A_929 : vector<1x16xf32> to vector<16xf32>
        %swap3A_931 = vector.shape_cast %add3A_926 : vector<16xf32> to vector<1x16xf32>
        tpu.vector_store %arg11[%swap3A_927, %swap3A_928], %swap3A_931 {strides = array<i32>} : memref<200x64xf32, #tpu.memory_space<vmem>>, vector<1x16xf32>,
        %add3A_932 = arith.constant 16 : i32
        %add3A_933 = arith.addi %squeeze3A_915, %add3A_932 : i32
        %get3A_934 = arith.index_cast %add3A_913 : i32 to index
        %get3A_935 = arith.index_cast %add3A_933 : i32 to index
        %get3A_936 = tpu.vector_load %arg10[%get3A_934, %get3A_935] {strides = array<i32>} : memref<200x128xf32, #tpu.memory_space<vmem>>, vector<1x16xf32>,
        %get3A_937 = vector.shape_cast %get3A_936 : vector<1x16xf32> to vector<16xf32>
        %get3A_938 = arith.index_cast %add3A_913 : i32 to index
        %get3A_939 = arith.constant 16 : index
        %get3A_940 = tpu.vector_load %arg7[%get3A_938, %get3A_939] {strides = array<i32>} : memref<200x64xf32, #tpu.memory_space<vmem>>, vector<1x16xf32>,
        %get3A_941 = vector.shape_cast %get3A_940 : vector<1x16xf32> to vector<16xf32>
        %add3A_942 = arith.addf %get3A_937, %get3A_941 : vector<16xf32>
        %swap3A_943 = arith.index_cast %add3A_913 : i32 to index
        %swap3A_944 = arith.constant 16 : index
        %swap3A_945 = tpu.vector_load %arg11[%swap3A_943, %swap3A_944] {strides = array<i32>} : memref<200x64xf32, #tpu.memory_space<vmem>>, vector<1x16xf32>,
        %swap3A_946 = vector.shape_cast %swap3A_945 : vector<1x16xf32> to vector<16xf32>
        %swap3A_947 = vector.shape_cast %add3A_942 : vector<16xf32> to vector<1x16xf32>
        tpu.vector_store %arg11[%swap3A_943, %swap3A_944], %swap3A_947 {strides = array<i32>} : memref<200x64xf32, #tpu.memory_space<vmem>>, vector<1x16xf32>,
        %add3A_948 = arith.constant 32 : i32
        %add3A_949 = arith.addi %squeeze3A_915, %add3A_948 : i32
        %get3A_950 = arith.index_cast %add3A_913 : i32 to index
        %get3A_951 = arith.index_cast %add3A_949 : i32 to index
        %get3A_952 = tpu.vector_load %arg10[%get3A_950, %get3A_951] {strides = array<i32>} : memref<200x128xf32, #tpu.memory_space<vmem>>, vector<1x16xf32>,
        %get3A_953 = vector.shape_cast %get3A_952 : vector<1x16xf32> to vector<16xf32>
        %get3A_954 = arith.index_cast %add3A_913 : i32 to index
        %get3A_955 = arith.constant 32 : index
        %get3A_956 = tpu.vector_load %arg7[%get3A_954, %get3A_955] {strides = array<i32>} : memref<200x64xf32, #tpu.memory_space<vmem>>, vector<1x16xf32>,
        %get3A_957 = vector.shape_cast %get3A_956 : vector<1x16xf32> to vector<16xf32>
        %add3A_958 = arith.addf %get3A_953, %get3A_957 : vector<16xf32>
        %swap3A_959 = arith.index_cast %add3A_913 : i32 to index
        %swap3A_960 = arith.constant 32 : index
        %swap3A_961 = tpu.vector_load %arg11[%swap3A_959, %swap3A_960] {strides = array<i32>} : memref<200x64xf32, #tpu.memory_space<vmem>>, vector<1x16xf32>,
        %swap3A_962 = vector.shape_cast %swap3A_961 : vector<1x16xf32> to vector<16xf32>
        %swap3A_963 = vector.shape_cast %add3A_958 : vector<16xf32> to vector<1x16xf32>
        tpu.vector_store %arg11[%swap3A_959, %swap3A_960], %swap3A_963 {strides = array<i32>} : memref<200x64xf32, #tpu.memory_space<vmem>>, vector<1x16xf32>,
        %add3A_964 = arith.constant 48 : i32
        %add3A_965 = arith.addi %squeeze3A_915, %add3A_964 : i32
        %get3A_966 = arith.index_cast %add3A_913 : i32 to index
        %get3A_967 = arith.index_cast %add3A_965 : i32 to index
        %get3A_968 = tpu.vector_load %arg10[%get3A_966, %get3A_967] {strides = array<i32>} : memref<200x128xf32, #tpu.memory_space<vmem>>, vector<1x16xf32>,
        %get3A_969 = vector.shape_cast %get3A_968 : vector<1x16xf32> to vector<16xf32>
        %get3A_970 = arith.index_cast %add3A_913 : i32 to index
        %get3A_971 = arith.constant 48 : index
        %get3A_972 = tpu.vector_load %arg7[%get3A_970, %get3A_971] {strides = array<i32>} : memref<200x64xf32, #tpu.memory_space<vmem>>, vector<1x16xf32>,
        %get3A_973 = vector.shape_cast %get3A_972 : vector<1x16xf32> to vector<16xf32>
        %add3A_974 = arith.addf %get3A_969, %get3A_973 : vector<16xf32>
        %swap3A_975 = arith.index_cast %add3A_913 : i32 to index
        %swap3A_976 = arith.constant 48 : index
        %swap3A_977 = tpu.vector_load %arg11[%swap3A_975, %swap3A_976] {strides = array<i32>} : memref<200x64xf32, #tpu.memory_space<vmem>>, vector<1x16xf32>,
        %swap3A_978 = vector.shape_cast %swap3A_977 : vector<1x16xf32> to vector<16xf32>
        %swap3A_979 = vector.shape_cast %add3A_974 : vector<16xf32> to vector<1x16xf32>
        tpu.vector_store %arg11[%swap3A_975, %swap3A_976], %swap3A_979 {strides = array<i32>} : memref<200x64xf32, #tpu.memory_space<vmem>>, vector<1x16xf32>,
        %mul3A_980 = arith.constant 16 : i32
        %mul3A_981 = arith.muli %scan3A_692, %mul3A_980 : i32
        %add3A_982 = arith.constant 4 : i32
        %add3A_983 = arith.addi %mul3A_981, %add3A_982 : i32
        %slice3A_984 = vector.extract_strided_slice %get3A_699 {offsets = [4], sizes = [1], strides = [1]} : vector<16xi32> to vector<1xi32>
        %squeeze3A_985 = vector.extract %slice3A_984[0] : i32 from vector<1xi32>
        %add3A_986 = arith.constant 0 : i32
        %add3A_987 = arith.addi %squeeze3A_985, %add3A_986 : i32
        %get3A_988 = arith.index_cast %add3A_983 : i32 to index
        %get3A_989 = arith.index_cast %add3A_987 : i32 to index
        %get3A_990 = tpu.vector_load %arg10[%get3A_988, %get3A_989] {strides = array<i32>} : memref<200x128xf32, #tpu.memory_space<vmem>>, vector<1x16xf32>,
        %get3A_991 = vector.shape_cast %get3A_990 : vector<1x16xf32> to vector<16xf32>
        %get3A_992 = arith.index_cast %add3A_983 : i32 to index
        %get3A_993 = arith.constant 0 : index
        %get3A_994 = tpu.vector_load %arg7[%get3A_992, %get3A_993] {strides = array<i32>} : memref<200x64xf32, #tpu.memory_space<vmem>>, vector<1x16xf32>,
        %get3A_995 = vector.shape_cast %get3A_994 : vector<1x16xf32> to vector<16xf32>
        %add3A_996 = arith.addf %get3A_991, %get3A_995 : vector<16xf32>
        %swap3A_997 = arith.index_cast %add3A_983 : i32 to index
        %swap3A_998 = arith.constant 0 : index
        %swap3A_999 = tpu.vector_load %arg11[%swap3A_997, %swap3A_998] {strides = array<i32>} : memref<200x64xf32, #tpu.memory_space<vmem>>, vector<1x16xf32>,
        %swap3A_1000 = vector.shape_cast %swap3A_999 : vector<1x16xf32> to vector<16xf32>
        %swap3A_1001 = vector.shape_cast %add3A_996 : vector<16xf32> to vector<1x16xf32>
        tpu.vector_store %arg11[%swap3A_997, %swap3A_998], %swap3A_1001 {strides = array<i32>} : memref<200x64xf32, #tpu.memory_space<vmem>>, vector<1x16xf32>,
        %add3A_1002 = arith.constant 16 : i32
        %add3A_1003 = arith.addi %squeeze3A_985, %add3A_1002 : i32
        %get3A_1004 = arith.index_cast %add3A_983 : i32 to index
        %get3A_1005 = arith.index_cast %add3A_1003 : i32 to index
        %get3A_1006 = tpu.vector_load %arg10[%get3A_1004, %get3A_1005] {strides = array<i32>} : memref<200x128xf32, #tpu.memory_space<vmem>>, vector<1x16xf32>,
        %get3A_1007 = vector.shape_cast %get3A_1006 : vector<1x16xf32> to vector<16xf32>
        %get3A_1008 = arith.index_cast %add3A_983 : i32 to index
        %get3A_1009 = arith.constant 16 : index
        %get3A_1010 = tpu.vector_load %arg7[%get3A_1008, %get3A_1009] {strides = array<i32>} : memref<200x64xf32, #tpu.memory_space<vmem>>, vector<1x16xf32>,
        %get3A_1011 = vector.shape_cast %get3A_1010 : vector<1x16xf32> to vector<16xf32>
        %add3A_1012 = arith.addf %get3A_1007, %get3A_1011 : vector<16xf32>
        %swap3A_1013 = arith.index_cast %add3A_983 : i32 to index
        %swap3A_1014 = arith.constant 16 : index
        %swap3A_1015 = tpu.vector_load %arg11[%swap3A_1013, %swap3A_1014] {strides = array<i32>} : memref<200x64xf32, #tpu.memory_space<vmem>>, vector<1x16xf32>,
        %swap3A_1016 = vector.shape_cast %swap3A_1015 : vector<1x16xf32> to vector<16xf32>
        %swap3A_1017 = vector.shape_cast %add3A_1012 : vector<16xf32> to vector<1x16xf32>
        tpu.vector_store %arg11[%swap3A_1013, %swap3A_1014], %swap3A_1017 {strides = array<i32>} : memref<200x64xf32, #tpu.memory_space<vmem>>, vector<1x16xf32>,
        %add3A_1018 = arith.constant 32 : i32
        %add3A_1019 = arith.addi %squeeze3A_985, %add3A_1018 : i32
        %get3A_1020 = arith.index_cast %add3A_983 : i32 to index
        %get3A_1021 = arith.index_cast %add3A_1019 : i32 to index
        %get3A_1022 = tpu.vector_load %arg10[%get3A_1020, %get3A_1021] {strides = array<i32>} : memref<200x128xf32, #tpu.memory_space<vmem>>, vector<1x16xf32>,
        %get3A_1023 = vector.shape_cast %get3A_1022 : vector<1x16xf32> to vector<16xf32>
        %get3A_1024 = arith.index_cast %add3A_983 : i32 to index
        %get3A_1025 = arith.constant 32 : index
        %get3A_1026 = tpu.vector_load %arg7[%get3A_1024, %get3A_1025] {strides = array<i32>} : memref<200x64xf32, #tpu.memory_space<vmem>>, vector<1x16xf32>,
        %get3A_1027 = vector.shape_cast %get3A_1026 : vector<1x16xf32> to vector<16xf32>
        %add3A_1028 = arith.addf %get3A_1023, %get3A_1027 : vector<16xf32>
        %swap3A_1029 = arith.index_cast %add3A_983 : i32 to index
        %swap3A_1030 = arith.constant 32 : index
        %swap3A_1031 = tpu.vector_load %arg11[%swap3A_1029, %swap3A_1030] {strides = array<i32>} : memref<200x64xf32, #tpu.memory_space<vmem>>, vector<1x16xf32>,
        %swap3A_1032 = vector.shape_cast %swap3A_1031 : vector<1x16xf32> to vector<16xf32>
        %swap3A_1033 = vector.shape_cast %add3A_1028 : vector<16xf32> to vector<1x16xf32>
        tpu.vector_store %arg11[%swap3A_1029, %swap3A_1030], %swap3A_1033 {strides = array<i32>} : memref<200x64xf32, #tpu.memory_space<vmem>>, vector<1x16xf32>,
        %add3A_1034 = arith.constant 48 : i32
        %add3A_1035 = arith.addi %squeeze3A_985, %add3A_1034 : i32
        %get3A_1036 = arith.index_cast %add3A_983 : i32 to index
        %get3A_1037 = arith.index_cast %add3A_1035 : i32 to index
        %get3A_1038 = tpu.vector_load %arg10[%get3A_1036, %get3A_1037] {strides = array<i32>} : memref<200x128xf32, #tpu.memory_space<vmem>>, vector<1x16xf32>,
        %get3A_1039 = vector.shape_cast %get3A_1038 : vector<1x16xf32> to vector<16xf32>
        %get3A_1040 = arith.index_cast %add3A_983 : i32 to index
        %get3A_1041 = arith.constant 48 : index
        %get3A_1042 = tpu.vector_load %arg7[%get3A_1040, %get3A_1041] {strides = array<i32>} : memref<200x64xf32, #tpu.memory_space<vmem>>, vector<1x16xf32>,
        %get3A_1043 = vector.shape_cast %get3A_1042 : vector<1x16xf32> to vector<16xf32>
        %add3A_1044 = arith.addf %get3A_1039, %get3A_1043 : vector<16xf32>
        %swap3A_1045 = arith.index_cast %add3A_983 : i32 to index
        %swap3A_1046 = arith.constant 48 : index
        %swap3A_1047 = tpu.vector_load %arg11[%swap3A_1045, %swap3A_1046] {strides = array<i32>} : memref<200x64xf32, #tpu.memory_space<vmem>>, vector<1x16xf32>,
        %swap3A_1048 = vector.shape_cast %swap3A_1047 : vector<1x16xf32> to vector<16xf32>
        %swap3A_1049 = vector.shape_cast %add3A_1044 : vector<16xf32> to vector<1x16xf32>
        tpu.vector_store %arg11[%swap3A_1045, %swap3A_1046], %swap3A_1049 {strides = array<i32>} : memref<200x64xf32, #tpu.memory_space<vmem>>, vector<1x16xf32>,
        %mul3A_1050 = arith.constant 16 : i32
        %mul3A_1051 = arith.muli %scan3A_692, %mul3A_1050 : i32
        %add3A_1052 = arith.constant 5 : i32
        %add3A_1053 = arith.addi %mul3A_1051, %add3A_1052 : i32
        %slice3A_1054 = vector.extract_strided_slice %get3A_699 {offsets = [5], sizes = [1], strides = [1]} : vector<16xi32> to vector<1xi32>
        %squeeze3A_1055 = vector.extract %slice3A_1054[0] : i32 from vector<1xi32>
        %add3A_1056 = arith.constant 0 : i32
        %add3A_1057 = arith.addi %squeeze3A_1055, %add3A_1056 : i32
        %get3A_1058 = arith.index_cast %add3A_1053 : i32 to index
        %get3A_1059 = arith.index_cast %add3A_1057 : i32 to index
        %get3A_1060 = tpu.vector_load %arg10[%get3A_1058, %get3A_1059] {strides = array<i32>} : memref<200x128xf32, #tpu.memory_space<vmem>>, vector<1x16xf32>,
        %get3A_1061 = vector.shape_cast %get3A_1060 : vector<1x16xf32> to vector<16xf32>
        %get3A_1062 = arith.index_cast %add3A_1053 : i32 to index
        %get3A_1063 = arith.constant 0 : index
        %get3A_1064 = tpu.vector_load %arg7[%get3A_1062, %get3A_1063] {strides = array<i32>} : memref<200x64xf32, #tpu.memory_space<vmem>>, vector<1x16xf32>,
        %get3A_1065 = vector.shape_cast %get3A_1064 : vector<1x16xf32> to vector<16xf32>
        %add3A_1066 = arith.addf %get3A_1061, %get3A_1065 : vector<16xf32>
        %swap3A_1067 = arith.index_cast %add3A_1053 : i32 to index
        %swap3A_1068 = arith.constant 0 : index
        %swap3A_1069 = tpu.vector_load %arg11[%swap3A_1067, %swap3A_1068] {strides = array<i32>} : memref<200x64xf32, #tpu.memory_space<vmem>>, vector<1x16xf32>,
        %swap3A_1070 = vector.shape_cast %swap3A_1069 : vector<1x16xf32> to vector<16xf32>
        %swap3A_1071 = vector.shape_cast %add3A_1066 : vector<16xf32> to vector<1x16xf32>
        tpu.vector_store %arg11[%swap3A_1067, %swap3A_1068], %swap3A_1071 {strides = array<i32>} : memref<200x64xf32, #tpu.memory_space<vmem>>, vector<1x16xf32>,
        %add3A_1072 = arith.constant 16 : i32
        %add3A_1073 = arith.addi %squeeze3A_1055, %add3A_1072 : i32
        %get3A_1074 = arith.index_cast %add3A_1053 : i32 to index
        %get3A_1075 = arith.index_cast %add3A_1073 : i32 to index
        %get3A_1076 = tpu.vector_load %arg10[%get3A_1074, %get3A_1075] {strides = array<i32>} : memref<200x128xf32, #tpu.memory_space<vmem>>, vector<1x16xf32>,
        %get3A_1077 = vector.shape_cast %get3A_1076 : vector<1x16xf32> to vector<16xf32>
        %get3A_1078 = arith.index_cast %add3A_1053 : i32 to index
        %get3A_1079 = arith.constant 16 : index
        %get3A_1080 = tpu.vector_load %arg7[%get3A_1078, %get3A_1079] {strides = array<i32>} : memref<200x64xf32, #tpu.memory_space<vmem>>, vector<1x16xf32>,
        %get3A_1081 = vector.shape_cast %get3A_1080 : vector<1x16xf32> to vector<16xf32>
        %add3A_1082 = arith.addf %get3A_1077, %get3A_1081 : vector<16xf32>
        %swap3A_1083 = arith.index_cast %add3A_1053 : i32 to index
        %swap3A_1084 = arith.constant 16 : index
        %swap3A_1085 = tpu.vector_load %arg11[%swap3A_1083, %swap3A_1084] {strides = array<i32>} : memref<200x64xf32, #tpu.memory_space<vmem>>, vector<1x16xf32>,
        %swap3A_1086 = vector.shape_cast %swap3A_1085 : vector<1x16xf32> to vector<16xf32>
        %swap3A_1087 = vector.shape_cast %add3A_1082 : vector<16xf32> to vector<1x16xf32>
        tpu.vector_store %arg11[%swap3A_1083, %swap3A_1084], %swap3A_1087 {strides = array<i32>} : memref<200x64xf32, #tpu.memory_space<vmem>>, vector<1x16xf32>,
        %add3A_1088 = arith.constant 32 : i32
        %add3A_1089 = arith.addi %squeeze3A_1055, %add3A_1088 : i32
        %get3A_1090 = arith.index_cast %add3A_1053 : i32 to index
        %get3A_1091 = arith.index_cast %add3A_1089 : i32 to index
        %get3A_1092 = tpu.vector_load %arg10[%get3A_1090, %get3A_1091] {strides = array<i32>} : memref<200x128xf32, #tpu.memory_space<vmem>>, vector<1x16xf32>,
        %get3A_1093 = vector.shape_cast %get3A_1092 : vector<1x16xf32> to vector<16xf32>
        %get3A_1094 = arith.index_cast %add3A_1053 : i32 to index
        %get3A_1095 = arith.constant 32 : index
        %get3A_1096 = tpu.vector_load %arg7[%get3A_1094, %get3A_1095] {strides = array<i32>} : memref<200x64xf32, #tpu.memory_space<vmem>>, vector<1x16xf32>,
        %get3A_1097 = vector.shape_cast %get3A_1096 : vector<1x16xf32> to vector<16xf32>
        %add3A_1098 = arith.addf %get3A_1093, %get3A_1097 : vector<16xf32>
        %swap3A_1099 = arith.index_cast %add3A_1053 : i32 to index
        %swap3A_1100 = arith.constant 32 : index
        %swap3A_1101 = tpu.vector_load %arg11[%swap3A_1099, %swap3A_1100] {strides = array<i32>} : memref<200x64xf32, #tpu.memory_space<vmem>>, vector<1x16xf32>,
        %swap3A_1102 = vector.shape_cast %swap3A_1101 : vector<1x16xf32> to vector<16xf32>
        %swap3A_1103 = vector.shape_cast %add3A_1098 : vector<16xf32> to vector<1x16xf32>
        tpu.vector_store %arg11[%swap3A_1099, %swap3A_1100], %swap3A_1103 {strides = array<i32>} : memref<200x64xf32, #tpu.memory_space<vmem>>, vector<1x16xf32>,
        %add3A_1104 = arith.constant 48 : i32
        %add3A_1105 = arith.addi %squeeze3A_1055, %add3A_1104 : i32
        %get3A_1106 = arith.index_cast %add3A_1053 : i32 to index
        %get3A_1107 = arith.index_cast %add3A_1105 : i32 to index
        %get3A_1108 = tpu.vector_load %arg10[%get3A_1106, %get3A_1107] {strides = array<i32>} : memref<200x128xf32, #tpu.memory_space<vmem>>, vector<1x16xf32>,
        %get3A_1109 = vector.shape_cast %get3A_1108 : vector<1x16xf32> to vector<16xf32>
        %get3A_1110 = arith.index_cast %add3A_1053 : i32 to index
        %get3A_1111 = arith.constant 48 : index
        %get3A_1112 = tpu.vector_load %arg7[%get3A_1110, %get3A_1111] {strides = array<i32>} : memref<200x64xf32, #tpu.memory_space<vmem>>, vector<1x16xf32>,
        %get3A_1113 = vector.shape_cast %get3A_1112 : vector<1x16xf32> to vector<16xf32>
        %add3A_1114 = arith.addf %get3A_1109, %get3A_1113 : vector<16xf32>
        %swap3A_1115 = arith.index_cast %add3A_1053 : i32 to index
        %swap3A_1116 = arith.constant 48 : index
        %swap3A_1117 = tpu.vector_load %arg11[%swap3A_1115, %swap3A_1116] {strides = array<i32>} : memref<200x64xf32, #tpu.memory_space<vmem>>, vector<1x16xf32>,
        %swap3A_1118 = vector.shape_cast %swap3A_1117 : vector<1x16xf32> to vector<16xf32>
        %swap3A_1119 = vector.shape_cast %add3A_1114 : vector<16xf32> to vector<1x16xf32>
        tpu.vector_store %arg11[%swap3A_1115, %swap3A_1116], %swap3A_1119 {strides = array<i32>} : memref<200x64xf32, #tpu.memory_space<vmem>>, vector<1x16xf32>,
        %mul3A_1120 = arith.constant 16 : i32
        %mul3A_1121 = arith.muli %scan3A_692, %mul3A_1120 : i32
        %add3A_1122 = arith.constant 6 : i32
        %add3A_1123 = arith.addi %mul3A_1121, %add3A_1122 : i32
        %slice3A_1124 = vector.extract_strided_slice %get3A_699 {offsets = [6], sizes = [1], strides = [1]} : vector<16xi32> to vector<1xi32>
        %squeeze3A_1125 = vector.extract %slice3A_1124[0] : i32 from vector<1xi32>
        %add3A_1126 = arith.constant 0 : i32
        %add3A_1127 = arith.addi %squeeze3A_1125, %add3A_1126 : i32
        %get3A_1128 = arith.index_cast %add3A_1123 : i32 to index
        %get3A_1129 = arith.index_cast %add3A_1127 : i32 to index
        %get3A_1130 = tpu.vector_load %arg10[%get3A_1128, %get3A_1129] {strides = array<i32>} : memref<200x128xf32, #tpu.memory_space<vmem>>, vector<1x16xf32>,
        %get3A_1131 = vector.shape_cast %get3A_1130 : vector<1x16xf32> to vector<16xf32>
        %get3A_1132 = arith.index_cast %add3A_1123 : i32 to index
        %get3A_1133 = arith.constant 0 : index
        %get3A_1134 = tpu.vector_load %arg7[%get3A_1132, %get3A_1133] {strides = array<i32>} : memref<200x64xf32, #tpu.memory_space<vmem>>, vector<1x16xf32>,
        %get3A_1135 = vector.shape_cast %get3A_1134 : vector<1x16xf32> to vector<16xf32>
        %add3A_1136 = arith.addf %get3A_1131, %get3A_1135 : vector<16xf32>
        %swap3A_1137 = arith.index_cast %add3A_1123 : i32 to index
        %swap3A_1138 = arith.constant 0 : index
        %swap3A_1139 = tpu.vector_load %arg11[%swap3A_1137, %swap3A_1138] {strides = array<i32>} : memref<200x64xf32, #tpu.memory_space<vmem>>, vector<1x16xf32>,
        %swap3A_1140 = vector.shape_cast %swap3A_1139 : vector<1x16xf32> to vector<16xf32>
        %swap3A_1141 = vector.shape_cast %add3A_1136 : vector<16xf32> to vector<1x16xf32>
        tpu.vector_store %arg11[%swap3A_1137, %swap3A_1138], %swap3A_1141 {strides = array<i32>} : memref<200x64xf32, #tpu.memory_space<vmem>>, vector<1x16xf32>,
        %add3A_1142 = arith.constant 16 : i32
        %add3A_1143 = arith.addi %squeeze3A_1125, %add3A_1142 : i32
        %get3A_1144 = arith.index_cast %add3A_1123 : i32 to index
        %get3A_1145 = arith.index_cast %add3A_1143 : i32 to index
        %get3A_1146 = tpu.vector_load %arg10[%get3A_1144, %get3A_1145] {strides = array<i32>} : memref<200x128xf32, #tpu.memory_space<vmem>>, vector<1x16xf32>,
        %get3A_1147 = vector.shape_cast %get3A_1146 : vector<1x16xf32> to vector<16xf32>
        %get3A_1148 = arith.index_cast %add3A_1123 : i32 to index
        %get3A_1149 = arith.constant 16 : index
        %get3A_1150 = tpu.vector_load %arg7[%get3A_1148, %get3A_1149] {strides = array<i32>} : memref<200x64xf32, #tpu.memory_space<vmem>>, vector<1x16xf32>,
        %get3A_1151 = vector.shape_cast %get3A_1150 : vector<1x16xf32> to vector<16xf32>
        %add3A_1152 = arith.addf %get3A_1147, %get3A_1151 : vector<16xf32>
        %swap3A_1153 = arith.index_cast %add3A_1123 : i32 to index
        %swap3A_1154 = arith.constant 16 : index
        %swap3A_1155 = tpu.vector_load %arg11[%swap3A_1153, %swap3A_1154] {strides = array<i32>} : memref<200x64xf32, #tpu.memory_space<vmem>>, vector<1x16xf32>,
        %swap3A_1156 = vector.shape_cast %swap3A_1155 : vector<1x16xf32> to vector<16xf32>
        %swap3A_1157 = vector.shape_cast %add3A_1152 : vector<16xf32> to vector<1x16xf32>
        tpu.vector_store %arg11[%swap3A_1153, %swap3A_1154], %swap3A_1157 {strides = array<i32>} : memref<200x64xf32, #tpu.memory_space<vmem>>, vector<1x16xf32>,
        %add3A_1158 = arith.constant 32 : i32
        %add3A_1159 = arith.addi %squeeze3A_1125, %add3A_1158 : i32
        %get3A_1160 = arith.index_cast %add3A_1123 : i32 to index
        %get3A_1161 = arith.index_cast %add3A_1159 : i32 to index
        %get3A_1162 = tpu.vector_load %arg10[%get3A_1160, %get3A_1161] {strides = array<i32>} : memref<200x128xf32, #tpu.memory_space<vmem>>, vector<1x16xf32>,
        %get3A_1163 = vector.shape_cast %get3A_1162 : vector<1x16xf32> to vector<16xf32>
        %get3A_1164 = arith.index_cast %add3A_1123 : i32 to index
        %get3A_1165 = arith.constant 32 : index
        %get3A_1166 = tpu.vector_load %arg7[%get3A_1164, %get3A_1165] {strides = array<i32>} : memref<200x64xf32, #tpu.memory_space<vmem>>, vector<1x16xf32>,
        %get3A_1167 = vector.shape_cast %get3A_1166 : vector<1x16xf32> to vector<16xf32>
        %add3A_1168 = arith.addf %get3A_1163, %get3A_1167 : vector<16xf32>
        %swap3A_1169 = arith.index_cast %add3A_1123 : i32 to index
        %swap3A_1170 = arith.constant 32 : index
        %swap3A_1171 = tpu.vector_load %arg11[%swap3A_1169, %swap3A_1170] {strides = array<i32>} : memref<200x64xf32, #tpu.memory_space<vmem>>, vector<1x16xf32>,
        %swap3A_1172 = vector.shape_cast %swap3A_1171 : vector<1x16xf32> to vector<16xf32>
        %swap3A_1173 = vector.shape_cast %add3A_1168 : vector<16xf32> to vector<1x16xf32>
        tpu.vector_store %arg11[%swap3A_1169, %swap3A_1170], %swap3A_1173 {strides = array<i32>} : memref<200x64xf32, #tpu.memory_space<vmem>>, vector<1x16xf32>,
        %add3A_1174 = arith.constant 48 : i32
        %add3A_1175 = arith.addi %squeeze3A_1125, %add3A_1174 : i32
        %get3A_1176 = arith.index_cast %add3A_1123 : i32 to index
        %get3A_1177 = arith.index_cast %add3A_1175 : i32 to index
        %get3A_1178 = tpu.vector_load %arg10[%get3A_1176, %get3A_1177] {strides = array<i32>} : memref<200x128xf32, #tpu.memory_space<vmem>>, vector<1x16xf32>,
        %get3A_1179 = vector.shape_cast %get3A_1178 : vector<1x16xf32> to vector<16xf32>
        %get3A_1180 = arith.index_cast %add3A_1123 : i32 to index
        %get3A_1181 = arith.constant 48 : index
        %get3A_1182 = tpu.vector_load %arg7[%get3A_1180, %get3A_1181] {strides = array<i32>} : memref<200x64xf32, #tpu.memory_space<vmem>>, vector<1x16xf32>,
        %get3A_1183 = vector.shape_cast %get3A_1182 : vector<1x16xf32> to vector<16xf32>
        %add3A_1184 = arith.addf %get3A_1179, %get3A_1183 : vector<16xf32>
        %swap3A_1185 = arith.index_cast %add3A_1123 : i32 to index
        %swap3A_1186 = arith.constant 48 : index
        %swap3A_1187 = tpu.vector_load %arg11[%swap3A_1185, %swap3A_1186] {strides = array<i32>} : memref<200x64xf32, #tpu.memory_space<vmem>>, vector<1x16xf32>,
        %swap3A_1188 = vector.shape_cast %swap3A_1187 : vector<1x16xf32> to vector<16xf32>
        %swap3A_1189 = vector.shape_cast %add3A_1184 : vector<16xf32> to vector<1x16xf32>
        tpu.vector_store %arg11[%swap3A_1185, %swap3A_1186], %swap3A_1189 {strides = array<i32>} : memref<200x64xf32, #tpu.memory_space<vmem>>, vector<1x16xf32>,
        %mul3A_1190 = arith.constant 16 : i32
        %mul3A_1191 = arith.muli %scan3A_692, %mul3A_1190 : i32
        %add3A_1192 = arith.constant 7 : i32
        %add3A_1193 = arith.addi %mul3A_1191, %add3A_1192 : i32
        %slice3A_1194 = vector.extract_strided_slice %get3A_699 {offsets = [7], sizes = [1], strides = [1]} : vector<16xi32> to vector<1xi32>
        %squeeze3A_1195 = vector.extract %slice3A_1194[0] : i32 from vector<1xi32>
        %add3A_1196 = arith.constant 0 : i32
        %add3A_1197 = arith.addi %squeeze3A_1195, %add3A_1196 : i32
        %get3A_1198 = arith.index_cast %add3A_1193 : i32 to index
        %get3A_1199 = arith.index_cast %add3A_1197 : i32 to index
        %get3A_1200 = tpu.vector_load %arg10[%get3A_1198, %get3A_1199] {strides = array<i32>} : memref<200x128xf32, #tpu.memory_space<vmem>>, vector<1x16xf32>,
        %get3A_1201 = vector.shape_cast %get3A_1200 : vector<1x16xf32> to vector<16xf32>
        %get3A_1202 = arith.index_cast %add3A_1193 : i32 to index
        %get3A_1203 = arith.constant 0 : index
        %get3A_1204 = tpu.vector_load %arg7[%get3A_1202, %get3A_1203] {strides = array<i32>} : memref<200x64xf32, #tpu.memory_space<vmem>>, vector<1x16xf32>,
        %get3A_1205 = vector.shape_cast %get3A_1204 : vector<1x16xf32> to vector<16xf32>
        %add3A_1206 = arith.addf %get3A_1201, %get3A_1205 : vector<16xf32>
        %swap3A_1207 = arith.index_cast %add3A_1193 : i32 to index
        %swap3A_1208 = arith.constant 0 : index
        %swap3A_1209 = tpu.vector_load %arg11[%swap3A_1207, %swap3A_1208] {strides = array<i32>} : memref<200x64xf32, #tpu.memory_space<vmem>>, vector<1x16xf32>,
        %swap3A_1210 = vector.shape_cast %swap3A_1209 : vector<1x16xf32> to vector<16xf32>
        %swap3A_1211 = vector.shape_cast %add3A_1206 : vector<16xf32> to vector<1x16xf32>
        tpu.vector_store %arg11[%swap3A_1207, %swap3A_1208], %swap3A_1211 {strides = array<i32>} : memref<200x64xf32, #tpu.memory_space<vmem>>, vector<1x16xf32>,
        %add3A_1212 = arith.constant 16 : i32
        %add3A_1213 = arith.addi %squeeze3A_1195, %add3A_1212 : i32
        %get3A_1214 = arith.index_cast %add3A_1193 : i32 to index
        %get3A_1215 = arith.index_cast %add3A_1213 : i32 to index
        %get3A_1216 = tpu.vector_load %arg10[%get3A_1214, %get3A_1215] {strides = array<i32>} : memref<200x128xf32, #tpu.memory_space<vmem>>, vector<1x16xf32>,
        %get3A_1217 = vector.shape_cast %get3A_1216 : vector<1x16xf32> to vector<16xf32>
        %get3A_1218 = arith.index_cast %add3A_1193 : i32 to index
        %get3A_1219 = arith.constant 16 : index
        %get3A_1220 = tpu.vector_load %arg7[%get3A_1218, %get3A_1219] {strides = array<i32>} : memref<200x64xf32, #tpu.memory_space<vmem>>, vector<1x16xf32>,
        %get3A_1221 = vector.shape_cast %get3A_1220 : vector<1x16xf32> to vector<16xf32>
        %add3A_1222 = arith.addf %get3A_1217, %get3A_1221 : vector<16xf32>
        %swap3A_1223 = arith.index_cast %add3A_1193 : i32 to index
        %swap3A_1224 = arith.constant 16 : index
        %swap3A_1225 = tpu.vector_load %arg11[%swap3A_1223, %swap3A_1224] {strides = array<i32>} : memref<200x64xf32, #tpu.memory_space<vmem>>, vector<1x16xf32>,
        %swap3A_1226 = vector.shape_cast %swap3A_1225 : vector<1x16xf32> to vector<16xf32>
        %swap3A_1227 = vector.shape_cast %add3A_1222 : vector<16xf32> to vector<1x16xf32>
        tpu.vector_store %arg11[%swap3A_1223, %swap3A_1224], %swap3A_1227 {strides = array<i32>} : memref<200x64xf32, #tpu.memory_space<vmem>>, vector<1x16xf32>,
        %add3A_1228 = arith.constant 32 : i32
        %add3A_1229 = arith.addi %squeeze3A_1195, %add3A_1228 : i32
        %get3A_1230 = arith.index_cast %add3A_1193 : i32 to index
        %get3A_1231 = arith.index_cast %add3A_1229 : i32 to index
        %get3A_1232 = tpu.vector_load %arg10[%get3A_1230, %get3A_1231] {strides = array<i32>} : memref<200x128xf32, #tpu.memory_space<vmem>>, vector<1x16xf32>,
        %get3A_1233 = vector.shape_cast %get3A_1232 : vector<1x16xf32> to vector<16xf32>
        %get3A_1234 = arith.index_cast %add3A_1193 : i32 to index
        %get3A_1235 = arith.constant 32 : index
        %get3A_1236 = tpu.vector_load %arg7[%get3A_1234, %get3A_1235] {strides = array<i32>} : memref<200x64xf32, #tpu.memory_space<vmem>>, vector<1x16xf32>,
        %get3A_1237 = vector.shape_cast %get3A_1236 : vector<1x16xf32> to vector<16xf32>
        %add3A_1238 = arith.addf %get3A_1233, %get3A_1237 : vector<16xf32>
        %swap3A_1239 = arith.index_cast %add3A_1193 : i32 to index
        %swap3A_1240 = arith.constant 32 : index
        %swap3A_1241 = tpu.vector_load %arg11[%swap3A_1239, %swap3A_1240] {strides = array<i32>} : memref<200x64xf32, #tpu.memory_space<vmem>>, vector<1x16xf32>,
        %swap3A_1242 = vector.shape_cast %swap3A_1241 : vector<1x16xf32> to vector<16xf32>
        %swap3A_1243 = vector.shape_cast %add3A_1238 : vector<16xf32> to vector<1x16xf32>
        tpu.vector_store %arg11[%swap3A_1239, %swap3A_1240], %swap3A_1243 {strides = array<i32>} : memref<200x64xf32, #tpu.memory_space<vmem>>, vector<1x16xf32>,
        %add3A_1244 = arith.constant 48 : i32
        %add3A_1245 = arith.addi %squeeze3A_1195, %add3A_1244 : i32
        %get3A_1246 = arith.index_cast %add3A_1193 : i32 to index
        %get3A_1247 = arith.index_cast %add3A_1245 : i32 to index
        %get3A_1248 = tpu.vector_load %arg10[%get3A_1246, %get3A_1247] {strides = array<i32>} : memref<200x128xf32, #tpu.memory_space<vmem>>, vector<1x16xf32>,
        %get3A_1249 = vector.shape_cast %get3A_1248 : vector<1x16xf32> to vector<16xf32>
        %get3A_1250 = arith.index_cast %add3A_1193 : i32 to index
        %get3A_1251 = arith.constant 48 : index
        %get3A_1252 = tpu.vector_load %arg7[%get3A_1250, %get3A_1251] {strides = array<i32>} : memref<200x64xf32, #tpu.memory_space<vmem>>, vector<1x16xf32>,
        %get3A_1253 = vector.shape_cast %get3A_1252 : vector<1x16xf32> to vector<16xf32>
        %add3A_1254 = arith.addf %get3A_1249, %get3A_1253 : vector<16xf32>
        %swap3A_1255 = arith.index_cast %add3A_1193 : i32 to index
        %swap3A_1256 = arith.constant 48 : index
        %swap3A_1257 = tpu.vector_load %arg11[%swap3A_1255, %swap3A_1256] {strides = array<i32>} : memref<200x64xf32, #tpu.memory_space<vmem>>, vector<1x16xf32>,
        %swap3A_1258 = vector.shape_cast %swap3A_1257 : vector<1x16xf32> to vector<16xf32>
        %swap3A_1259 = vector.shape_cast %add3A_1254 : vector<16xf32> to vector<1x16xf32>
        tpu.vector_store %arg11[%swap3A_1255, %swap3A_1256], %swap3A_1259 {strides = array<i32>} : memref<200x64xf32, #tpu.memory_space<vmem>>, vector<1x16xf32>,
        %mul3A_1260 = arith.constant 16 : i32
        %mul3A_1261 = arith.muli %scan3A_692, %mul3A_1260 : i32
        %add3A_1262 = arith.constant 8 : i32
        %add3A_1263 = arith.addi %mul3A_1261, %add3A_1262 : i32
        %slice3A_1264 = vector.extract_strided_slice %get3A_699 {offsets = [8], sizes = [1], strides = [1]} : vector<16xi32> to vector<1xi32>
        %squeeze3A_1265 = vector.extract %slice3A_1264[0] : i32 from vector<1xi32>
        %add3A_1266 = arith.constant 0 : i32
        %add3A_1267 = arith.addi %squeeze3A_1265, %add3A_1266 : i32
        %get3A_1268 = arith.index_cast %add3A_1263 : i32 to index
        %get3A_1269 = arith.index_cast %add3A_1267 : i32 to index
        %get3A_1270 = tpu.vector_load %arg10[%get3A_1268, %get3A_1269] {strides = array<i32>} : memref<200x128xf32, #tpu.memory_space<vmem>>, vector<1x16xf32>,
        %get3A_1271 = vector.shape_cast %get3A_1270 : vector<1x16xf32> to vector<16xf32>
        %get3A_1272 = arith.index_cast %add3A_1263 : i32 to index
        %get3A_1273 = arith.constant 0 : index
        %get3A_1274 = tpu.vector_load %arg7[%get3A_1272, %get3A_1273] {strides = array<i32>} : memref<200x64xf32, #tpu.memory_space<vmem>>, vector<1x16xf32>,
        %get3A_1275 = vector.shape_cast %get3A_1274 : vector<1x16xf32> to vector<16xf32>
        %add3A_1276 = arith.addf %get3A_1271, %get3A_1275 : vector<16xf32>
        %swap3A_1277 = arith.index_cast %add3A_1263 : i32 to index
        %swap3A_1278 = arith.constant 0 : index
        %swap3A_1279 = tpu.vector_load %arg11[%swap3A_1277, %swap3A_1278] {strides = array<i32>} : memref<200x64xf32, #tpu.memory_space<vmem>>, vector<1x16xf32>,
        %swap3A_1280 = vector.shape_cast %swap3A_1279 : vector<1x16xf32> to vector<16xf32>
        %swap3A_1281 = vector.shape_cast %add3A_1276 : vector<16xf32> to vector<1x16xf32>
        tpu.vector_store %arg11[%swap3A_1277, %swap3A_1278], %swap3A_1281 {strides = array<i32>} : memref<200x64xf32, #tpu.memory_space<vmem>>, vector<1x16xf32>,
        %add3A_1282 = arith.constant 16 : i32
        %add3A_1283 = arith.addi %squeeze3A_1265, %add3A_1282 : i32
        %get3A_1284 = arith.index_cast %add3A_1263 : i32 to index
        %get3A_1285 = arith.index_cast %add3A_1283 : i32 to index
        %get3A_1286 = tpu.vector_load %arg10[%get3A_1284, %get3A_1285] {strides = array<i32>} : memref<200x128xf32, #tpu.memory_space<vmem>>, vector<1x16xf32>,
        %get3A_1287 = vector.shape_cast %get3A_1286 : vector<1x16xf32> to vector<16xf32>
        %get3A_1288 = arith.index_cast %add3A_1263 : i32 to index
        %get3A_1289 = arith.constant 16 : index
        %get3A_1290 = tpu.vector_load %arg7[%get3A_1288, %get3A_1289] {strides = array<i32>} : memref<200x64xf32, #tpu.memory_space<vmem>>, vector<1x16xf32>,
        %get3A_1291 = vector.shape_cast %get3A_1290 : vector<1x16xf32> to vector<16xf32>
        %add3A_1292 = arith.addf %get3A_1287, %get3A_1291 : vector<16xf32>
        %swap3A_1293 = arith.index_cast %add3A_1263 : i32 to index
        %swap3A_1294 = arith.constant 16 : index
        %swap3A_1295 = tpu.vector_load %arg11[%swap3A_1293, %swap3A_1294] {strides = array<i32>} : memref<200x64xf32, #tpu.memory_space<vmem>>, vector<1x16xf32>,
        %swap3A_1296 = vector.shape_cast %swap3A_1295 : vector<1x16xf32> to vector<16xf32>
        %swap3A_1297 = vector.shape_cast %add3A_1292 : vector<16xf32> to vector<1x16xf32>
        tpu.vector_store %arg11[%swap3A_1293, %swap3A_1294], %swap3A_1297 {strides = array<i32>} : memref<200x64xf32, #tpu.memory_space<vmem>>, vector<1x16xf32>,
        %add3A_1298 = arith.constant 32 : i32
        %add3A_1299 = arith.addi %squeeze3A_1265, %add3A_1298 : i32
        %get3A_1300 = arith.index_cast %add3A_1263 : i32 to index
        %get3A_1301 = arith.index_cast %add3A_1299 : i32 to index
        %get3A_1302 = tpu.vector_load %arg10[%get3A_1300, %get3A_1301] {strides = array<i32>} : memref<200x128xf32, #tpu.memory_space<vmem>>, vector<1x16xf32>,
        %get3A_1303 = vector.shape_cast %get3A_1302 : vector<1x16xf32> to vector<16xf32>
        %get3A_1304 = arith.index_cast %add3A_1263 : i32 to index
        %get3A_1305 = arith.constant 32 : index
        %get3A_1306 = tpu.vector_load %arg7[%get3A_1304, %get3A_1305] {strides = array<i32>} : memref<200x64xf32, #tpu.memory_space<vmem>>, vector<1x16xf32>,
        %get3A_1307 = vector.shape_cast %get3A_1306 : vector<1x16xf32> to vector<16xf32>
        %add3A_1308 = arith.addf %get3A_1303, %get3A_1307 : vector<16xf32>
        %swap3A_1309 = arith.index_cast %add3A_1263 : i32 to index
        %swap3A_1310 = arith.constant 32 : index
        %swap3A_1311 = tpu.vector_load %arg11[%swap3A_1309, %swap3A_1310] {strides = array<i32>} : memref<200x64xf32, #tpu.memory_space<vmem>>, vector<1x16xf32>,
        %swap3A_1312 = vector.shape_cast %swap3A_1311 : vector<1x16xf32> to vector<16xf32>
        %swap3A_1313 = vector.shape_cast %add3A_1308 : vector<16xf32> to vector<1x16xf32>
        tpu.vector_store %arg11[%swap3A_1309, %swap3A_1310], %swap3A_1313 {strides = array<i32>} : memref<200x64xf32, #tpu.memory_space<vmem>>, vector<1x16xf32>,
        %add3A_1314 = arith.constant 48 : i32
        %add3A_1315 = arith.addi %squeeze3A_1265, %add3A_1314 : i32
        %get3A_1316 = arith.index_cast %add3A_1263 : i32 to index
        %get3A_1317 = arith.index_cast %add3A_1315 : i32 to index
        %get3A_1318 = tpu.vector_load %arg10[%get3A_1316, %get3A_1317] {strides = array<i32>} : memref<200x128xf32, #tpu.memory_space<vmem>>, vector<1x16xf32>,
        %get3A_1319 = vector.shape_cast %get3A_1318 : vector<1x16xf32> to vector<16xf32>
        %get3A_1320 = arith.index_cast %add3A_1263 : i32 to index
        %get3A_1321 = arith.constant 48 : index
        %get3A_1322 = tpu.vector_load %arg7[%get3A_1320, %get3A_1321] {strides = array<i32>} : memref<200x64xf32, #tpu.memory_space<vmem>>, vector<1x16xf32>,
        %get3A_1323 = vector.shape_cast %get3A_1322 : vector<1x16xf32> to vector<16xf32>
        %add3A_1324 = arith.addf %get3A_1319, %get3A_1323 : vector<16xf32>
        %swap3A_1325 = arith.index_cast %add3A_1263 : i32 to index
        %swap3A_1326 = arith.constant 48 : index
        %swap3A_1327 = tpu.vector_load %arg11[%swap3A_1325, %swap3A_1326] {strides = array<i32>} : memref<200x64xf32, #tpu.memory_space<vmem>>, vector<1x16xf32>,
        %swap3A_1328 = vector.shape_cast %swap3A_1327 : vector<1x16xf32> to vector<16xf32>
        %swap3A_1329 = vector.shape_cast %add3A_1324 : vector<16xf32> to vector<1x16xf32>
        tpu.vector_store %arg11[%swap3A_1325, %swap3A_1326], %swap3A_1329 {strides = array<i32>} : memref<200x64xf32, #tpu.memory_space<vmem>>, vector<1x16xf32>,
        %mul3A_1330 = arith.constant 16 : i32
        %mul3A_1331 = arith.muli %scan3A_692, %mul3A_1330 : i32
        %add3A_1332 = arith.constant 9 : i32
        %add3A_1333 = arith.addi %mul3A_1331, %add3A_1332 : i32
        %slice3A_1334 = vector.extract_strided_slice %get3A_699 {offsets = [9], sizes = [1], strides = [1]} : vector<16xi32> to vector<1xi32>
        %squeeze3A_1335 = vector.extract %slice3A_1334[0] : i32 from vector<1xi32>
        %add3A_1336 = arith.constant 0 : i32
        %add3A_1337 = arith.addi %squeeze3A_1335, %add3A_1336 : i32
        %get3A_1338 = arith.index_cast %add3A_1333 : i32 to index
        %get3A_1339 = arith.index_cast %add3A_1337 : i32 to index
        %get3A_1340 = tpu.vector_load %arg10[%get3A_1338, %get3A_1339] {strides = array<i32>} : memref<200x128xf32, #tpu.memory_space<vmem>>, vector<1x16xf32>,
        %get3A_1341 = vector.shape_cast %get3A_1340 : vector<1x16xf32> to vector<16xf32>
        %get3A_1342 = arith.index_cast %add3A_1333 : i32 to index
        %get3A_1343 = arith.constant 0 : index
        %get3A_1344 = tpu.vector_load %arg7[%get3A_1342, %get3A_1343] {strides = array<i32>} : memref<200x64xf32, #tpu.memory_space<vmem>>, vector<1x16xf32>,
        %get3A_1345 = vector.shape_cast %get3A_1344 : vector<1x16xf32> to vector<16xf32>
        %add3A_1346 = arith.addf %get3A_1341, %get3A_1345 : vector<16xf32>
        %swap3A_1347 = arith.index_cast %add3A_1333 : i32 to index
        %swap3A_1348 = arith.constant 0 : index
        %swap3A_1349 = tpu.vector_load %arg11[%swap3A_1347, %swap3A_1348] {strides = array<i32>} : memref<200x64xf32, #tpu.memory_space<vmem>>, vector<1x16xf32>,
        %swap3A_1350 = vector.shape_cast %swap3A_1349 : vector<1x16xf32> to vector<16xf32>
        %swap3A_1351 = vector.shape_cast %add3A_1346 : vector<16xf32> to vector<1x16xf32>
        tpu.vector_store %arg11[%swap3A_1347, %swap3A_1348], %swap3A_1351 {strides = array<i32>} : memref<200x64xf32, #tpu.memory_space<vmem>>, vector<1x16xf32>,
        %add3A_1352 = arith.constant 16 : i32
        %add3A_1353 = arith.addi %squeeze3A_1335, %add3A_1352 : i32
        %get3A_1354 = arith.index_cast %add3A_1333 : i32 to index
        %get3A_1355 = arith.index_cast %add3A_1353 : i32 to index
        %get3A_1356 = tpu.vector_load %arg10[%get3A_1354, %get3A_1355] {strides = array<i32>} : memref<200x128xf32, #tpu.memory_space<vmem>>, vector<1x16xf32>,
        %get3A_1357 = vector.shape_cast %get3A_1356 : vector<1x16xf32> to vector<16xf32>
        %get3A_1358 = arith.index_cast %add3A_1333 : i32 to index
        %get3A_1359 = arith.constant 16 : index
        %get3A_1360 = tpu.vector_load %arg7[%get3A_1358, %get3A_1359] {strides = array<i32>} : memref<200x64xf32, #tpu.memory_space<vmem>>, vector<1x16xf32>,
        %get3A_1361 = vector.shape_cast %get3A_1360 : vector<1x16xf32> to vector<16xf32>
        %add3A_1362 = arith.addf %get3A_1357, %get3A_1361 : vector<16xf32>
        %swap3A_1363 = arith.index_cast %add3A_1333 : i32 to index
        %swap3A_1364 = arith.constant 16 : index
        %swap3A_1365 = tpu.vector_load %arg11[%swap3A_1363, %swap3A_1364] {strides = array<i32>} : memref<200x64xf32, #tpu.memory_space<vmem>>, vector<1x16xf32>,
        %swap3A_1366 = vector.shape_cast %swap3A_1365 : vector<1x16xf32> to vector<16xf32>
        %swap3A_1367 = vector.shape_cast %add3A_1362 : vector<16xf32> to vector<1x16xf32>
        tpu.vector_store %arg11[%swap3A_1363, %swap3A_1364], %swap3A_1367 {strides = array<i32>} : memref<200x64xf32, #tpu.memory_space<vmem>>, vector<1x16xf32>,
        %add3A_1368 = arith.constant 32 : i32
        %add3A_1369 = arith.addi %squeeze3A_1335, %add3A_1368 : i32
        %get3A_1370 = arith.index_cast %add3A_1333 : i32 to index
        %get3A_1371 = arith.index_cast %add3A_1369 : i32 to index
        %get3A_1372 = tpu.vector_load %arg10[%get3A_1370, %get3A_1371] {strides = array<i32>} : memref<200x128xf32, #tpu.memory_space<vmem>>, vector<1x16xf32>,
        %get3A_1373 = vector.shape_cast %get3A_1372 : vector<1x16xf32> to vector<16xf32>
        %get3A_1374 = arith.index_cast %add3A_1333 : i32 to index
        %get3A_1375 = arith.constant 32 : index
        %get3A_1376 = tpu.vector_load %arg7[%get3A_1374, %get3A_1375] {strides = array<i32>} : memref<200x64xf32, #tpu.memory_space<vmem>>, vector<1x16xf32>,
        %get3A_1377 = vector.shape_cast %get3A_1376 : vector<1x16xf32> to vector<16xf32>
        %add3A_1378 = arith.addf %get3A_1373, %get3A_1377 : vector<16xf32>
        %swap3A_1379 = arith.index_cast %add3A_1333 : i32 to index
        %swap3A_1380 = arith.constant 32 : index
        %swap3A_1381 = tpu.vector_load %arg11[%swap3A_1379, %swap3A_1380] {strides = array<i32>} : memref<200x64xf32, #tpu.memory_space<vmem>>, vector<1x16xf32>,
        %swap3A_1382 = vector.shape_cast %swap3A_1381 : vector<1x16xf32> to vector<16xf32>
        %swap3A_1383 = vector.shape_cast %add3A_1378 : vector<16xf32> to vector<1x16xf32>
        tpu.vector_store %arg11[%swap3A_1379, %swap3A_1380], %swap3A_1383 {strides = array<i32>} : memref<200x64xf32, #tpu.memory_space<vmem>>, vector<1x16xf32>,
        %add3A_1384 = arith.constant 48 : i32
        %add3A_1385 = arith.addi %squeeze3A_1335, %add3A_1384 : i32
        %get3A_1386 = arith.index_cast %add3A_1333 : i32 to index
        %get3A_1387 = arith.index_cast %add3A_1385 : i32 to index
        %get3A_1388 = tpu.vector_load %arg10[%get3A_1386, %get3A_1387] {strides = array<i32>} : memref<200x128xf32, #tpu.memory_space<vmem>>, vector<1x16xf32>,
        %get3A_1389 = vector.shape_cast %get3A_1388 : vector<1x16xf32> to vector<16xf32>
        %get3A_1390 = arith.index_cast %add3A_1333 : i32 to index
        %get3A_1391 = arith.constant 48 : index
        %get3A_1392 = tpu.vector_load %arg7[%get3A_1390, %get3A_1391] {strides = array<i32>} : memref<200x64xf32, #tpu.memory_space<vmem>>, vector<1x16xf32>,
        %get3A_1393 = vector.shape_cast %get3A_1392 : vector<1x16xf32> to vector<16xf32>
        %add3A_1394 = arith.addf %get3A_1389, %get3A_1393 : vector<16xf32>
        %swap3A_1395 = arith.index_cast %add3A_1333 : i32 to index
        %swap3A_1396 = arith.constant 48 : index
        %swap3A_1397 = tpu.vector_load %arg11[%swap3A_1395, %swap3A_1396] {strides = array<i32>} : memref<200x64xf32, #tpu.memory_space<vmem>>, vector<1x16xf32>,
        %swap3A_1398 = vector.shape_cast %swap3A_1397 : vector<1x16xf32> to vector<16xf32>
        %swap3A_1399 = vector.shape_cast %add3A_1394 : vector<16xf32> to vector<1x16xf32>
        tpu.vector_store %arg11[%swap3A_1395, %swap3A_1396], %swap3A_1399 {strides = array<i32>} : memref<200x64xf32, #tpu.memory_space<vmem>>, vector<1x16xf32>,
        %mul3A_1400 = arith.constant 16 : i32
        %mul3A_1401 = arith.muli %scan3A_692, %mul3A_1400 : i32
        %add3A_1402 = arith.constant 10 : i32
        %add3A_1403 = arith.addi %mul3A_1401, %add3A_1402 : i32
        %slice3A_1404 = vector.extract_strided_slice %get3A_699 {offsets = [10], sizes = [1], strides = [1]} : vector<16xi32> to vector<1xi32>
        %squeeze3A_1405 = vector.extract %slice3A_1404[0] : i32 from vector<1xi32>
        %add3A_1406 = arith.constant 0 : i32
        %add3A_1407 = arith.addi %squeeze3A_1405, %add3A_1406 : i32
        %get3A_1408 = arith.index_cast %add3A_1403 : i32 to index
        %get3A_1409 = arith.index_cast %add3A_1407 : i32 to index
        %get3A_1410 = tpu.vector_load %arg10[%get3A_1408, %get3A_1409] {strides = array<i32>} : memref<200x128xf32, #tpu.memory_space<vmem>>, vector<1x16xf32>,
        %get3A_1411 = vector.shape_cast %get3A_1410 : vector<1x16xf32> to vector<16xf32>
        %get3A_1412 = arith.index_cast %add3A_1403 : i32 to index
        %get3A_1413 = arith.constant 0 : index
        %get3A_1414 = tpu.vector_load %arg7[%get3A_1412, %get3A_1413] {strides = array<i32>} : memref<200x64xf32, #tpu.memory_space<vmem>>, vector<1x16xf32>,
        %get3A_1415 = vector.shape_cast %get3A_1414 : vector<1x16xf32> to vector<16xf32>
        %add3A_1416 = arith.addf %get3A_1411, %get3A_1415 : vector<16xf32>
        %swap3A_1417 = arith.index_cast %add3A_1403 : i32 to index
        %swap3A_1418 = arith.constant 0 : index
        %swap3A_1419 = tpu.vector_load %arg11[%swap3A_1417, %swap3A_1418] {strides = array<i32>} : memref<200x64xf32, #tpu.memory_space<vmem>>, vector<1x16xf32>,
        %swap3A_1420 = vector.shape_cast %swap3A_1419 : vector<1x16xf32> to vector<16xf32>
        %swap3A_1421 = vector.shape_cast %add3A_1416 : vector<16xf32> to vector<1x16xf32>
        tpu.vector_store %arg11[%swap3A_1417, %swap3A_1418], %swap3A_1421 {strides = array<i32>} : memref<200x64xf32, #tpu.memory_space<vmem>>, vector<1x16xf32>,
        %add3A_1422 = arith.constant 16 : i32
        %add3A_1423 = arith.addi %squeeze3A_1405, %add3A_1422 : i32
        %get3A_1424 = arith.index_cast %add3A_1403 : i32 to index
        %get3A_1425 = arith.index_cast %add3A_1423 : i32 to index
        %get3A_1426 = tpu.vector_load %arg10[%get3A_1424, %get3A_1425] {strides = array<i32>} : memref<200x128xf32, #tpu.memory_space<vmem>>, vector<1x16xf32>,
        %get3A_1427 = vector.shape_cast %get3A_1426 : vector<1x16xf32> to vector<16xf32>
        %get3A_1428 = arith.index_cast %add3A_1403 : i32 to index
        %get3A_1429 = arith.constant 16 : index
        %get3A_1430 = tpu.vector_load %arg7[%get3A_1428, %get3A_1429] {strides = array<i32>} : memref<200x64xf32, #tpu.memory_space<vmem>>, vector<1x16xf32>,
        %get3A_1431 = vector.shape_cast %get3A_1430 : vector<1x16xf32> to vector<16xf32>
        %add3A_1432 = arith.addf %get3A_1427, %get3A_1431 : vector<16xf32>
        %swap3A_1433 = arith.index_cast %add3A_1403 : i32 to index
        %swap3A_1434 = arith.constant 16 : index
        %swap3A_1435 = tpu.vector_load %arg11[%swap3A_1433, %swap3A_1434] {strides = array<i32>} : memref<200x64xf32, #tpu.memory_space<vmem>>, vector<1x16xf32>,
        %swap3A_1436 = vector.shape_cast %swap3A_1435 : vector<1x16xf32> to vector<16xf32>
        %swap3A_1437 = vector.shape_cast %add3A_1432 : vector<16xf32> to vector<1x16xf32>
        tpu.vector_store %arg11[%swap3A_1433, %swap3A_1434], %swap3A_1437 {strides = array<i32>} : memref<200x64xf32, #tpu.memory_space<vmem>>, vector<1x16xf32>,
        %add3A_1438 = arith.constant 32 : i32
        %add3A_1439 = arith.addi %squeeze3A_1405, %add3A_1438 : i32
        %get3A_1440 = arith.index_cast %add3A_1403 : i32 to index
        %get3A_1441 = arith.index_cast %add3A_1439 : i32 to index
        %get3A_1442 = tpu.vector_load %arg10[%get3A_1440, %get3A_1441] {strides = array<i32>} : memref<200x128xf32, #tpu.memory_space<vmem>>, vector<1x16xf32>,
        %get3A_1443 = vector.shape_cast %get3A_1442 : vector<1x16xf32> to vector<16xf32>
        %get3A_1444 = arith.index_cast %add3A_1403 : i32 to index
        %get3A_1445 = arith.constant 32 : index
        %get3A_1446 = tpu.vector_load %arg7[%get3A_1444, %get3A_1445] {strides = array<i32>} : memref<200x64xf32, #tpu.memory_space<vmem>>, vector<1x16xf32>,
        %get3A_1447 = vector.shape_cast %get3A_1446 : vector<1x16xf32> to vector<16xf32>
        %add3A_1448 = arith.addf %get3A_1443, %get3A_1447 : vector<16xf32>
        %swap3A_1449 = arith.index_cast %add3A_1403 : i32 to index
        %swap3A_1450 = arith.constant 32 : index
        %swap3A_1451 = tpu.vector_load %arg11[%swap3A_1449, %swap3A_1450] {strides = array<i32>} : memref<200x64xf32, #tpu.memory_space<vmem>>, vector<1x16xf32>,
        %swap3A_1452 = vector.shape_cast %swap3A_1451 : vector<1x16xf32> to vector<16xf32>
        %swap3A_1453 = vector.shape_cast %add3A_1448 : vector<16xf32> to vector<1x16xf32>
        tpu.vector_store %arg11[%swap3A_1449, %swap3A_1450], %swap3A_1453 {strides = array<i32>} : memref<200x64xf32, #tpu.memory_space<vmem>>, vector<1x16xf32>,
        %add3A_1454 = arith.constant 48 : i32
        %add3A_1455 = arith.addi %squeeze3A_1405, %add3A_1454 : i32
        %get3A_1456 = arith.index_cast %add3A_1403 : i32 to index
        %get3A_1457 = arith.index_cast %add3A_1455 : i32 to index
        %get3A_1458 = tpu.vector_load %arg10[%get3A_1456, %get3A_1457] {strides = array<i32>} : memref<200x128xf32, #tpu.memory_space<vmem>>, vector<1x16xf32>,
        %get3A_1459 = vector.shape_cast %get3A_1458 : vector<1x16xf32> to vector<16xf32>
        %get3A_1460 = arith.index_cast %add3A_1403 : i32 to index
        %get3A_1461 = arith.constant 48 : index
        %get3A_1462 = tpu.vector_load %arg7[%get3A_1460, %get3A_1461] {strides = array<i32>} : memref<200x64xf32, #tpu.memory_space<vmem>>, vector<1x16xf32>,
        %get3A_1463 = vector.shape_cast %get3A_1462 : vector<1x16xf32> to vector<16xf32>
        %add3A_1464 = arith.addf %get3A_1459, %get3A_1463 : vector<16xf32>
        %swap3A_1465 = arith.index_cast %add3A_1403 : i32 to index
        %swap3A_1466 = arith.constant 48 : index
        %swap3A_1467 = tpu.vector_load %arg11[%swap3A_1465, %swap3A_1466] {strides = array<i32>} : memref<200x64xf32, #tpu.memory_space<vmem>>, vector<1x16xf32>,
        %swap3A_1468 = vector.shape_cast %swap3A_1467 : vector<1x16xf32> to vector<16xf32>
        %swap3A_1469 = vector.shape_cast %add3A_1464 : vector<16xf32> to vector<1x16xf32>
        tpu.vector_store %arg11[%swap3A_1465, %swap3A_1466], %swap3A_1469 {strides = array<i32>} : memref<200x64xf32, #tpu.memory_space<vmem>>, vector<1x16xf32>,
        %mul3A_1470 = arith.constant 16 : i32
        %mul3A_1471 = arith.muli %scan3A_692, %mul3A_1470 : i32
        %add3A_1472 = arith.constant 11 : i32
        %add3A_1473 = arith.addi %mul3A_1471, %add3A_1472 : i32
        %slice3A_1474 = vector.extract_strided_slice %get3A_699 {offsets = [11], sizes = [1], strides = [1]} : vector<16xi32> to vector<1xi32>
        %squeeze3A_1475 = vector.extract %slice3A_1474[0] : i32 from vector<1xi32>
        %add3A_1476 = arith.constant 0 : i32
        %add3A_1477 = arith.addi %squeeze3A_1475, %add3A_1476 : i32
        %get3A_1478 = arith.index_cast %add3A_1473 : i32 to index
        %get3A_1479 = arith.index_cast %add3A_1477 : i32 to index
        %get3A_1480 = tpu.vector_load %arg10[%get3A_1478, %get3A_1479] {strides = array<i32>} : memref<200x128xf32, #tpu.memory_space<vmem>>, vector<1x16xf32>,
        %get3A_1481 = vector.shape_cast %get3A_1480 : vector<1x16xf32> to vector<16xf32>
        %get3A_1482 = arith.index_cast %add3A_1473 : i32 to index
        %get3A_1483 = arith.constant 0 : index
        %get3A_1484 = tpu.vector_load %arg7[%get3A_1482, %get3A_1483] {strides = array<i32>} : memref<200x64xf32, #tpu.memory_space<vmem>>, vector<1x16xf32>,
        %get3A_1485 = vector.shape_cast %get3A_1484 : vector<1x16xf32> to vector<16xf32>
        %add3A_1486 = arith.addf %get3A_1481, %get3A_1485 : vector<16xf32>
        %swap3A_1487 = arith.index_cast %add3A_1473 : i32 to index
        %swap3A_1488 = arith.constant 0 : index
        %swap3A_1489 = tpu.vector_load %arg11[%swap3A_1487, %swap3A_1488] {strides = array<i32>} : memref<200x64xf32, #tpu.memory_space<vmem>>, vector<1x16xf32>,
        %swap3A_1490 = vector.shape_cast %swap3A_1489 : vector<1x16xf32> to vector<16xf32>
        %swap3A_1491 = vector.shape_cast %add3A_1486 : vector<16xf32> to vector<1x16xf32>
        tpu.vector_store %arg11[%swap3A_1487, %swap3A_1488], %swap3A_1491 {strides = array<i32>} : memref<200x64xf32, #tpu.memory_space<vmem>>, vector<1x16xf32>,
        %add3A_1492 = arith.constant 16 : i32
        %add3A_1493 = arith.addi %squeeze3A_1475, %add3A_1492 : i32
        %get3A_1494 = arith.index_cast %add3A_1473 : i32 to index
        %get3A_1495 = arith.index_cast %add3A_1493 : i32 to index
        %get3A_1496 = tpu.vector_load %arg10[%get3A_1494, %get3A_1495] {strides = array<i32>} : memref<200x128xf32, #tpu.memory_space<vmem>>, vector<1x16xf32>,
        %get3A_1497 = vector.shape_cast %get3A_1496 : vector<1x16xf32> to vector<16xf32>
        %get3A_1498 = arith.index_cast %add3A_1473 : i32 to index
        %get3A_1499 = arith.constant 16 : index
        %get3A_1500 = tpu.vector_load %arg7[%get3A_1498, %get3A_1499] {strides = array<i32>} : memref<200x64xf32, #tpu.memory_space<vmem>>, vector<1x16xf32>,
        %get3A_1501 = vector.shape_cast %get3A_1500 : vector<1x16xf32> to vector<16xf32>
        %add3A_1502 = arith.addf %get3A_1497, %get3A_1501 : vector<16xf32>
        %swap3A_1503 = arith.index_cast %add3A_1473 : i32 to index
        %swap3A_1504 = arith.constant 16 : index
        %swap3A_1505 = tpu.vector_load %arg11[%swap3A_1503, %swap3A_1504] {strides = array<i32>} : memref<200x64xf32, #tpu.memory_space<vmem>>, vector<1x16xf32>,
        %swap3A_1506 = vector.shape_cast %swap3A_1505 : vector<1x16xf32> to vector<16xf32>
        %swap3A_1507 = vector.shape_cast %add3A_1502 : vector<16xf32> to vector<1x16xf32>
        tpu.vector_store %arg11[%swap3A_1503, %swap3A_1504], %swap3A_1507 {strides = array<i32>} : memref<200x64xf32, #tpu.memory_space<vmem>>, vector<1x16xf32>,
        %add3A_1508 = arith.constant 32 : i32
        %add3A_1509 = arith.addi %squeeze3A_1475, %add3A_1508 : i32
        %get3A_1510 = arith.index_cast %add3A_1473 : i32 to index
        %get3A_1511 = arith.index_cast %add3A_1509 : i32 to index
        %get3A_1512 = tpu.vector_load %arg10[%get3A_1510, %get3A_1511] {strides = array<i32>} : memref<200x128xf32, #tpu.memory_space<vmem>>, vector<1x16xf32>,
        %get3A_1513 = vector.shape_cast %get3A_1512 : vector<1x16xf32> to vector<16xf32>
        %get3A_1514 = arith.index_cast %add3A_1473 : i32 to index
        %get3A_1515 = arith.constant 32 : index
        %get3A_1516 = tpu.vector_load %arg7[%get3A_1514, %get3A_1515] {strides = array<i32>} : memref<200x64xf32, #tpu.memory_space<vmem>>, vector<1x16xf32>,
        %get3A_1517 = vector.shape_cast %get3A_1516 : vector<1x16xf32> to vector<16xf32>
        %add3A_1518 = arith.addf %get3A_1513, %get3A_1517 : vector<16xf32>
        %swap3A_1519 = arith.index_cast %add3A_1473 : i32 to index
        %swap3A_1520 = arith.constant 32 : index
        %swap3A_1521 = tpu.vector_load %arg11[%swap3A_1519, %swap3A_1520] {strides = array<i32>} : memref<200x64xf32, #tpu.memory_space<vmem>>, vector<1x16xf32>,
        %swap3A_1522 = vector.shape_cast %swap3A_1521 : vector<1x16xf32> to vector<16xf32>
        %swap3A_1523 = vector.shape_cast %add3A_1518 : vector<16xf32> to vector<1x16xf32>
        tpu.vector_store %arg11[%swap3A_1519, %swap3A_1520], %swap3A_1523 {strides = array<i32>} : memref<200x64xf32, #tpu.memory_space<vmem>>, vector<1x16xf32>,
        %add3A_1524 = arith.constant 48 : i32
        %add3A_1525 = arith.addi %squeeze3A_1475, %add3A_1524 : i32
        %get3A_1526 = arith.index_cast %add3A_1473 : i32 to index
        %get3A_1527 = arith.index_cast %add3A_1525 : i32 to index
        %get3A_1528 = tpu.vector_load %arg10[%get3A_1526, %get3A_1527] {strides = array<i32>} : memref<200x128xf32, #tpu.memory_space<vmem>>, vector<1x16xf32>,
        %get3A_1529 = vector.shape_cast %get3A_1528 : vector<1x16xf32> to vector<16xf32>
        %get3A_1530 = arith.index_cast %add3A_1473 : i32 to index
        %get3A_1531 = arith.constant 48 : index
        %get3A_1532 = tpu.vector_load %arg7[%get3A_1530, %get3A_1531] {strides = array<i32>} : memref<200x64xf32, #tpu.memory_space<vmem>>, vector<1x16xf32>,
        %get3A_1533 = vector.shape_cast %get3A_1532 : vector<1x16xf32> to vector<16xf32>
        %add3A_1534 = arith.addf %get3A_1529, %get3A_1533 : vector<16xf32>
        %swap3A_1535 = arith.index_cast %add3A_1473 : i32 to index
        %swap3A_1536 = arith.constant 48 : index
        %swap3A_1537 = tpu.vector_load %arg11[%swap3A_1535, %swap3A_1536] {strides = array<i32>} : memref<200x64xf32, #tpu.memory_space<vmem>>, vector<1x16xf32>,
        %swap3A_1538 = vector.shape_cast %swap3A_1537 : vector<1x16xf32> to vector<16xf32>
        %swap3A_1539 = vector.shape_cast %add3A_1534 : vector<16xf32> to vector<1x16xf32>
        tpu.vector_store %arg11[%swap3A_1535, %swap3A_1536], %swap3A_1539 {strides = array<i32>} : memref<200x64xf32, #tpu.memory_space<vmem>>, vector<1x16xf32>,
        %mul3A_1540 = arith.constant 16 : i32
        %mul3A_1541 = arith.muli %scan3A_692, %mul3A_1540 : i32
        %add3A_1542 = arith.constant 12 : i32
        %add3A_1543 = arith.addi %mul3A_1541, %add3A_1542 : i32
        %slice3A_1544 = vector.extract_strided_slice %get3A_699 {offsets = [12], sizes = [1], strides = [1]} : vector<16xi32> to vector<1xi32>
        %squeeze3A_1545 = vector.extract %slice3A_1544[0] : i32 from vector<1xi32>
        %add3A_1546 = arith.constant 0 : i32
        %add3A_1547 = arith.addi %squeeze3A_1545, %add3A_1546 : i32
        %get3A_1548 = arith.index_cast %add3A_1543 : i32 to index
        %get3A_1549 = arith.index_cast %add3A_1547 : i32 to index
        %get3A_1550 = tpu.vector_load %arg10[%get3A_1548, %get3A_1549] {strides = array<i32>} : memref<200x128xf32, #tpu.memory_space<vmem>>, vector<1x16xf32>,
        %get3A_1551 = vector.shape_cast %get3A_1550 : vector<1x16xf32> to vector<16xf32>
        %get3A_1552 = arith.index_cast %add3A_1543 : i32 to index
        %get3A_1553 = arith.constant 0 : index
        %get3A_1554 = tpu.vector_load %arg7[%get3A_1552, %get3A_1553] {strides = array<i32>} : memref<200x64xf32, #tpu.memory_space<vmem>>, vector<1x16xf32>,
        %get3A_1555 = vector.shape_cast %get3A_1554 : vector<1x16xf32> to vector<16xf32>
        %add3A_1556 = arith.addf %get3A_1551, %get3A_1555 : vector<16xf32>
        %swap3A_1557 = arith.index_cast %add3A_1543 : i32 to index
        %swap3A_1558 = arith.constant 0 : index
        %swap3A_1559 = tpu.vector_load %arg11[%swap3A_1557, %swap3A_1558] {strides = array<i32>} : memref<200x64xf32, #tpu.memory_space<vmem>>, vector<1x16xf32>,
        %swap3A_1560 = vector.shape_cast %swap3A_1559 : vector<1x16xf32> to vector<16xf32>
        %swap3A_1561 = vector.shape_cast %add3A_1556 : vector<16xf32> to vector<1x16xf32>
        tpu.vector_store %arg11[%swap3A_1557, %swap3A_1558], %swap3A_1561 {strides = array<i32>} : memref<200x64xf32, #tpu.memory_space<vmem>>, vector<1x16xf32>,
        %add3A_1562 = arith.constant 16 : i32
        %add3A_1563 = arith.addi %squeeze3A_1545, %add3A_1562 : i32
        %get3A_1564 = arith.index_cast %add3A_1543 : i32 to index
        %get3A_1565 = arith.index_cast %add3A_1563 : i32 to index
        %get3A_1566 = tpu.vector_load %arg10[%get3A_1564, %get3A_1565] {strides = array<i32>} : memref<200x128xf32, #tpu.memory_space<vmem>>, vector<1x16xf32>,
        %get3A_1567 = vector.shape_cast %get3A_1566 : vector<1x16xf32> to vector<16xf32>
        %get3A_1568 = arith.index_cast %add3A_1543 : i32 to index
        %get3A_1569 = arith.constant 16 : index
        %get3A_1570 = tpu.vector_load %arg7[%get3A_1568, %get3A_1569] {strides = array<i32>} : memref<200x64xf32, #tpu.memory_space<vmem>>, vector<1x16xf32>,
        %get3A_1571 = vector.shape_cast %get3A_1570 : vector<1x16xf32> to vector<16xf32>
        %add3A_1572 = arith.addf %get3A_1567, %get3A_1571 : vector<16xf32>
        %swap3A_1573 = arith.index_cast %add3A_1543 : i32 to index
        %swap3A_1574 = arith.constant 16 : index
        %swap3A_1575 = tpu.vector_load %arg11[%swap3A_1573, %swap3A_1574] {strides = array<i32>} : memref<200x64xf32, #tpu.memory_space<vmem>>, vector<1x16xf32>,
        %swap3A_1576 = vector.shape_cast %swap3A_1575 : vector<1x16xf32> to vector<16xf32>
        %swap3A_1577 = vector.shape_cast %add3A_1572 : vector<16xf32> to vector<1x16xf32>
        tpu.vector_store %arg11[%swap3A_1573, %swap3A_1574], %swap3A_1577 {strides = array<i32>} : memref<200x64xf32, #tpu.memory_space<vmem>>, vector<1x16xf32>,
        %add3A_1578 = arith.constant 32 : i32
        %add3A_1579 = arith.addi %squeeze3A_1545, %add3A_1578 : i32
        %get3A_1580 = arith.index_cast %add3A_1543 : i32 to index
        %get3A_1581 = arith.index_cast %add3A_1579 : i32 to index
        %get3A_1582 = tpu.vector_load %arg10[%get3A_1580, %get3A_1581] {strides = array<i32>} : memref<200x128xf32, #tpu.memory_space<vmem>>, vector<1x16xf32>,
        %get3A_1583 = vector.shape_cast %get3A_1582 : vector<1x16xf32> to vector<16xf32>
        %get3A_1584 = arith.index_cast %add3A_1543 : i32 to index
        %get3A_1585 = arith.constant 32 : index
        %get3A_1586 = tpu.vector_load %arg7[%get3A_1584, %get3A_1585] {strides = array<i32>} : memref<200x64xf32, #tpu.memory_space<vmem>>, vector<1x16xf32>,
        %get3A_1587 = vector.shape_cast %get3A_1586 : vector<1x16xf32> to vector<16xf32>
        %add3A_1588 = arith.addf %get3A_1583, %get3A_1587 : vector<16xf32>
        %swap3A_1589 = arith.index_cast %add3A_1543 : i32 to index
        %swap3A_1590 = arith.constant 32 : index
        %swap3A_1591 = tpu.vector_load %arg11[%swap3A_1589, %swap3A_1590] {strides = array<i32>} : memref<200x64xf32, #tpu.memory_space<vmem>>, vector<1x16xf32>,
        %swap3A_1592 = vector.shape_cast %swap3A_1591 : vector<1x16xf32> to vector<16xf32>
        %swap3A_1593 = vector.shape_cast %add3A_1588 : vector<16xf32> to vector<1x16xf32>
        tpu.vector_store %arg11[%swap3A_1589, %swap3A_1590], %swap3A_1593 {strides = array<i32>} : memref<200x64xf32, #tpu.memory_space<vmem>>, vector<1x16xf32>,
        %add3A_1594 = arith.constant 48 : i32
        %add3A_1595 = arith.addi %squeeze3A_1545, %add3A_1594 : i32
        %get3A_1596 = arith.index_cast %add3A_1543 : i32 to index
        %get3A_1597 = arith.index_cast %add3A_1595 : i32 to index
        %get3A_1598 = tpu.vector_load %arg10[%get3A_1596, %get3A_1597] {strides = array<i32>} : memref<200x128xf32, #tpu.memory_space<vmem>>, vector<1x16xf32>,
        %get3A_1599 = vector.shape_cast %get3A_1598 : vector<1x16xf32> to vector<16xf32>
        %get3A_1600 = arith.index_cast %add3A_1543 : i32 to index
        %get3A_1601 = arith.constant 48 : index
        %get3A_1602 = tpu.vector_load %arg7[%get3A_1600, %get3A_1601] {strides = array<i32>} : memref<200x64xf32, #tpu.memory_space<vmem>>, vector<1x16xf32>,
        %get3A_1603 = vector.shape_cast %get3A_1602 : vector<1x16xf32> to vector<16xf32>
        %add3A_1604 = arith.addf %get3A_1599, %get3A_1603 : vector<16xf32>
        %swap3A_1605 = arith.index_cast %add3A_1543 : i32 to index
        %swap3A_1606 = arith.constant 48 : index
        %swap3A_1607 = tpu.vector_load %arg11[%swap3A_1605, %swap3A_1606] {strides = array<i32>} : memref<200x64xf32, #tpu.memory_space<vmem>>, vector<1x16xf32>,
        %swap3A_1608 = vector.shape_cast %swap3A_1607 : vector<1x16xf32> to vector<16xf32>
        %swap3A_1609 = vector.shape_cast %add3A_1604 : vector<16xf32> to vector<1x16xf32>
        tpu.vector_store %arg11[%swap3A_1605, %swap3A_1606], %swap3A_1609 {strides = array<i32>} : memref<200x64xf32, #tpu.memory_space<vmem>>, vector<1x16xf32>,
        %mul3A_1610 = arith.constant 16 : i32
        %mul3A_1611 = arith.muli %scan3A_692, %mul3A_1610 : i32
        %add3A_1612 = arith.constant 13 : i32
        %add3A_1613 = arith.addi %mul3A_1611, %add3A_1612 : i32
        %slice3A_1614 = vector.extract_strided_slice %get3A_699 {offsets = [13], sizes = [1], strides = [1]} : vector<16xi32> to vector<1xi32>
        %squeeze3A_1615 = vector.extract %slice3A_1614[0] : i32 from vector<1xi32>
        %add3A_1616 = arith.constant 0 : i32
        %add3A_1617 = arith.addi %squeeze3A_1615, %add3A_1616 : i32
        %get3A_1618 = arith.index_cast %add3A_1613 : i32 to index
        %get3A_1619 = arith.index_cast %add3A_1617 : i32 to index
        %get3A_1620 = tpu.vector_load %arg10[%get3A_1618, %get3A_1619] {strides = array<i32>} : memref<200x128xf32, #tpu.memory_space<vmem>>, vector<1x16xf32>,
        %get3A_1621 = vector.shape_cast %get3A_1620 : vector<1x16xf32> to vector<16xf32>
        %get3A_1622 = arith.index_cast %add3A_1613 : i32 to index
        %get3A_1623 = arith.constant 0 : index
        %get3A_1624 = tpu.vector_load %arg7[%get3A_1622, %get3A_1623] {strides = array<i32>} : memref<200x64xf32, #tpu.memory_space<vmem>>, vector<1x16xf32>,
        %get3A_1625 = vector.shape_cast %get3A_1624 : vector<1x16xf32> to vector<16xf32>
        %add3A_1626 = arith.addf %get3A_1621, %get3A_1625 : vector<16xf32>
        %swap3A_1627 = arith.index_cast %add3A_1613 : i32 to index
        %swap3A_1628 = arith.constant 0 : index
        %swap3A_1629 = tpu.vector_load %arg11[%swap3A_1627, %swap3A_1628] {strides = array<i32>} : memref<200x64xf32, #tpu.memory_space<vmem>>, vector<1x16xf32>,
        %swap3A_1630 = vector.shape_cast %swap3A_1629 : vector<1x16xf32> to vector<16xf32>
        %swap3A_1631 = vector.shape_cast %add3A_1626 : vector<16xf32> to vector<1x16xf32>
        tpu.vector_store %arg11[%swap3A_1627, %swap3A_1628], %swap3A_1631 {strides = array<i32>} : memref<200x64xf32, #tpu.memory_space<vmem>>, vector<1x16xf32>,
        %add3A_1632 = arith.constant 16 : i32
        %add3A_1633 = arith.addi %squeeze3A_1615, %add3A_1632 : i32
        %get3A_1634 = arith.index_cast %add3A_1613 : i32 to index
        %get3A_1635 = arith.index_cast %add3A_1633 : i32 to index
        %get3A_1636 = tpu.vector_load %arg10[%get3A_1634, %get3A_1635] {strides = array<i32>} : memref<200x128xf32, #tpu.memory_space<vmem>>, vector<1x16xf32>,
        %get3A_1637 = vector.shape_cast %get3A_1636 : vector<1x16xf32> to vector<16xf32>
        %get3A_1638 = arith.index_cast %add3A_1613 : i32 to index
        %get3A_1639 = arith.constant 16 : index
        %get3A_1640 = tpu.vector_load %arg7[%get3A_1638, %get3A_1639] {strides = array<i32>} : memref<200x64xf32, #tpu.memory_space<vmem>>, vector<1x16xf32>,
        %get3A_1641 = vector.shape_cast %get3A_1640 : vector<1x16xf32> to vector<16xf32>
        %add3A_1642 = arith.addf %get3A_1637, %get3A_1641 : vector<16xf32>
        %swap3A_1643 = arith.index_cast %add3A_1613 : i32 to index
        %swap3A_1644 = arith.constant 16 : index
        %swap3A_1645 = tpu.vector_load %arg11[%swap3A_1643, %swap3A_1644] {strides = array<i32>} : memref<200x64xf32, #tpu.memory_space<vmem>>, vector<1x16xf32>,
        %swap3A_1646 = vector.shape_cast %swap3A_1645 : vector<1x16xf32> to vector<16xf32>
        %swap3A_1647 = vector.shape_cast %add3A_1642 : vector<16xf32> to vector<1x16xf32>
        tpu.vector_store %arg11[%swap3A_1643, %swap3A_1644], %swap3A_1647 {strides = array<i32>} : memref<200x64xf32, #tpu.memory_space<vmem>>, vector<1x16xf32>,
        %add3A_1648 = arith.constant 32 : i32
        %add3A_1649 = arith.addi %squeeze3A_1615, %add3A_1648 : i32
        %get3A_1650 = arith.index_cast %add3A_1613 : i32 to index
        %get3A_1651 = arith.index_cast %add3A_1649 : i32 to index
        %get3A_1652 = tpu.vector_load %arg10[%get3A_1650, %get3A_1651] {strides = array<i32>} : memref<200x128xf32, #tpu.memory_space<vmem>>, vector<1x16xf32>,
        %get3A_1653 = vector.shape_cast %get3A_1652 : vector<1x16xf32> to vector<16xf32>
        %get3A_1654 = arith.index_cast %add3A_1613 : i32 to index
        %get3A_1655 = arith.constant 32 : index
        %get3A_1656 = tpu.vector_load %arg7[%get3A_1654, %get3A_1655] {strides = array<i32>} : memref<200x64xf32, #tpu.memory_space<vmem>>, vector<1x16xf32>,
        %get3A_1657 = vector.shape_cast %get3A_1656 : vector<1x16xf32> to vector<16xf32>
        %add3A_1658 = arith.addf %get3A_1653, %get3A_1657 : vector<16xf32>
        %swap3A_1659 = arith.index_cast %add3A_1613 : i32 to index
        %swap3A_1660 = arith.constant 32 : index
        %swap3A_1661 = tpu.vector_load %arg11[%swap3A_1659, %swap3A_1660] {strides = array<i32>} : memref<200x64xf32, #tpu.memory_space<vmem>>, vector<1x16xf32>,
        %swap3A_1662 = vector.shape_cast %swap3A_1661 : vector<1x16xf32> to vector<16xf32>
        %swap3A_1663 = vector.shape_cast %add3A_1658 : vector<16xf32> to vector<1x16xf32>
        tpu.vector_store %arg11[%swap3A_1659, %swap3A_1660], %swap3A_1663 {strides = array<i32>} : memref<200x64xf32, #tpu.memory_space<vmem>>, vector<1x16xf32>,
        %add3A_1664 = arith.constant 48 : i32
        %add3A_1665 = arith.addi %squeeze3A_1615, %add3A_1664 : i32
        %get3A_1666 = arith.index_cast %add3A_1613 : i32 to index
        %get3A_1667 = arith.index_cast %add3A_1665 : i32 to index
        %get3A_1668 = tpu.vector_load %arg10[%get3A_1666, %get3A_1667] {strides = array<i32>} : memref<200x128xf32, #tpu.memory_space<vmem>>, vector<1x16xf32>,
        %get3A_1669 = vector.shape_cast %get3A_1668 : vector<1x16xf32> to vector<16xf32>
        %get3A_1670 = arith.index_cast %add3A_1613 : i32 to index
        %get3A_1671 = arith.constant 48 : index
        %get3A_1672 = tpu.vector_load %arg7[%get3A_1670, %get3A_1671] {strides = array<i32>} : memref<200x64xf32, #tpu.memory_space<vmem>>, vector<1x16xf32>,
        %get3A_1673 = vector.shape_cast %get3A_1672 : vector<1x16xf32> to vector<16xf32>
        %add3A_1674 = arith.addf %get3A_1669, %get3A_1673 : vector<16xf32>
        %swap3A_1675 = arith.index_cast %add3A_1613 : i32 to index
        %swap3A_1676 = arith.constant 48 : index
        %swap3A_1677 = tpu.vector_load %arg11[%swap3A_1675, %swap3A_1676] {strides = array<i32>} : memref<200x64xf32, #tpu.memory_space<vmem>>, vector<1x16xf32>,
        %swap3A_1678 = vector.shape_cast %swap3A_1677 : vector<1x16xf32> to vector<16xf32>
        %swap3A_1679 = vector.shape_cast %add3A_1674 : vector<16xf32> to vector<1x16xf32>
        tpu.vector_store %arg11[%swap3A_1675, %swap3A_1676], %swap3A_1679 {strides = array<i32>} : memref<200x64xf32, #tpu.memory_space<vmem>>, vector<1x16xf32>,
        %mul3A_1680 = arith.constant 16 : i32
        %mul3A_1681 = arith.muli %scan3A_692, %mul3A_1680 : i32
        %add3A_1682 = arith.constant 14 : i32
        %add3A_1683 = arith.addi %mul3A_1681, %add3A_1682 : i32
        %slice3A_1684 = vector.extract_strided_slice %get3A_699 {offsets = [14], sizes = [1], strides = [1]} : vector<16xi32> to vector<1xi32>
        %squeeze3A_1685 = vector.extract %slice3A_1684[0] : i32 from vector<1xi32>
        %add3A_1686 = arith.constant 0 : i32
        %add3A_1687 = arith.addi %squeeze3A_1685, %add3A_1686 : i32
        %get3A_1688 = arith.index_cast %add3A_1683 : i32 to index
        %get3A_1689 = arith.index_cast %add3A_1687 : i32 to index
        %get3A_1690 = tpu.vector_load %arg10[%get3A_1688, %get3A_1689] {strides = array<i32>} : memref<200x128xf32, #tpu.memory_space<vmem>>, vector<1x16xf32>,
        %get3A_1691 = vector.shape_cast %get3A_1690 : vector<1x16xf32> to vector<16xf32>
        %get3A_1692 = arith.index_cast %add3A_1683 : i32 to index
        %get3A_1693 = arith.constant 0 : index
        %get3A_1694 = tpu.vector_load %arg7[%get3A_1692, %get3A_1693] {strides = array<i32>} : memref<200x64xf32, #tpu.memory_space<vmem>>, vector<1x16xf32>,
        %get3A_1695 = vector.shape_cast %get3A_1694 : vector<1x16xf32> to vector<16xf32>
        %add3A_1696 = arith.addf %get3A_1691, %get3A_1695 : vector<16xf32>
        %swap3A_1697 = arith.index_cast %add3A_1683 : i32 to index
        %swap3A_1698 = arith.constant 0 : index
        %swap3A_1699 = tpu.vector_load %arg11[%swap3A_1697, %swap3A_1698] {strides = array<i32>} : memref<200x64xf32, #tpu.memory_space<vmem>>, vector<1x16xf32>,
        %swap3A_1700 = vector.shape_cast %swap3A_1699 : vector<1x16xf32> to vector<16xf32>
        %swap3A_1701 = vector.shape_cast %add3A_1696 : vector<16xf32> to vector<1x16xf32>
        tpu.vector_store %arg11[%swap3A_1697, %swap3A_1698], %swap3A_1701 {strides = array<i32>} : memref<200x64xf32, #tpu.memory_space<vmem>>, vector<1x16xf32>,
        %add3A_1702 = arith.constant 16 : i32
        %add3A_1703 = arith.addi %squeeze3A_1685, %add3A_1702 : i32
        %get3A_1704 = arith.index_cast %add3A_1683 : i32 to index
        %get3A_1705 = arith.index_cast %add3A_1703 : i32 to index
        %get3A_1706 = tpu.vector_load %arg10[%get3A_1704, %get3A_1705] {strides = array<i32>} : memref<200x128xf32, #tpu.memory_space<vmem>>, vector<1x16xf32>,
        %get3A_1707 = vector.shape_cast %get3A_1706 : vector<1x16xf32> to vector<16xf32>
        %get3A_1708 = arith.index_cast %add3A_1683 : i32 to index
        %get3A_1709 = arith.constant 16 : index
        %get3A_1710 = tpu.vector_load %arg7[%get3A_1708, %get3A_1709] {strides = array<i32>} : memref<200x64xf32, #tpu.memory_space<vmem>>, vector<1x16xf32>,
        %get3A_1711 = vector.shape_cast %get3A_1710 : vector<1x16xf32> to vector<16xf32>
        %add3A_1712 = arith.addf %get3A_1707, %get3A_1711 : vector<16xf32>
        %swap3A_1713 = arith.index_cast %add3A_1683 : i32 to index
        %swap3A_1714 = arith.constant 16 : index
        %swap3A_1715 = tpu.vector_load %arg11[%swap3A_1713, %swap3A_1714] {strides = array<i32>} : memref<200x64xf32, #tpu.memory_space<vmem>>, vector<1x16xf32>,
        %swap3A_1716 = vector.shape_cast %swap3A_1715 : vector<1x16xf32> to vector<16xf32>
        %swap3A_1717 = vector.shape_cast %add3A_1712 : vector<16xf32> to vector<1x16xf32>
        tpu.vector_store %arg11[%swap3A_1713, %swap3A_1714], %swap3A_1717 {strides = array<i32>} : memref<200x64xf32, #tpu.memory_space<vmem>>, vector<1x16xf32>,
        %add3A_1718 = arith.constant 32 : i32
        %add3A_1719 = arith.addi %squeeze3A_1685, %add3A_1718 : i32
        %get3A_1720 = arith.index_cast %add3A_1683 : i32 to index
        %get3A_1721 = arith.index_cast %add3A_1719 : i32 to index
        %get3A_1722 = tpu.vector_load %arg10[%get3A_1720, %get3A_1721] {strides = array<i32>} : memref<200x128xf32, #tpu.memory_space<vmem>>, vector<1x16xf32>,
        %get3A_1723 = vector.shape_cast %get3A_1722 : vector<1x16xf32> to vector<16xf32>
        %get3A_1724 = arith.index_cast %add3A_1683 : i32 to index
        %get3A_1725 = arith.constant 32 : index
        %get3A_1726 = tpu.vector_load %arg7[%get3A_1724, %get3A_1725] {strides = array<i32>} : memref<200x64xf32, #tpu.memory_space<vmem>>, vector<1x16xf32>,
        %get3A_1727 = vector.shape_cast %get3A_1726 : vector<1x16xf32> to vector<16xf32>
        %add3A_1728 = arith.addf %get3A_1723, %get3A_1727 : vector<16xf32>
        %swap3A_1729 = arith.index_cast %add3A_1683 : i32 to index
        %swap3A_1730 = arith.constant 32 : index
        %swap3A_1731 = tpu.vector_load %arg11[%swap3A_1729, %swap3A_1730] {strides = array<i32>} : memref<200x64xf32, #tpu.memory_space<vmem>>, vector<1x16xf32>,
        %swap3A_1732 = vector.shape_cast %swap3A_1731 : vector<1x16xf32> to vector<16xf32>
        %swap3A_1733 = vector.shape_cast %add3A_1728 : vector<16xf32> to vector<1x16xf32>
        tpu.vector_store %arg11[%swap3A_1729, %swap3A_1730], %swap3A_1733 {strides = array<i32>} : memref<200x64xf32, #tpu.memory_space<vmem>>, vector<1x16xf32>,
        %add3A_1734 = arith.constant 48 : i32
        %add3A_1735 = arith.addi %squeeze3A_1685, %add3A_1734 : i32
        %get3A_1736 = arith.index_cast %add3A_1683 : i32 to index
        %get3A_1737 = arith.index_cast %add3A_1735 : i32 to index
        %get3A_1738 = tpu.vector_load %arg10[%get3A_1736, %get3A_1737] {strides = array<i32>} : memref<200x128xf32, #tpu.memory_space<vmem>>, vector<1x16xf32>,
        %get3A_1739 = vector.shape_cast %get3A_1738 : vector<1x16xf32> to vector<16xf32>
        %get3A_1740 = arith.index_cast %add3A_1683 : i32 to index
        %get3A_1741 = arith.constant 48 : index
        %get3A_1742 = tpu.vector_load %arg7[%get3A_1740, %get3A_1741] {strides = array<i32>} : memref<200x64xf32, #tpu.memory_space<vmem>>, vector<1x16xf32>,
        %get3A_1743 = vector.shape_cast %get3A_1742 : vector<1x16xf32> to vector<16xf32>
        %add3A_1744 = arith.addf %get3A_1739, %get3A_1743 : vector<16xf32>
        %swap3A_1745 = arith.index_cast %add3A_1683 : i32 to index
        %swap3A_1746 = arith.constant 48 : index
        %swap3A_1747 = tpu.vector_load %arg11[%swap3A_1745, %swap3A_1746] {strides = array<i32>} : memref<200x64xf32, #tpu.memory_space<vmem>>, vector<1x16xf32>,
        %swap3A_1748 = vector.shape_cast %swap3A_1747 : vector<1x16xf32> to vector<16xf32>
        %swap3A_1749 = vector.shape_cast %add3A_1744 : vector<16xf32> to vector<1x16xf32>
        tpu.vector_store %arg11[%swap3A_1745, %swap3A_1746], %swap3A_1749 {strides = array<i32>} : memref<200x64xf32, #tpu.memory_space<vmem>>, vector<1x16xf32>,
        %mul3A_1750 = arith.constant 16 : i32
        %mul3A_1751 = arith.muli %scan3A_692, %mul3A_1750 : i32
        %add3A_1752 = arith.constant 15 : i32
        %add3A_1753 = arith.addi %mul3A_1751, %add3A_1752 : i32
        %slice3A_1754 = vector.extract_strided_slice %get3A_699 {offsets = [15], sizes = [1], strides = [1]} : vector<16xi32> to vector<1xi32>
        %squeeze3A_1755 = vector.extract %slice3A_1754[0] : i32 from vector<1xi32>
        %add3A_1756 = arith.constant 0 : i32
        %add3A_1757 = arith.addi %squeeze3A_1755, %add3A_1756 : i32
        %get3A_1758 = arith.index_cast %add3A_1753 : i32 to index
        %get3A_1759 = arith.index_cast %add3A_1757 : i32 to index
        %get3A_1760 = tpu.vector_load %arg10[%get3A_1758, %get3A_1759] {strides = array<i32>} : memref<200x128xf32, #tpu.memory_space<vmem>>, vector<1x16xf32>,
        %get3A_1761 = vector.shape_cast %get3A_1760 : vector<1x16xf32> to vector<16xf32>
        %get3A_1762 = arith.index_cast %add3A_1753 : i32 to index
        %get3A_1763 = arith.constant 0 : index
        %get3A_1764 = tpu.vector_load %arg7[%get3A_1762, %get3A_1763] {strides = array<i32>} : memref<200x64xf32, #tpu.memory_space<vmem>>, vector<1x16xf32>,
        %get3A_1765 = vector.shape_cast %get3A_1764 : vector<1x16xf32> to vector<16xf32>
        %add3A_1766 = arith.addf %get3A_1761, %get3A_1765 : vector<16xf32>
        %swap3A_1767 = arith.index_cast %add3A_1753 : i32 to index
        %swap3A_1768 = arith.constant 0 : index
        %swap3A_1769 = tpu.vector_load %arg11[%swap3A_1767, %swap3A_1768] {strides = array<i32>} : memref<200x64xf32, #tpu.memory_space<vmem>>, vector<1x16xf32>,
        %swap3A_1770 = vector.shape_cast %swap3A_1769 : vector<1x16xf32> to vector<16xf32>
        %swap3A_1771 = vector.shape_cast %add3A_1766 : vector<16xf32> to vector<1x16xf32>
        tpu.vector_store %arg11[%swap3A_1767, %swap3A_1768], %swap3A_1771 {strides = array<i32>} : memref<200x64xf32, #tpu.memory_space<vmem>>, vector<1x16xf32>,
        %add3A_1772 = arith.constant 16 : i32
        %add3A_1773 = arith.addi %squeeze3A_1755, %add3A_1772 : i32
        %get3A_1774 = arith.index_cast %add3A_1753 : i32 to index
        %get3A_1775 = arith.index_cast %add3A_1773 : i32 to index
        %get3A_1776 = tpu.vector_load %arg10[%get3A_1774, %get3A_1775] {strides = array<i32>} : memref<200x128xf32, #tpu.memory_space<vmem>>, vector<1x16xf32>,
        %get3A_1777 = vector.shape_cast %get3A_1776 : vector<1x16xf32> to vector<16xf32>
        %get3A_1778 = arith.index_cast %add3A_1753 : i32 to index
        %get3A_1779 = arith.constant 16 : index
        %get3A_1780 = tpu.vector_load %arg7[%get3A_1778, %get3A_1779] {strides = array<i32>} : memref<200x64xf32, #tpu.memory_space<vmem>>, vector<1x16xf32>,
        %get3A_1781 = vector.shape_cast %get3A_1780 : vector<1x16xf32> to vector<16xf32>
        %add3A_1782 = arith.addf %get3A_1777, %get3A_1781 : vector<16xf32>
        %swap3A_1783 = arith.index_cast %add3A_1753 : i32 to index
        %swap3A_1784 = arith.constant 16 : index
        %swap3A_1785 = tpu.vector_load %arg11[%swap3A_1783, %swap3A_1784] {strides = array<i32>} : memref<200x64xf32, #tpu.memory_space<vmem>>, vector<1x16xf32>,
        %swap3A_1786 = vector.shape_cast %swap3A_1785 : vector<1x16xf32> to vector<16xf32>
        %swap3A_1787 = vector.shape_cast %add3A_1782 : vector<16xf32> to vector<1x16xf32>
        tpu.vector_store %arg11[%swap3A_1783, %swap3A_1784], %swap3A_1787 {strides = array<i32>} : memref<200x64xf32, #tpu.memory_space<vmem>>, vector<1x16xf32>,
        %add3A_1788 = arith.constant 32 : i32
        %add3A_1789 = arith.addi %squeeze3A_1755, %add3A_1788 : i32
        %get3A_1790 = arith.index_cast %add3A_1753 : i32 to index
        %get3A_1791 = arith.index_cast %add3A_1789 : i32 to index
        %get3A_1792 = tpu.vector_load %arg10[%get3A_1790, %get3A_1791] {strides = array<i32>} : memref<200x128xf32, #tpu.memory_space<vmem>>, vector<1x16xf32>,
        %get3A_1793 = vector.shape_cast %get3A_1792 : vector<1x16xf32> to vector<16xf32>
        %get3A_1794 = arith.index_cast %add3A_1753 : i32 to index
        %get3A_1795 = arith.constant 32 : index
        %get3A_1796 = tpu.vector_load %arg7[%get3A_1794, %get3A_1795] {strides = array<i32>} : memref<200x64xf32, #tpu.memory_space<vmem>>, vector<1x16xf32>,
        %get3A_1797 = vector.shape_cast %get3A_1796 : vector<1x16xf32> to vector<16xf32>
        %add3A_1798 = arith.addf %get3A_1793, %get3A_1797 : vector<16xf32>
        %swap3A_1799 = arith.index_cast %add3A_1753 : i32 to index
        %swap3A_1800 = arith.constant 32 : index
        %swap3A_1801 = tpu.vector_load %arg11[%swap3A_1799, %swap3A_1800] {strides = array<i32>} : memref<200x64xf32, #tpu.memory_space<vmem>>, vector<1x16xf32>,
        %swap3A_1802 = vector.shape_cast %swap3A_1801 : vector<1x16xf32> to vector<16xf32>
        %swap3A_1803 = vector.shape_cast %add3A_1798 : vector<16xf32> to vector<1x16xf32>
        tpu.vector_store %arg11[%swap3A_1799, %swap3A_1800], %swap3A_1803 {strides = array<i32>} : memref<200x64xf32, #tpu.memory_space<vmem>>, vector<1x16xf32>,
        %add3A_1804 = arith.constant 48 : i32
        %add3A_1805 = arith.addi %squeeze3A_1755, %add3A_1804 : i32
        %get3A_1806 = arith.index_cast %add3A_1753 : i32 to index
        %get3A_1807 = arith.index_cast %add3A_1805 : i32 to index
        %get3A_1808 = tpu.vector_load %arg10[%get3A_1806, %get3A_1807] {strides = array<i32>} : memref<200x128xf32, #tpu.memory_space<vmem>>, vector<1x16xf32>,
        %get3A_1809 = vector.shape_cast %get3A_1808 : vector<1x16xf32> to vector<16xf32>
        %get3A_1810 = arith.index_cast %add3A_1753 : i32 to index
        %get3A_1811 = arith.constant 48 : index
        %get3A_1812 = tpu.vector_load %arg7[%get3A_1810, %get3A_1811] {strides = array<i32>} : memref<200x64xf32, #tpu.memory_space<vmem>>, vector<1x16xf32>,
        %get3A_1813 = vector.shape_cast %get3A_1812 : vector<1x16xf32> to vector<16xf32>
        %add3A_1814 = arith.addf %get3A_1809, %get3A_1813 : vector<16xf32>
        %swap3A_1815 = arith.index_cast %add3A_1753 : i32 to index
        %swap3A_1816 = arith.constant 48 : index
        %swap3A_1817 = tpu.vector_load %arg11[%swap3A_1815, %swap3A_1816] {strides = array<i32>} : memref<200x64xf32, #tpu.memory_space<vmem>>, vector<1x16xf32>,
        %swap3A_1818 = vector.shape_cast %swap3A_1817 : vector<1x16xf32> to vector<16xf32>
        %swap3A_1819 = vector.shape_cast %add3A_1814 : vector<16xf32> to vector<1x16xf32>
        tpu.vector_store %arg11[%swap3A_1815, %swap3A_1816], %swap3A_1819 {strides = array<i32>} : memref<200x64xf32, #tpu.memory_space<vmem>>, vector<1x16xf32>,
      }
      %scan3A_65 = arith.constant 12 : i32
      %get3A = arith.constant 0 : i32
      %get3A_66 = arith.index_cast %get3A : i32 to index
      %get3A_67 = arith.constant 184 : index
      %get3A_68 = tpu.vector_load %arg9[%get3A_66, %get3A_67] {strides = array<i32>} : memref<1x200xi32, #tpu.memory_space<vmem>>, vector<1x16xi32>,
      %get3A_69 = vector.shape_cast %get3A_68 : vector<1x16xi32> to vector<16xi32>
      %slice3A = vector.extract_strided_slice %get3A_69 {offsets = [8], sizes = [1], strides = [1]} : vector<16xi32> to vector<1xi32>
      %squeeze3A = vector.extract %slice3A[0] : i32 from vector<1xi32>
      %add3A_70 = arith.constant 0 : i32
      %add3A_71 = arith.addi %squeeze3A, %add3A_70 : i32
      %get3A_72 = arith.constant 192 : i32
      %get3A_73 = arith.index_cast %get3A_72 : i32 to index
      %get3A_74 = arith.index_cast %add3A_71 : i32 to index
      %get3A_75 = tpu.vector_load %arg10[%get3A_73, %get3A_74] {strides = array<i32>} : memref<200x128xf32, #tpu.memory_space<vmem>>, vector<1x16xf32>,
      %get3A_76 = vector.shape_cast %get3A_75 : vector<1x16xf32> to vector<16xf32>
      %get3A_77 = arith.constant 192 : i32
      %get3A_78 = arith.index_cast %get3A_77 : i32 to index
      %get3A_79 = arith.constant 0 : index
      %get3A_80 = tpu.vector_load %arg7[%get3A_78, %get3A_79] {strides = array<i32>} : memref<200x64xf32, #tpu.memory_space<vmem>>, vector<1x16xf32>,
      %get3A_81 = vector.shape_cast %get3A_80 : vector<1x16xf32> to vector<16xf32>
      %add3A_82 = arith.addf %get3A_76, %get3A_81 : vector<16xf32>
      %swap3A = arith.constant 192 : i32
      %swap3A_83 = arith.index_cast %swap3A : i32 to index
      %swap3A_84 = arith.constant 0 : index
      %swap3A_85 = tpu.vector_load %arg11[%swap3A_83, %swap3A_84] {strides = array<i32>} : memref<200x64xf32, #tpu.memory_space<vmem>>, vector<1x16xf32>,
      %swap3A_86 = vector.shape_cast %swap3A_85 : vector<1x16xf32> to vector<16xf32>
      %swap3A_87 = vector.shape_cast %add3A_82 : vector<16xf32> to vector<1x16xf32>
      tpu.vector_store %arg11[%swap3A_83, %swap3A_84], %swap3A_87 {strides = array<i32>} : memref<200x64xf32, #tpu.memory_space<vmem>>, vector<1x16xf32>,
      %add3A_88 = arith.constant 16 : i32
      %add3A_89 = arith.addi %squeeze3A, %add3A_88 : i32
      %get3A_90 = arith.constant 192 : i32
      %get3A_91 = arith.index_cast %get3A_90 : i32 to index
      %get3A_92 = arith.index_cast %add3A_89 : i32 to index
      %get3A_93 = tpu.vector_load %arg10[%get3A_91, %get3A_92] {strides = array<i32>} : memref<200x128xf32, #tpu.memory_space<vmem>>, vector<1x16xf32>,
      %get3A_94 = vector.shape_cast %get3A_93 : vector<1x16xf32> to vector<16xf32>
      %get3A_95 = arith.constant 192 : i32
      %get3A_96 = arith.index_cast %get3A_95 : i32 to index
      %get3A_97 = arith.constant 16 : index
      %get3A_98 = tpu.vector_load %arg7[%get3A_96, %get3A_97] {strides = array<i32>} : memref<200x64xf32, #tpu.memory_space<vmem>>, vector<1x16xf32>,
      %get3A_99 = vector.shape_cast %get3A_98 : vector<1x16xf32> to vector<16xf32>
      %add3A_100 = arith.addf %get3A_94, %get3A_99 : vector<16xf32>
      %swap3A_101 = arith.constant 192 : i32
      %swap3A_102 = arith.index_cast %swap3A_101 : i32 to index
      %swap3A_103 = arith.constant 16 : index
      %swap3A_104 = tpu.vector_load %arg11[%swap3A_102, %swap3A_103] {strides = array<i32>} : memref<200x64xf32, #tpu.memory_space<vmem>>, vector<1x16xf32>,
      %swap3A_105 = vector.shape_cast %swap3A_104 : vector<1x16xf32> to vector<16xf32>
      %swap3A_106 = vector.shape_cast %add3A_100 : vector<16xf32> to vector<1x16xf32>
      tpu.vector_store %arg11[%swap3A_102, %swap3A_103], %swap3A_106 {strides = array<i32>} : memref<200x64xf32, #tpu.memory_space<vmem>>, vector<1x16xf32>,
      %add3A_107 = arith.constant 32 : i32
      %add3A_108 = arith.addi %squeeze3A, %add3A_107 : i32
      %get3A_109 = arith.constant 192 : i32
      %get3A_110 = arith.index_cast %get3A_109 : i32 to index
      %get3A_111 = arith.index_cast %add3A_108 : i32 to index
      %get3A_112 = tpu.vector_load %arg10[%get3A_110, %get3A_111] {strides = array<i32>} : memref<200x128xf32, #tpu.memory_space<vmem>>, vector<1x16xf32>,
      %get3A_113 = vector.shape_cast %get3A_112 : vector<1x16xf32> to vector<16xf32>
      %get3A_114 = arith.constant 192 : i32
      %get3A_115 = arith.index_cast %get3A_114 : i32 to index
      %get3A_116 = arith.constant 32 : index
      %get3A_117 = tpu.vector_load %arg7[%get3A_115, %get3A_116] {strides = array<i32>} : memref<200x64xf32, #tpu.memory_space<vmem>>, vector<1x16xf32>,
      %get3A_118 = vector.shape_cast %get3A_117 : vector<1x16xf32> to vector<16xf32>
      %add3A_119 = arith.addf %get3A_113, %get3A_118 : vector<16xf32>
      %swap3A_120 = arith.constant 192 : i32
      %swap3A_121 = arith.index_cast %swap3A_120 : i32 to index
      %swap3A_122 = arith.constant 32 : index
      %swap3A_123 = tpu.vector_load %arg11[%swap3A_121, %swap3A_122] {strides = array<i32>} : memref<200x64xf32, #tpu.memory_space<vmem>>, vector<1x16xf32>,
      %swap3A_124 = vector.shape_cast %swap3A_123 : vector<1x16xf32> to vector<16xf32>
      %swap3A_125 = vector.shape_cast %add3A_119 : vector<16xf32> to vector<1x16xf32>
      tpu.vector_store %arg11[%swap3A_121, %swap3A_122], %swap3A_125 {strides = array<i32>} : memref<200x64xf32, #tpu.memory_space<vmem>>, vector<1x16xf32>,
      %add3A_126 = arith.constant 48 : i32
      %add3A_127 = arith.addi %squeeze3A, %add3A_126 : i32
      %get3A_128 = arith.constant 192 : i32
      %get3A_129 = arith.index_cast %get3A_128 : i32 to index
      %get3A_130 = arith.index_cast %add3A_127 : i32 to index
      %get3A_131 = tpu.vector_load %arg10[%get3A_129, %get3A_130] {strides = array<i32>} : memref<200x128xf32, #tpu.memory_space<vmem>>, vector<1x16xf32>,
      %get3A_132 = vector.shape_cast %get3A_131 : vector<1x16xf32> to vector<16xf32>
      %get3A_133 = arith.constant 192 : i32
      %get3A_134 = arith.index_cast %get3A_133 : i32 to index
      %get3A_135 = arith.constant 48 : index
      %get3A_136 = tpu.vector_load %arg7[%get3A_134, %get3A_135] {strides = array<i32>} : memref<200x64xf32, #tpu.memory_space<vmem>>, vector<1x16xf32>,
      %get3A_137 = vector.shape_cast %get3A_136 : vector<1x16xf32> to vector<16xf32>
      %add3A_138 = arith.addf %get3A_132, %get3A_137 : vector<16xf32>
      %swap3A_139 = arith.constant 192 : i32
      %swap3A_140 = arith.index_cast %swap3A_139 : i32 to index
      %swap3A_141 = arith.constant 48 : index
      %swap3A_142 = tpu.vector_load %arg11[%swap3A_140, %swap3A_141] {strides = array<i32>} : memref<200x64xf32, #tpu.memory_space<vmem>>, vector<1x16xf32>,
      %swap3A_143 = vector.shape_cast %swap3A_142 : vector<1x16xf32> to vector<16xf32>
      %swap3A_144 = vector.shape_cast %add3A_138 : vector<16xf32> to vector<1x16xf32>
      tpu.vector_store %arg11[%swap3A_140, %swap3A_141], %swap3A_144 {strides = array<i32>} : memref<200x64xf32, #tpu.memory_space<vmem>>, vector<1x16xf32>,
      %slice3A_145 = vector.extract_strided_slice %get3A_69 {offsets = [9], sizes = [1], strides = [1]} : vector<16xi32> to vector<1xi32>
      %squeeze3A_146 = vector.extract %slice3A_145[0] : i32 from vector<1xi32>
      %add3A_147 = arith.constant 0 : i32
      %add3A_148 = arith.addi %squeeze3A_146, %add3A_147 : i32
      %get3A_149 = arith.constant 193 : i32
      %get3A_150 = arith.index_cast %get3A_149 : i32 to index
      %get3A_151 = arith.index_cast %add3A_148 : i32 to index
      %get3A_152 = tpu.vector_load %arg10[%get3A_150, %get3A_151] {strides = array<i32>} : memref<200x128xf32, #tpu.memory_space<vmem>>, vector<1x16xf32>,
      %get3A_153 = vector.shape_cast %get3A_152 : vector<1x16xf32> to vector<16xf32>
      %get3A_154 = arith.constant 193 : i32
      %get3A_155 = arith.index_cast %get3A_154 : i32 to index
      %get3A_156 = arith.constant 0 : index
      %get3A_157 = tpu.vector_load %arg7[%get3A_155, %get3A_156] {strides = array<i32>} : memref<200x64xf32, #tpu.memory_space<vmem>>, vector<1x16xf32>,
      %get3A_158 = vector.shape_cast %get3A_157 : vector<1x16xf32> to vector<16xf32>
      %add3A_159 = arith.addf %get3A_153, %get3A_158 : vector<16xf32>
      %swap3A_160 = arith.constant 193 : i32
      %swap3A_161 = arith.index_cast %swap3A_160 : i32 to index
      %swap3A_162 = arith.constant 0 : index
      %swap3A_163 = tpu.vector_load %arg11[%swap3A_161, %swap3A_162] {strides = array<i32>} : memref<200x64xf32, #tpu.memory_space<vmem>>, vector<1x16xf32>,
      %swap3A_164 = vector.shape_cast %swap3A_163 : vector<1x16xf32> to vector<16xf32>
      %swap3A_165 = vector.shape_cast %add3A_159 : vector<16xf32> to vector<1x16xf32>
      tpu.vector_store %arg11[%swap3A_161, %swap3A_162], %swap3A_165 {strides = array<i32>} : memref<200x64xf32, #tpu.memory_space<vmem>>, vector<1x16xf32>,
      %add3A_166 = arith.constant 16 : i32
      %add3A_167 = arith.addi %squeeze3A_146, %add3A_166 : i32
      %get3A_168 = arith.constant 193 : i32
      %get3A_169 = arith.index_cast %get3A_168 : i32 to index
      %get3A_170 = arith.index_cast %add3A_167 : i32 to index
      %get3A_171 = tpu.vector_load %arg10[%get3A_169, %get3A_170] {strides = array<i32>} : memref<200x128xf32, #tpu.memory_space<vmem>>, vector<1x16xf32>,
      %get3A_172 = vector.shape_cast %get3A_171 : vector<1x16xf32> to vector<16xf32>
      %get3A_173 = arith.constant 193 : i32
      %get3A_174 = arith.index_cast %get3A_173 : i32 to index
      %get3A_175 = arith.constant 16 : index
      %get3A_176 = tpu.vector_load %arg7[%get3A_174, %get3A_175] {strides = array<i32>} : memref<200x64xf32, #tpu.memory_space<vmem>>, vector<1x16xf32>,
      %get3A_177 = vector.shape_cast %get3A_176 : vector<1x16xf32> to vector<16xf32>
      %add3A_178 = arith.addf %get3A_172, %get3A_177 : vector<16xf32>
      %swap3A_179 = arith.constant 193 : i32
      %swap3A_180 = arith.index_cast %swap3A_179 : i32 to index
      %swap3A_181 = arith.constant 16 : index
      %swap3A_182 = tpu.vector_load %arg11[%swap3A_180, %swap3A_181] {strides = array<i32>} : memref<200x64xf32, #tpu.memory_space<vmem>>, vector<1x16xf32>,
      %swap3A_183 = vector.shape_cast %swap3A_182 : vector<1x16xf32> to vector<16xf32>
      %swap3A_184 = vector.shape_cast %add3A_178 : vector<16xf32> to vector<1x16xf32>
      tpu.vector_store %arg11[%swap3A_180, %swap3A_181], %swap3A_184 {strides = array<i32>} : memref<200x64xf32, #tpu.memory_space<vmem>>, vector<1x16xf32>,
      %add3A_185 = arith.constant 32 : i32
      %add3A_186 = arith.addi %squeeze3A_146, %add3A_185 : i32
      %get3A_187 = arith.constant 193 : i32
      %get3A_188 = arith.index_cast %get3A_187 : i32 to index
      %get3A_189 = arith.index_cast %add3A_186 : i32 to index
      %get3A_190 = tpu.vector_load %arg10[%get3A_188, %get3A_189] {strides = array<i32>} : memref<200x128xf32, #tpu.memory_space<vmem>>, vector<1x16xf32>,
      %get3A_191 = vector.shape_cast %get3A_190 : vector<1x16xf32> to vector<16xf32>
      %get3A_192 = arith.constant 193 : i32
      %get3A_193 = arith.index_cast %get3A_192 : i32 to index
      %get3A_194 = arith.constant 32 : index
      %get3A_195 = tpu.vector_load %arg7[%get3A_193, %get3A_194] {strides = array<i32>} : memref<200x64xf32, #tpu.memory_space<vmem>>, vector<1x16xf32>,
      %get3A_196 = vector.shape_cast %get3A_195 : vector<1x16xf32> to vector<16xf32>
      %add3A_197 = arith.addf %get3A_191, %get3A_196 : vector<16xf32>
      %swap3A_198 = arith.constant 193 : i32
      %swap3A_199 = arith.index_cast %swap3A_198 : i32 to index
      %swap3A_200 = arith.constant 32 : index
      %swap3A_201 = tpu.vector_load %arg11[%swap3A_199, %swap3A_200] {strides = array<i32>} : memref<200x64xf32, #tpu.memory_space<vmem>>, vector<1x16xf32>,
      %swap3A_202 = vector.shape_cast %swap3A_201 : vector<1x16xf32> to vector<16xf32>
      %swap3A_203 = vector.shape_cast %add3A_197 : vector<16xf32> to vector<1x16xf32>
      tpu.vector_store %arg11[%swap3A_199, %swap3A_200], %swap3A_203 {strides = array<i32>} : memref<200x64xf32, #tpu.memory_space<vmem>>, vector<1x16xf32>,
      %add3A_204 = arith.constant 48 : i32
      %add3A_205 = arith.addi %squeeze3A_146, %add3A_204 : i32
      %get3A_206 = arith.constant 193 : i32
      %get3A_207 = arith.index_cast %get3A_206 : i32 to index
      %get3A_208 = arith.index_cast %add3A_205 : i32 to index
      %get3A_209 = tpu.vector_load %arg10[%get3A_207, %get3A_208] {strides = array<i32>} : memref<200x128xf32, #tpu.memory_space<vmem>>, vector<1x16xf32>,
      %get3A_210 = vector.shape_cast %get3A_209 : vector<1x16xf32> to vector<16xf32>
      %get3A_211 = arith.constant 193 : i32
      %get3A_212 = arith.index_cast %get3A_211 : i32 to index
      %get3A_213 = arith.constant 48 : index
      %get3A_214 = tpu.vector_load %arg7[%get3A_212, %get3A_213] {strides = array<i32>} : memref<200x64xf32, #tpu.memory_space<vmem>>, vector<1x16xf32>,
      %get3A_215 = vector.shape_cast %get3A_214 : vector<1x16xf32> to vector<16xf32>
      %add3A_216 = arith.addf %get3A_210, %get3A_215 : vector<16xf32>
      %swap3A_217 = arith.constant 193 : i32
      %swap3A_218 = arith.index_cast %swap3A_217 : i32 to index
      %swap3A_219 = arith.constant 48 : index
      %swap3A_220 = tpu.vector_load %arg11[%swap3A_218, %swap3A_219] {strides = array<i32>} : memref<200x64xf32, #tpu.memory_space<vmem>>, vector<1x16xf32>,
      %swap3A_221 = vector.shape_cast %swap3A_220 : vector<1x16xf32> to vector<16xf32>
      %swap3A_222 = vector.shape_cast %add3A_216 : vector<16xf32> to vector<1x16xf32>
      tpu.vector_store %arg11[%swap3A_218, %swap3A_219], %swap3A_222 {strides = array<i32>} : memref<200x64xf32, #tpu.memory_space<vmem>>, vector<1x16xf32>,
      %slice3A_223 = vector.extract_strided_slice %get3A_69 {offsets = [10], sizes = [1], strides = [1]} : vector<16xi32> to vector<1xi32>
      %squeeze3A_224 = vector.extract %slice3A_223[0] : i32 from vector<1xi32>
      %add3A_225 = arith.constant 0 : i32
      %add3A_226 = arith.addi %squeeze3A_224, %add3A_225 : i32
      %get3A_227 = arith.constant 194 : i32
      %get3A_228 = arith.index_cast %get3A_227 : i32 to index
      %get3A_229 = arith.index_cast %add3A_226 : i32 to index
      %get3A_230 = tpu.vector_load %arg10[%get3A_228, %get3A_229] {strides = array<i32>} : memref<200x128xf32, #tpu.memory_space<vmem>>, vector<1x16xf32>,
      %get3A_231 = vector.shape_cast %get3A_230 : vector<1x16xf32> to vector<16xf32>
      %get3A_232 = arith.constant 194 : i32
      %get3A_233 = arith.index_cast %get3A_232 : i32 to index
      %get3A_234 = arith.constant 0 : index
      %get3A_235 = tpu.vector_load %arg7[%get3A_233, %get3A_234] {strides = array<i32>} : memref<200x64xf32, #tpu.memory_space<vmem>>, vector<1x16xf32>,
      %get3A_236 = vector.shape_cast %get3A_235 : vector<1x16xf32> to vector<16xf32>
      %add3A_237 = arith.addf %get3A_231, %get3A_236 : vector<16xf32>
      %swap3A_238 = arith.constant 194 : i32
      %swap3A_239 = arith.index_cast %swap3A_238 : i32 to index
      %swap3A_240 = arith.constant 0 : index
      %swap3A_241 = tpu.vector_load %arg11[%swap3A_239, %swap3A_240] {strides = array<i32>} : memref<200x64xf32, #tpu.memory_space<vmem>>, vector<1x16xf32>,
      %swap3A_242 = vector.shape_cast %swap3A_241 : vector<1x16xf32> to vector<16xf32>
      %swap3A_243 = vector.shape_cast %add3A_237 : vector<16xf32> to vector<1x16xf32>
      tpu.vector_store %arg11[%swap3A_239, %swap3A_240], %swap3A_243 {strides = array<i32>} : memref<200x64xf32, #tpu.memory_space<vmem>>, vector<1x16xf32>,
      %add3A_244 = arith.constant 16 : i32
      %add3A_245 = arith.addi %squeeze3A_224, %add3A_244 : i32
      %get3A_246 = arith.constant 194 : i32
      %get3A_247 = arith.index_cast %get3A_246 : i32 to index
      %get3A_248 = arith.index_cast %add3A_245 : i32 to index
      %get3A_249 = tpu.vector_load %arg10[%get3A_247, %get3A_248] {strides = array<i32>} : memref<200x128xf32, #tpu.memory_space<vmem>>, vector<1x16xf32>,
      %get3A_250 = vector.shape_cast %get3A_249 : vector<1x16xf32> to vector<16xf32>
      %get3A_251 = arith.constant 194 : i32
      %get3A_252 = arith.index_cast %get3A_251 : i32 to index
      %get3A_253 = arith.constant 16 : index
      %get3A_254 = tpu.vector_load %arg7[%get3A_252, %get3A_253] {strides = array<i32>} : memref<200x64xf32, #tpu.memory_space<vmem>>, vector<1x16xf32>,
      %get3A_255 = vector.shape_cast %get3A_254 : vector<1x16xf32> to vector<16xf32>
      %add3A_256 = arith.addf %get3A_250, %get3A_255 : vector<16xf32>
      %swap3A_257 = arith.constant 194 : i32
      %swap3A_258 = arith.index_cast %swap3A_257 : i32 to index
      %swap3A_259 = arith.constant 16 : index
      %swap3A_260 = tpu.vector_load %arg11[%swap3A_258, %swap3A_259] {strides = array<i32>} : memref<200x64xf32, #tpu.memory_space<vmem>>, vector<1x16xf32>,
      %swap3A_261 = vector.shape_cast %swap3A_260 : vector<1x16xf32> to vector<16xf32>
      %swap3A_262 = vector.shape_cast %add3A_256 : vector<16xf32> to vector<1x16xf32>
      tpu.vector_store %arg11[%swap3A_258, %swap3A_259], %swap3A_262 {strides = array<i32>} : memref<200x64xf32, #tpu.memory_space<vmem>>, vector<1x16xf32>,
      %add3A_263 = arith.constant 32 : i32
      %add3A_264 = arith.addi %squeeze3A_224, %add3A_263 : i32
      %get3A_265 = arith.constant 194 : i32
      %get3A_266 = arith.index_cast %get3A_265 : i32 to index
      %get3A_267 = arith.index_cast %add3A_264 : i32 to index
      %get3A_268 = tpu.vector_load %arg10[%get3A_266, %get3A_267] {strides = array<i32>} : memref<200x128xf32, #tpu.memory_space<vmem>>, vector<1x16xf32>,
      %get3A_269 = vector.shape_cast %get3A_268 : vector<1x16xf32> to vector<16xf32>
      %get3A_270 = arith.constant 194 : i32
      %get3A_271 = arith.index_cast %get3A_270 : i32 to index
      %get3A_272 = arith.constant 32 : index
      %get3A_273 = tpu.vector_load %arg7[%get3A_271, %get3A_272] {strides = array<i32>} : memref<200x64xf32, #tpu.memory_space<vmem>>, vector<1x16xf32>,
      %get3A_274 = vector.shape_cast %get3A_273 : vector<1x16xf32> to vector<16xf32>
      %add3A_275 = arith.addf %get3A_269, %get3A_274 : vector<16xf32>
      %swap3A_276 = arith.constant 194 : i32
      %swap3A_277 = arith.index_cast %swap3A_276 : i32 to index
      %swap3A_278 = arith.constant 32 : index
      %swap3A_279 = tpu.vector_load %arg11[%swap3A_277, %swap3A_278] {strides = array<i32>} : memref<200x64xf32, #tpu.memory_space<vmem>>, vector<1x16xf32>,
      %swap3A_280 = vector.shape_cast %swap3A_279 : vector<1x16xf32> to vector<16xf32>
      %swap3A_281 = vector.shape_cast %add3A_275 : vector<16xf32> to vector<1x16xf32>
      tpu.vector_store %arg11[%swap3A_277, %swap3A_278], %swap3A_281 {strides = array<i32>} : memref<200x64xf32, #tpu.memory_space<vmem>>, vector<1x16xf32>,
      %add3A_282 = arith.constant 48 : i32
      %add3A_283 = arith.addi %squeeze3A_224, %add3A_282 : i32
      %get3A_284 = arith.constant 194 : i32
      %get3A_285 = arith.index_cast %get3A_284 : i32 to index
      %get3A_286 = arith.index_cast %add3A_283 : i32 to index
      %get3A_287 = tpu.vector_load %arg10[%get3A_285, %get3A_286] {strides = array<i32>} : memref<200x128xf32, #tpu.memory_space<vmem>>, vector<1x16xf32>,
      %get3A_288 = vector.shape_cast %get3A_287 : vector<1x16xf32> to vector<16xf32>
      %get3A_289 = arith.constant 194 : i32
      %get3A_290 = arith.index_cast %get3A_289 : i32 to index
      %get3A_291 = arith.constant 48 : index
      %get3A_292 = tpu.vector_load %arg7[%get3A_290, %get3A_291] {strides = array<i32>} : memref<200x64xf32, #tpu.memory_space<vmem>>, vector<1x16xf32>,
      %get3A_293 = vector.shape_cast %get3A_292 : vector<1x16xf32> to vector<16xf32>
      %add3A_294 = arith.addf %get3A_288, %get3A_293 : vector<16xf32>
      %swap3A_295 = arith.constant 194 : i32
      %swap3A_296 = arith.index_cast %swap3A_295 : i32 to index
      %swap3A_297 = arith.constant 48 : index
      %swap3A_298 = tpu.vector_load %arg11[%swap3A_296, %swap3A_297] {strides = array<i32>} : memref<200x64xf32, #tpu.memory_space<vmem>>, vector<1x16xf32>,
      %swap3A_299 = vector.shape_cast %swap3A_298 : vector<1x16xf32> to vector<16xf32>
      %swap3A_300 = vector.shape_cast %add3A_294 : vector<16xf32> to vector<1x16xf32>
      tpu.vector_store %arg11[%swap3A_296, %swap3A_297], %swap3A_300 {strides = array<i32>} : memref<200x64xf32, #tpu.memory_space<vmem>>, vector<1x16xf32>,
      %slice3A_301 = vector.extract_strided_slice %get3A_69 {offsets = [11], sizes = [1], strides = [1]} : vector<16xi32> to vector<1xi32>
      %squeeze3A_302 = vector.extract %slice3A_301[0] : i32 from vector<1xi32>
      %add3A_303 = arith.constant 0 : i32
      %add3A_304 = arith.addi %squeeze3A_302, %add3A_303 : i32
      %get3A_305 = arith.constant 195 : i32
      %get3A_306 = arith.index_cast %get3A_305 : i32 to index
      %get3A_307 = arith.index_cast %add3A_304 : i32 to index
      %get3A_308 = tpu.vector_load %arg10[%get3A_306, %get3A_307] {strides = array<i32>} : memref<200x128xf32, #tpu.memory_space<vmem>>, vector<1x16xf32>,
      %get3A_309 = vector.shape_cast %get3A_308 : vector<1x16xf32> to vector<16xf32>
      %get3A_310 = arith.constant 195 : i32
      %get3A_311 = arith.index_cast %get3A_310 : i32 to index
      %get3A_312 = arith.constant 0 : index
      %get3A_313 = tpu.vector_load %arg7[%get3A_311, %get3A_312] {strides = array<i32>} : memref<200x64xf32, #tpu.memory_space<vmem>>, vector<1x16xf32>,
      %get3A_314 = vector.shape_cast %get3A_313 : vector<1x16xf32> to vector<16xf32>
      %add3A_315 = arith.addf %get3A_309, %get3A_314 : vector<16xf32>
      %swap3A_316 = arith.constant 195 : i32
      %swap3A_317 = arith.index_cast %swap3A_316 : i32 to index
      %swap3A_318 = arith.constant 0 : index
      %swap3A_319 = tpu.vector_load %arg11[%swap3A_317, %swap3A_318] {strides = array<i32>} : memref<200x64xf32, #tpu.memory_space<vmem>>, vector<1x16xf32>,
      %swap3A_320 = vector.shape_cast %swap3A_319 : vector<1x16xf32> to vector<16xf32>
      %swap3A_321 = vector.shape_cast %add3A_315 : vector<16xf32> to vector<1x16xf32>
      tpu.vector_store %arg11[%swap3A_317, %swap3A_318], %swap3A_321 {strides = array<i32>} : memref<200x64xf32, #tpu.memory_space<vmem>>, vector<1x16xf32>,
      %add3A_322 = arith.constant 16 : i32
      %add3A_323 = arith.addi %squeeze3A_302, %add3A_322 : i32
      %get3A_324 = arith.constant 195 : i32
      %get3A_325 = arith.index_cast %get3A_324 : i32 to index
      %get3A_326 = arith.index_cast %add3A_323 : i32 to index
      %get3A_327 = tpu.vector_load %arg10[%get3A_325, %get3A_326] {strides = array<i32>} : memref<200x128xf32, #tpu.memory_space<vmem>>, vector<1x16xf32>,
      %get3A_328 = vector.shape_cast %get3A_327 : vector<1x16xf32> to vector<16xf32>
      %get3A_329 = arith.constant 195 : i32
      %get3A_330 = arith.index_cast %get3A_329 : i32 to index
      %get3A_331 = arith.constant 16 : index
      %get3A_332 = tpu.vector_load %arg7[%get3A_330, %get3A_331] {strides = array<i32>} : memref<200x64xf32, #tpu.memory_space<vmem>>, vector<1x16xf32>,
      %get3A_333 = vector.shape_cast %get3A_332 : vector<1x16xf32> to vector<16xf32>
      %add3A_334 = arith.addf %get3A_328, %get3A_333 : vector<16xf32>
      %swap3A_335 = arith.constant 195 : i32
      %swap3A_336 = arith.index_cast %swap3A_335 : i32 to index
      %swap3A_337 = arith.constant 16 : index
      %swap3A_338 = tpu.vector_load %arg11[%swap3A_336, %swap3A_337] {strides = array<i32>} : memref<200x64xf32, #tpu.memory_space<vmem>>, vector<1x16xf32>,
      %swap3A_339 = vector.shape_cast %swap3A_338 : vector<1x16xf32> to vector<16xf32>
      %swap3A_340 = vector.shape_cast %add3A_334 : vector<16xf32> to vector<1x16xf32>
      tpu.vector_store %arg11[%swap3A_336, %swap3A_337], %swap3A_340 {strides = array<i32>} : memref<200x64xf32, #tpu.memory_space<vmem>>, vector<1x16xf32>,
      %add3A_341 = arith.constant 32 : i32
      %add3A_342 = arith.addi %squeeze3A_302, %add3A_341 : i32
      %get3A_343 = arith.constant 195 : i32
      %get3A_344 = arith.index_cast %get3A_343 : i32 to index
      %get3A_345 = arith.index_cast %add3A_342 : i32 to index
      %get3A_346 = tpu.vector_load %arg10[%get3A_344, %get3A_345] {strides = array<i32>} : memref<200x128xf32, #tpu.memory_space<vmem>>, vector<1x16xf32>,
      %get3A_347 = vector.shape_cast %get3A_346 : vector<1x16xf32> to vector<16xf32>
      %get3A_348 = arith.constant 195 : i32
      %get3A_349 = arith.index_cast %get3A_348 : i32 to index
      %get3A_350 = arith.constant 32 : index
      %get3A_351 = tpu.vector_load %arg7[%get3A_349, %get3A_350] {strides = array<i32>} : memref<200x64xf32, #tpu.memory_space<vmem>>, vector<1x16xf32>,
      %get3A_352 = vector.shape_cast %get3A_351 : vector<1x16xf32> to vector<16xf32>
      %add3A_353 = arith.addf %get3A_347, %get3A_352 : vector<16xf32>
      %swap3A_354 = arith.constant 195 : i32
      %swap3A_355 = arith.index_cast %swap3A_354 : i32 to index
      %swap3A_356 = arith.constant 32 : index
      %swap3A_357 = tpu.vector_load %arg11[%swap3A_355, %swap3A_356] {strides = array<i32>} : memref<200x64xf32, #tpu.memory_space<vmem>>, vector<1x16xf32>,
      %swap3A_358 = vector.shape_cast %swap3A_357 : vector<1x16xf32> to vector<16xf32>
      %swap3A_359 = vector.shape_cast %add3A_353 : vector<16xf32> to vector<1x16xf32>
      tpu.vector_store %arg11[%swap3A_355, %swap3A_356], %swap3A_359 {strides = array<i32>} : memref<200x64xf32, #tpu.memory_space<vmem>>, vector<1x16xf32>,
      %add3A_360 = arith.constant 48 : i32
      %add3A_361 = arith.addi %squeeze3A_302, %add3A_360 : i32
      %get3A_362 = arith.constant 195 : i32
      %get3A_363 = arith.index_cast %get3A_362 : i32 to index
      %get3A_364 = arith.index_cast %add3A_361 : i32 to index
      %get3A_365 = tpu.vector_load %arg10[%get3A_363, %get3A_364] {strides = array<i32>} : memref<200x128xf32, #tpu.memory_space<vmem>>, vector<1x16xf32>,
      %get3A_366 = vector.shape_cast %get3A_365 : vector<1x16xf32> to vector<16xf32>
      %get3A_367 = arith.constant 195 : i32
      %get3A_368 = arith.index_cast %get3A_367 : i32 to index
      %get3A_369 = arith.constant 48 : index
      %get3A_370 = tpu.vector_load %arg7[%get3A_368, %get3A_369] {strides = array<i32>} : memref<200x64xf32, #tpu.memory_space<vmem>>, vector<1x16xf32>,
      %get3A_371 = vector.shape_cast %get3A_370 : vector<1x16xf32> to vector<16xf32>
      %add3A_372 = arith.addf %get3A_366, %get3A_371 : vector<16xf32>
      %swap3A_373 = arith.constant 195 : i32
      %swap3A_374 = arith.index_cast %swap3A_373 : i32 to index
      %swap3A_375 = arith.constant 48 : index
      %swap3A_376 = tpu.vector_load %arg11[%swap3A_374, %swap3A_375] {strides = array<i32>} : memref<200x64xf32, #tpu.memory_space<vmem>>, vector<1x16xf32>,
      %swap3A_377 = vector.shape_cast %swap3A_376 : vector<1x16xf32> to vector<16xf32>
      %swap3A_378 = vector.shape_cast %add3A_372 : vector<16xf32> to vector<1x16xf32>
      tpu.vector_store %arg11[%swap3A_374, %swap3A_375], %swap3A_378 {strides = array<i32>} : memref<200x64xf32, #tpu.memory_space<vmem>>, vector<1x16xf32>,
      %slice3A_379 = vector.extract_strided_slice %get3A_69 {offsets = [12], sizes = [1], strides = [1]} : vector<16xi32> to vector<1xi32>
      %squeeze3A_380 = vector.extract %slice3A_379[0] : i32 from vector<1xi32>
      %add3A_381 = arith.constant 0 : i32
      %add3A_382 = arith.addi %squeeze3A_380, %add3A_381 : i32
      %get3A_383 = arith.constant 196 : i32
      %get3A_384 = arith.index_cast %get3A_383 : i32 to index
      %get3A_385 = arith.index_cast %add3A_382 : i32 to index
      %get3A_386 = tpu.vector_load %arg10[%get3A_384, %get3A_385] {strides = array<i32>} : memref<200x128xf32, #tpu.memory_space<vmem>>, vector<1x16xf32>,
      %get3A_387 = vector.shape_cast %get3A_386 : vector<1x16xf32> to vector<16xf32>
      %get3A_388 = arith.constant 196 : i32
      %get3A_389 = arith.index_cast %get3A_388 : i32 to index
      %get3A_390 = arith.constant 0 : index
      %get3A_391 = tpu.vector_load %arg7[%get3A_389, %get3A_390] {strides = array<i32>} : memref<200x64xf32, #tpu.memory_space<vmem>>, vector<1x16xf32>,
      %get3A_392 = vector.shape_cast %get3A_391 : vector<1x16xf32> to vector<16xf32>
      %add3A_393 = arith.addf %get3A_387, %get3A_392 : vector<16xf32>
      %swap3A_394 = arith.constant 196 : i32
      %swap3A_395 = arith.index_cast %swap3A_394 : i32 to index
      %swap3A_396 = arith.constant 0 : index
      %swap3A_397 = tpu.vector_load %arg11[%swap3A_395, %swap3A_396] {strides = array<i32>} : memref<200x64xf32, #tpu.memory_space<vmem>>, vector<1x16xf32>,
      %swap3A_398 = vector.shape_cast %swap3A_397 : vector<1x16xf32> to vector<16xf32>
      %swap3A_399 = vector.shape_cast %add3A_393 : vector<16xf32> to vector<1x16xf32>
      tpu.vector_store %arg11[%swap3A_395, %swap3A_396], %swap3A_399 {strides = array<i32>} : memref<200x64xf32, #tpu.memory_space<vmem>>, vector<1x16xf32>,
      %add3A_400 = arith.constant 16 : i32
      %add3A_401 = arith.addi %squeeze3A_380, %add3A_400 : i32
      %get3A_402 = arith.constant 196 : i32
      %get3A_403 = arith.index_cast %get3A_402 : i32 to index
      %get3A_404 = arith.index_cast %add3A_401 : i32 to index
      %get3A_405 = tpu.vector_load %arg10[%get3A_403, %get3A_404] {strides = array<i32>} : memref<200x128xf32, #tpu.memory_space<vmem>>, vector<1x16xf32>,
      %get3A_406 = vector.shape_cast %get3A_405 : vector<1x16xf32> to vector<16xf32>
      %get3A_407 = arith.constant 196 : i32
      %get3A_408 = arith.index_cast %get3A_407 : i32 to index
      %get3A_409 = arith.constant 16 : index
      %get3A_410 = tpu.vector_load %arg7[%get3A_408, %get3A_409] {strides = array<i32>} : memref<200x64xf32, #tpu.memory_space<vmem>>, vector<1x16xf32>,
      %get3A_411 = vector.shape_cast %get3A_410 : vector<1x16xf32> to vector<16xf32>
      %add3A_412 = arith.addf %get3A_406, %get3A_411 : vector<16xf32>
      %swap3A_413 = arith.constant 196 : i32
      %swap3A_414 = arith.index_cast %swap3A_413 : i32 to index
      %swap3A_415 = arith.constant 16 : index
      %swap3A_416 = tpu.vector_load %arg11[%swap3A_414, %swap3A_415] {strides = array<i32>} : memref<200x64xf32, #tpu.memory_space<vmem>>, vector<1x16xf32>,
      %swap3A_417 = vector.shape_cast %swap3A_416 : vector<1x16xf32> to vector<16xf32>
      %swap3A_418 = vector.shape_cast %add3A_412 : vector<16xf32> to vector<1x16xf32>
      tpu.vector_store %arg11[%swap3A_414, %swap3A_415], %swap3A_418 {strides = array<i32>} : memref<200x64xf32, #tpu.memory_space<vmem>>, vector<1x16xf32>,
      %add3A_419 = arith.constant 32 : i32
      %add3A_420 = arith.addi %squeeze3A_380, %add3A_419 : i32
      %get3A_421 = arith.constant 196 : i32
      %get3A_422 = arith.index_cast %get3A_421 : i32 to index
      %get3A_423 = arith.index_cast %add3A_420 : i32 to index
      %get3A_424 = tpu.vector_load %arg10[%get3A_422, %get3A_423] {strides = array<i32>} : memref<200x128xf32, #tpu.memory_space<vmem>>, vector<1x16xf32>,
      %get3A_425 = vector.shape_cast %get3A_424 : vector<1x16xf32> to vector<16xf32>
      %get3A_426 = arith.constant 196 : i32
      %get3A_427 = arith.index_cast %get3A_426 : i32 to index
      %get3A_428 = arith.constant 32 : index
      %get3A_429 = tpu.vector_load %arg7[%get3A_427, %get3A_428] {strides = array<i32>} : memref<200x64xf32, #tpu.memory_space<vmem>>, vector<1x16xf32>,
      %get3A_430 = vector.shape_cast %get3A_429 : vector<1x16xf32> to vector<16xf32>
      %add3A_431 = arith.addf %get3A_425, %get3A_430 : vector<16xf32>
      %swap3A_432 = arith.constant 196 : i32
      %swap3A_433 = arith.index_cast %swap3A_432 : i32 to index
      %swap3A_434 = arith.constant 32 : index
      %swap3A_435 = tpu.vector_load %arg11[%swap3A_433, %swap3A_434] {strides = array<i32>} : memref<200x64xf32, #tpu.memory_space<vmem>>, vector<1x16xf32>,
      %swap3A_436 = vector.shape_cast %swap3A_435 : vector<1x16xf32> to vector<16xf32>
      %swap3A_437 = vector.shape_cast %add3A_431 : vector<16xf32> to vector<1x16xf32>
      tpu.vector_store %arg11[%swap3A_433, %swap3A_434], %swap3A_437 {strides = array<i32>} : memref<200x64xf32, #tpu.memory_space<vmem>>, vector<1x16xf32>,
      %add3A_438 = arith.constant 48 : i32
      %add3A_439 = arith.addi %squeeze3A_380, %add3A_438 : i32
      %get3A_440 = arith.constant 196 : i32
      %get3A_441 = arith.index_cast %get3A_440 : i32 to index
      %get3A_442 = arith.index_cast %add3A_439 : i32 to index
      %get3A_443 = tpu.vector_load %arg10[%get3A_441, %get3A_442] {strides = array<i32>} : memref<200x128xf32, #tpu.memory_space<vmem>>, vector<1x16xf32>,
      %get3A_444 = vector.shape_cast %get3A_443 : vector<1x16xf32> to vector<16xf32>
      %get3A_445 = arith.constant 196 : i32
      %get3A_446 = arith.index_cast %get3A_445 : i32 to index
      %get3A_447 = arith.constant 48 : index
      %get3A_448 = tpu.vector_load %arg7[%get3A_446, %get3A_447] {strides = array<i32>} : memref<200x64xf32, #tpu.memory_space<vmem>>, vector<1x16xf32>,
      %get3A_449 = vector.shape_cast %get3A_448 : vector<1x16xf32> to vector<16xf32>
      %add3A_450 = arith.addf %get3A_444, %get3A_449 : vector<16xf32>
      %swap3A_451 = arith.constant 196 : i32
      %swap3A_452 = arith.index_cast %swap3A_451 : i32 to index
      %swap3A_453 = arith.constant 48 : index
      %swap3A_454 = tpu.vector_load %arg11[%swap3A_452, %swap3A_453] {strides = array<i32>} : memref<200x64xf32, #tpu.memory_space<vmem>>, vector<1x16xf32>,
      %swap3A_455 = vector.shape_cast %swap3A_454 : vector<1x16xf32> to vector<16xf32>
      %swap3A_456 = vector.shape_cast %add3A_450 : vector<16xf32> to vector<1x16xf32>
      tpu.vector_store %arg11[%swap3A_452, %swap3A_453], %swap3A_456 {strides = array<i32>} : memref<200x64xf32, #tpu.memory_space<vmem>>, vector<1x16xf32>,
      %slice3A_457 = vector.extract_strided_slice %get3A_69 {offsets = [13], sizes = [1], strides = [1]} : vector<16xi32> to vector<1xi32>
      %squeeze3A_458 = vector.extract %slice3A_457[0] : i32 from vector<1xi32>
      %add3A_459 = arith.constant 0 : i32
      %add3A_460 = arith.addi %squeeze3A_458, %add3A_459 : i32
      %get3A_461 = arith.constant 197 : i32
      %get3A_462 = arith.index_cast %get3A_461 : i32 to index
      %get3A_463 = arith.index_cast %add3A_460 : i32 to index
      %get3A_464 = tpu.vector_load %arg10[%get3A_462, %get3A_463] {strides = array<i32>} : memref<200x128xf32, #tpu.memory_space<vmem>>, vector<1x16xf32>,
      %get3A_465 = vector.shape_cast %get3A_464 : vector<1x16xf32> to vector<16xf32>
      %get3A_466 = arith.constant 197 : i32
      %get3A_467 = arith.index_cast %get3A_466 : i32 to index
      %get3A_468 = arith.constant 0 : index
      %get3A_469 = tpu.vector_load %arg7[%get3A_467, %get3A_468] {strides = array<i32>} : memref<200x64xf32, #tpu.memory_space<vmem>>, vector<1x16xf32>,
      %get3A_470 = vector.shape_cast %get3A_469 : vector<1x16xf32> to vector<16xf32>
      %add3A_471 = arith.addf %get3A_465, %get3A_470 : vector<16xf32>
      %swap3A_472 = arith.constant 197 : i32
      %swap3A_473 = arith.index_cast %swap3A_472 : i32 to index
      %swap3A_474 = arith.constant 0 : index
      %swap3A_475 = tpu.vector_load %arg11[%swap3A_473, %swap3A_474] {strides = array<i32>} : memref<200x64xf32, #tpu.memory_space<vmem>>, vector<1x16xf32>,
      %swap3A_476 = vector.shape_cast %swap3A_475 : vector<1x16xf32> to vector<16xf32>
      %swap3A_477 = vector.shape_cast %add3A_471 : vector<16xf32> to vector<1x16xf32>
      tpu.vector_store %arg11[%swap3A_473, %swap3A_474], %swap3A_477 {strides = array<i32>} : memref<200x64xf32, #tpu.memory_space<vmem>>, vector<1x16xf32>,
      %add3A_478 = arith.constant 16 : i32
      %add3A_479 = arith.addi %squeeze3A_458, %add3A_478 : i32
      %get3A_480 = arith.constant 197 : i32
      %get3A_481 = arith.index_cast %get3A_480 : i32 to index
      %get3A_482 = arith.index_cast %add3A_479 : i32 to index
      %get3A_483 = tpu.vector_load %arg10[%get3A_481, %get3A_482] {strides = array<i32>} : memref<200x128xf32, #tpu.memory_space<vmem>>, vector<1x16xf32>,
      %get3A_484 = vector.shape_cast %get3A_483 : vector<1x16xf32> to vector<16xf32>
      %get3A_485 = arith.constant 197 : i32
      %get3A_486 = arith.index_cast %get3A_485 : i32 to index
      %get3A_487 = arith.constant 16 : index
      %get3A_488 = tpu.vector_load %arg7[%get3A_486, %get3A_487] {strides = array<i32>} : memref<200x64xf32, #tpu.memory_space<vmem>>, vector<1x16xf32>,
      %get3A_489 = vector.shape_cast %get3A_488 : vector<1x16xf32> to vector<16xf32>
      %add3A_490 = arith.addf %get3A_484, %get3A_489 : vector<16xf32>
      %swap3A_491 = arith.constant 197 : i32
      %swap3A_492 = arith.index_cast %swap3A_491 : i32 to index
      %swap3A_493 = arith.constant 16 : index
      %swap3A_494 = tpu.vector_load %arg11[%swap3A_492, %swap3A_493] {strides = array<i32>} : memref<200x64xf32, #tpu.memory_space<vmem>>, vector<1x16xf32>,
      %swap3A_495 = vector.shape_cast %swap3A_494 : vector<1x16xf32> to vector<16xf32>
      %swap3A_496 = vector.shape_cast %add3A_490 : vector<16xf32> to vector<1x16xf32>
      tpu.vector_store %arg11[%swap3A_492, %swap3A_493], %swap3A_496 {strides = array<i32>} : memref<200x64xf32, #tpu.memory_space<vmem>>, vector<1x16xf32>,
      %add3A_497 = arith.constant 32 : i32
      %add3A_498 = arith.addi %squeeze3A_458, %add3A_497 : i32
      %get3A_499 = arith.constant 197 : i32
      %get3A_500 = arith.index_cast %get3A_499 : i32 to index
      %get3A_501 = arith.index_cast %add3A_498 : i32 to index
      %get3A_502 = tpu.vector_load %arg10[%get3A_500, %get3A_501] {strides = array<i32>} : memref<200x128xf32, #tpu.memory_space<vmem>>, vector<1x16xf32>,
      %get3A_503 = vector.shape_cast %get3A_502 : vector<1x16xf32> to vector<16xf32>
      %get3A_504 = arith.constant 197 : i32
      %get3A_505 = arith.index_cast %get3A_504 : i32 to index
      %get3A_506 = arith.constant 32 : index
      %get3A_507 = tpu.vector_load %arg7[%get3A_505, %get3A_506] {strides = array<i32>} : memref<200x64xf32, #tpu.memory_space<vmem>>, vector<1x16xf32>,
      %get3A_508 = vector.shape_cast %get3A_507 : vector<1x16xf32> to vector<16xf32>
      %add3A_509 = arith.addf %get3A_503, %get3A_508 : vector<16xf32>
      %swap3A_510 = arith.constant 197 : i32
      %swap3A_511 = arith.index_cast %swap3A_510 : i32 to index
      %swap3A_512 = arith.constant 32 : index
      %swap3A_513 = tpu.vector_load %arg11[%swap3A_511, %swap3A_512] {strides = array<i32>} : memref<200x64xf32, #tpu.memory_space<vmem>>, vector<1x16xf32>,
      %swap3A_514 = vector.shape_cast %swap3A_513 : vector<1x16xf32> to vector<16xf32>
      %swap3A_515 = vector.shape_cast %add3A_509 : vector<16xf32> to vector<1x16xf32>
      tpu.vector_store %arg11[%swap3A_511, %swap3A_512], %swap3A_515 {strides = array<i32>} : memref<200x64xf32, #tpu.memory_space<vmem>>, vector<1x16xf32>,
      %add3A_516 = arith.constant 48 : i32
      %add3A_517 = arith.addi %squeeze3A_458, %add3A_516 : i32
      %get3A_518 = arith.constant 197 : i32
      %get3A_519 = arith.index_cast %get3A_518 : i32 to index
      %get3A_520 = arith.index_cast %add3A_517 : i32 to index
      %get3A_521 = tpu.vector_load %arg10[%get3A_519, %get3A_520] {strides = array<i32>} : memref<200x128xf32, #tpu.memory_space<vmem>>, vector<1x16xf32>,
      %get3A_522 = vector.shape_cast %get3A_521 : vector<1x16xf32> to vector<16xf32>
      %get3A_523 = arith.constant 197 : i32
      %get3A_524 = arith.index_cast %get3A_523 : i32 to index
      %get3A_525 = arith.constant 48 : index
      %get3A_526 = tpu.vector_load %arg7[%get3A_524, %get3A_525] {strides = array<i32>} : memref<200x64xf32, #tpu.memory_space<vmem>>, vector<1x16xf32>,
      %get3A_527 = vector.shape_cast %get3A_526 : vector<1x16xf32> to vector<16xf32>
      %add3A_528 = arith.addf %get3A_522, %get3A_527 : vector<16xf32>
      %swap3A_529 = arith.constant 197 : i32
      %swap3A_530 = arith.index_cast %swap3A_529 : i32 to index
      %swap3A_531 = arith.constant 48 : index
      %swap3A_532 = tpu.vector_load %arg11[%swap3A_530, %swap3A_531] {strides = array<i32>} : memref<200x64xf32, #tpu.memory_space<vmem>>, vector<1x16xf32>,
      %swap3A_533 = vector.shape_cast %swap3A_532 : vector<1x16xf32> to vector<16xf32>
      %swap3A_534 = vector.shape_cast %add3A_528 : vector<16xf32> to vector<1x16xf32>
      tpu.vector_store %arg11[%swap3A_530, %swap3A_531], %swap3A_534 {strides = array<i32>} : memref<200x64xf32, #tpu.memory_space<vmem>>, vector<1x16xf32>,
      %slice3A_535 = vector.extract_strided_slice %get3A_69 {offsets = [14], sizes = [1], strides = [1]} : vector<16xi32> to vector<1xi32>
      %squeeze3A_536 = vector.extract %slice3A_535[0] : i32 from vector<1xi32>
      %add3A_537 = arith.constant 0 : i32
      %add3A_538 = arith.addi %squeeze3A_536, %add3A_537 : i32
      %get3A_539 = arith.constant 198 : i32
      %get3A_540 = arith.index_cast %get3A_539 : i32 to index
      %get3A_541 = arith.index_cast %add3A_538 : i32 to index
      %get3A_542 = tpu.vector_load %arg10[%get3A_540, %get3A_541] {strides = array<i32>} : memref<200x128xf32, #tpu.memory_space<vmem>>, vector<1x16xf32>,
      %get3A_543 = vector.shape_cast %get3A_542 : vector<1x16xf32> to vector<16xf32>
      %get3A_544 = arith.constant 198 : i32
      %get3A_545 = arith.index_cast %get3A_544 : i32 to index
      %get3A_546 = arith.constant 0 : index
      %get3A_547 = tpu.vector_load %arg7[%get3A_545, %get3A_546] {strides = array<i32>} : memref<200x64xf32, #tpu.memory_space<vmem>>, vector<1x16xf32>,
      %get3A_548 = vector.shape_cast %get3A_547 : vector<1x16xf32> to vector<16xf32>
      %add3A_549 = arith.addf %get3A_543, %get3A_548 : vector<16xf32>
      %swap3A_550 = arith.constant 198 : i32
      %swap3A_551 = arith.index_cast %swap3A_550 : i32 to index
      %swap3A_552 = arith.constant 0 : index
      %swap3A_553 = tpu.vector_load %arg11[%swap3A_551, %swap3A_552] {strides = array<i32>} : memref<200x64xf32, #tpu.memory_space<vmem>>, vector<1x16xf32>,
      %swap3A_554 = vector.shape_cast %swap3A_553 : vector<1x16xf32> to vector<16xf32>
      %swap3A_555 = vector.shape_cast %add3A_549 : vector<16xf32> to vector<1x16xf32>
      tpu.vector_store %arg11[%swap3A_551, %swap3A_552], %swap3A_555 {strides = array<i32>} : memref<200x64xf32, #tpu.memory_space<vmem>>, vector<1x16xf32>,
      %add3A_556 = arith.constant 16 : i32
      %add3A_557 = arith.addi %squeeze3A_536, %add3A_556 : i32
      %get3A_558 = arith.constant 198 : i32
      %get3A_559 = arith.index_cast %get3A_558 : i32 to index
      %get3A_560 = arith.index_cast %add3A_557 : i32 to index
      %get3A_561 = tpu.vector_load %arg10[%get3A_559, %get3A_560] {strides = array<i32>} : memref<200x128xf32, #tpu.memory_space<vmem>>, vector<1x16xf32>,
      %get3A_562 = vector.shape_cast %get3A_561 : vector<1x16xf32> to vector<16xf32>
      %get3A_563 = arith.constant 198 : i32
      %get3A_564 = arith.index_cast %get3A_563 : i32 to index
      %get3A_565 = arith.constant 16 : index
      %get3A_566 = tpu.vector_load %arg7[%get3A_564, %get3A_565] {strides = array<i32>} : memref<200x64xf32, #tpu.memory_space<vmem>>, vector<1x16xf32>,
      %get3A_567 = vector.shape_cast %get3A_566 : vector<1x16xf32> to vector<16xf32>
      %add3A_568 = arith.addf %get3A_562, %get3A_567 : vector<16xf32>
      %swap3A_569 = arith.constant 198 : i32
      %swap3A_570 = arith.index_cast %swap3A_569 : i32 to index
      %swap3A_571 = arith.constant 16 : index
      %swap3A_572 = tpu.vector_load %arg11[%swap3A_570, %swap3A_571] {strides = array<i32>} : memref<200x64xf32, #tpu.memory_space<vmem>>, vector<1x16xf32>,
      %swap3A_573 = vector.shape_cast %swap3A_572 : vector<1x16xf32> to vector<16xf32>
      %swap3A_574 = vector.shape_cast %add3A_568 : vector<16xf32> to vector<1x16xf32>
      tpu.vector_store %arg11[%swap3A_570, %swap3A_571], %swap3A_574 {strides = array<i32>} : memref<200x64xf32, #tpu.memory_space<vmem>>, vector<1x16xf32>,
      %add3A_575 = arith.constant 32 : i32
      %add3A_576 = arith.addi %squeeze3A_536, %add3A_575 : i32
      %get3A_577 = arith.constant 198 : i32
      %get3A_578 = arith.index_cast %get3A_577 : i32 to index
      %get3A_579 = arith.index_cast %add3A_576 : i32 to index
      %get3A_580 = tpu.vector_load %arg10[%get3A_578, %get3A_579] {strides = array<i32>} : memref<200x128xf32, #tpu.memory_space<vmem>>, vector<1x16xf32>,
      %get3A_581 = vector.shape_cast %get3A_580 : vector<1x16xf32> to vector<16xf32>
      %get3A_582 = arith.constant 198 : i32
      %get3A_583 = arith.index_cast %get3A_582 : i32 to index
      %get3A_584 = arith.constant 32 : index
      %get3A_585 = tpu.vector_load %arg7[%get3A_583, %get3A_584] {strides = array<i32>} : memref<200x64xf32, #tpu.memory_space<vmem>>, vector<1x16xf32>,
      %get3A_586 = vector.shape_cast %get3A_585 : vector<1x16xf32> to vector<16xf32>
      %add3A_587 = arith.addf %get3A_581, %get3A_586 : vector<16xf32>
      %swap3A_588 = arith.constant 198 : i32
      %swap3A_589 = arith.index_cast %swap3A_588 : i32 to index
      %swap3A_590 = arith.constant 32 : index
      %swap3A_591 = tpu.vector_load %arg11[%swap3A_589, %swap3A_590] {strides = array<i32>} : memref<200x64xf32, #tpu.memory_space<vmem>>, vector<1x16xf32>,
      %swap3A_592 = vector.shape_cast %swap3A_591 : vector<1x16xf32> to vector<16xf32>
      %swap3A_593 = vector.shape_cast %add3A_587 : vector<16xf32> to vector<1x16xf32>
      tpu.vector_store %arg11[%swap3A_589, %swap3A_590], %swap3A_593 {strides = array<i32>} : memref<200x64xf32, #tpu.memory_space<vmem>>, vector<1x16xf32>,
      %add3A_594 = arith.constant 48 : i32
      %add3A_595 = arith.addi %squeeze3A_536, %add3A_594 : i32
      %get3A_596 = arith.constant 198 : i32
      %get3A_597 = arith.index_cast %get3A_596 : i32 to index
      %get3A_598 = arith.index_cast %add3A_595 : i32 to index
      %get3A_599 = tpu.vector_load %arg10[%get3A_597, %get3A_598] {strides = array<i32>} : memref<200x128xf32, #tpu.memory_space<vmem>>, vector<1x16xf32>,
      %get3A_600 = vector.shape_cast %get3A_599 : vector<1x16xf32> to vector<16xf32>
      %get3A_601 = arith.constant 198 : i32
      %get3A_602 = arith.index_cast %get3A_601 : i32 to index
      %get3A_603 = arith.constant 48 : index
      %get3A_604 = tpu.vector_load %arg7[%get3A_602, %get3A_603] {strides = array<i32>} : memref<200x64xf32, #tpu.memory_space<vmem>>, vector<1x16xf32>,
      %get3A_605 = vector.shape_cast %get3A_604 : vector<1x16xf32> to vector<16xf32>
      %add3A_606 = arith.addf %get3A_600, %get3A_605 : vector<16xf32>
      %swap3A_607 = arith.constant 198 : i32
      %swap3A_608 = arith.index_cast %swap3A_607 : i32 to index
      %swap3A_609 = arith.constant 48 : index
      %swap3A_610 = tpu.vector_load %arg11[%swap3A_608, %swap3A_609] {strides = array<i32>} : memref<200x64xf32, #tpu.memory_space<vmem>>, vector<1x16xf32>,
      %swap3A_611 = vector.shape_cast %swap3A_610 : vector<1x16xf32> to vector<16xf32>
      %swap3A_612 = vector.shape_cast %add3A_606 : vector<16xf32> to vector<1x16xf32>
      tpu.vector_store %arg11[%swap3A_608, %swap3A_609], %swap3A_612 {strides = array<i32>} : memref<200x64xf32, #tpu.memory_space<vmem>>, vector<1x16xf32>,
      %slice3A_613 = vector.extract_strided_slice %get3A_69 {offsets = [15], sizes = [1], strides = [1]} : vector<16xi32> to vector<1xi32>
      %squeeze3A_614 = vector.extract %slice3A_613[0] : i32 from vector<1xi32>
      %add3A_615 = arith.constant 0 : i32
      %add3A_616 = arith.addi %squeeze3A_614, %add3A_615 : i32
      %get3A_617 = arith.constant 199 : i32
      %get3A_618 = arith.index_cast %get3A_617 : i32 to index
      %get3A_619 = arith.index_cast %add3A_616 : i32 to index
      %get3A_620 = tpu.vector_load %arg10[%get3A_618, %get3A_619] {strides = array<i32>} : memref<200x128xf32, #tpu.memory_space<vmem>>, vector<1x16xf32>,
      %get3A_621 = vector.shape_cast %get3A_620 : vector<1x16xf32> to vector<16xf32>
      %get3A_622 = arith.constant 199 : i32
      %get3A_623 = arith.index_cast %get3A_622 : i32 to index
      %get3A_624 = arith.constant 0 : index
      %get3A_625 = tpu.vector_load %arg7[%get3A_623, %get3A_624] {strides = array<i32>} : memref<200x64xf32, #tpu.memory_space<vmem>>, vector<1x16xf32>,
      %get3A_626 = vector.shape_cast %get3A_625 : vector<1x16xf32> to vector<16xf32>
      %add3A_627 = arith.addf %get3A_621, %get3A_626 : vector<16xf32>
      %swap3A_628 = arith.constant 199 : i32
      %swap3A_629 = arith.index_cast %swap3A_628 : i32 to index
      %swap3A_630 = arith.constant 0 : index
      %swap3A_631 = tpu.vector_load %arg11[%swap3A_629, %swap3A_630] {strides = array<i32>} : memref<200x64xf32, #tpu.memory_space<vmem>>, vector<1x16xf32>,
      %swap3A_632 = vector.shape_cast %swap3A_631 : vector<1x16xf32> to vector<16xf32>
      %swap3A_633 = vector.shape_cast %add3A_627 : vector<16xf32> to vector<1x16xf32>
      tpu.vector_store %arg11[%swap3A_629, %swap3A_630], %swap3A_633 {strides = array<i32>} : memref<200x64xf32, #tpu.memory_space<vmem>>, vector<1x16xf32>,
      %add3A_634 = arith.constant 16 : i32
      %add3A_635 = arith.addi %squeeze3A_614, %add3A_634 : i32
      %get3A_636 = arith.constant 199 : i32
      %get3A_637 = arith.index_cast %get3A_636 : i32 to index
      %get3A_638 = arith.index_cast %add3A_635 : i32 to index
      %get3A_639 = tpu.vector_load %arg10[%get3A_637, %get3A_638] {strides = array<i32>} : memref<200x128xf32, #tpu.memory_space<vmem>>, vector<1x16xf32>,
      %get3A_640 = vector.shape_cast %get3A_639 : vector<1x16xf32> to vector<16xf32>
      %get3A_641 = arith.constant 199 : i32
      %get3A_642 = arith.index_cast %get3A_641 : i32 to index
      %get3A_643 = arith.constant 16 : index
      %get3A_644 = tpu.vector_load %arg7[%get3A_642, %get3A_643] {strides = array<i32>} : memref<200x64xf32, #tpu.memory_space<vmem>>, vector<1x16xf32>,
      %get3A_645 = vector.shape_cast %get3A_644 : vector<1x16xf32> to vector<16xf32>
      %add3A_646 = arith.addf %get3A_640, %get3A_645 : vector<16xf32>
      %swap3A_647 = arith.constant 199 : i32
      %swap3A_648 = arith.index_cast %swap3A_647 : i32 to index
      %swap3A_649 = arith.constant 16 : index
      %swap3A_650 = tpu.vector_load %arg11[%swap3A_648, %swap3A_649] {strides = array<i32>} : memref<200x64xf32, #tpu.memory_space<vmem>>, vector<1x16xf32>,
      %swap3A_651 = vector.shape_cast %swap3A_650 : vector<1x16xf32> to vector<16xf32>
      %swap3A_652 = vector.shape_cast %add3A_646 : vector<16xf32> to vector<1x16xf32>
      tpu.vector_store %arg11[%swap3A_648, %swap3A_649], %swap3A_652 {strides = array<i32>} : memref<200x64xf32, #tpu.memory_space<vmem>>, vector<1x16xf32>,
      %add3A_653 = arith.constant 32 : i32
      %add3A_654 = arith.addi %squeeze3A_614, %add3A_653 : i32
      %get3A_655 = arith.constant 199 : i32
      %get3A_656 = arith.index_cast %get3A_655 : i32 to index
      %get3A_657 = arith.index_cast %add3A_654 : i32 to index
      %get3A_658 = tpu.vector_load %arg10[%get3A_656, %get3A_657] {strides = array<i32>} : memref<200x128xf32, #tpu.memory_space<vmem>>, vector<1x16xf32>,
      %get3A_659 = vector.shape_cast %get3A_658 : vector<1x16xf32> to vector<16xf32>
      %get3A_660 = arith.constant 199 : i32
      %get3A_661 = arith.index_cast %get3A_660 : i32 to index
      %get3A_662 = arith.constant 32 : index
      %get3A_663 = tpu.vector_load %arg7[%get3A_661, %get3A_662] {strides = array<i32>} : memref<200x64xf32, #tpu.memory_space<vmem>>, vector<1x16xf32>,
      %get3A_664 = vector.shape_cast %get3A_663 : vector<1x16xf32> to vector<16xf32>
      %add3A_665 = arith.addf %get3A_659, %get3A_664 : vector<16xf32>
      %swap3A_666 = arith.constant 199 : i32
      %swap3A_667 = arith.index_cast %swap3A_666 : i32 to index
      %swap3A_668 = arith.constant 32 : index
      %swap3A_669 = tpu.vector_load %arg11[%swap3A_667, %swap3A_668] {strides = array<i32>} : memref<200x64xf32, #tpu.memory_space<vmem>>, vector<1x16xf32>,
      %swap3A_670 = vector.shape_cast %swap3A_669 : vector<1x16xf32> to vector<16xf32>
      %swap3A_671 = vector.shape_cast %add3A_665 : vector<16xf32> to vector<1x16xf32>
      tpu.vector_store %arg11[%swap3A_667, %swap3A_668], %swap3A_671 {strides = array<i32>} : memref<200x64xf32, #tpu.memory_space<vmem>>, vector<1x16xf32>,
      %add3A_672 = arith.constant 48 : i32
      %add3A_673 = arith.addi %squeeze3A_614, %add3A_672 : i32
      %get3A_674 = arith.constant 199 : i32
      %get3A_675 = arith.index_cast %get3A_674 : i32 to index
      %get3A_676 = arith.index_cast %add3A_673 : i32 to index
      %get3A_677 = tpu.vector_load %arg10[%get3A_675, %get3A_676] {strides = array<i32>} : memref<200x128xf32, #tpu.memory_space<vmem>>, vector<1x16xf32>,
      %get3A_678 = vector.shape_cast %get3A_677 : vector<1x16xf32> to vector<16xf32>
      %get3A_679 = arith.constant 199 : i32
      %get3A_680 = arith.index_cast %get3A_679 : i32 to index
      %get3A_681 = arith.constant 48 : index
      %get3A_682 = tpu.vector_load %arg7[%get3A_680, %get3A_681] {strides = array<i32>} : memref<200x64xf32, #tpu.memory_space<vmem>>, vector<1x16xf32>,
      %get3A_683 = vector.shape_cast %get3A_682 : vector<1x16xf32> to vector<16xf32>
      %add3A_684 = arith.addf %get3A_678, %get3A_683 : vector<16xf32>
      %swap3A_685 = arith.constant 199 : i32
      %swap3A_686 = arith.index_cast %swap3A_685 : i32 to index
      %swap3A_687 = arith.constant 48 : index
      %swap3A_688 = tpu.vector_load %arg11[%swap3A_686, %swap3A_687] {strides = array<i32>} : memref<200x64xf32, #tpu.memory_space<vmem>>, vector<1x16xf32>,
      %swap3A_689 = vector.shape_cast %swap3A_688 : vector<1x16xf32> to vector<16xf32>
      %swap3A_690 = vector.shape_cast %add3A_684 : vector<16xf32> to vector<1x16xf32>
      tpu.vector_store %arg11[%swap3A_686, %swap3A_687], %swap3A_690 {strides = array<i32>} : memref<200x64xf32, #tpu.memory_space<vmem>>, vector<1x16xf32>,
      %add3A_691 = arith.addi %mul3A_2, %scan3A_10 : i32
      "tpu.region"() ({
        %run_scoped3A = tpu.sem_alloc : memref<!tpu.dma_semaphore, #tpu.memory_space<semaphore_mem>>
        %dma_start3A_692 = arith.constant 0 : i32
        %dma_start3A_693 = arith.constant 0 : i32
        %dma_start3A_694 = tpu.memref_slice %arg6[%add3A_691, %dma_start3A_692, %dma_start3A_693] : memref<4096x200x64xf32, #tpu.memory_space<hbm>> -> memref<1x200x64xf32, #tpu.memory_space<hbm>>
        %dma_start3A_695 = tpu.memref_squeeze %dma_start3A_694 : memref<1x200x64xf32, #tpu.memory_space<hbm>> -> memref<200x64xf32, #tpu.memory_space<hbm>>
        %dma_start3A_696 = arith.constant 0 : i32
        %dma_start3A_697 = arith.constant 0 : i32
        %dma_start3A_698 = tpu.memref_slice %arg6[%add3A_691, %dma_start3A_696, %dma_start3A_697] : memref<4096x200x64xf32, #tpu.memory_space<hbm>> -> memref<1x200x64xf32, #tpu.memory_space<hbm>>
        %dma_start3A_699 = tpu.memref_squeeze %dma_start3A_698 : memref<1x200x64xf32, #tpu.memory_space<hbm>> -> memref<200x64xf32, #tpu.memory_space<hbm>>
        tpu.enqueue_dma source(%arg11 : memref<200x64xf32, #tpu.memory_space<vmem>>) target(%dma_start3A_699 : memref<200x64xf32, #tpu.memory_space<hbm>>) target_semaphore(%run_scoped3A : memref<!tpu.dma_semaphore, #tpu.memory_space<semaphore_mem>>)
        %dma_wait3A_700 = arith.constant 0 : i32
        %dma_wait3A_701 = arith.constant 0 : i32
        %dma_wait3A_702 = tpu.memref_slice %arg6[%add3A_691, %dma_wait3A_700, %dma_wait3A_701] : memref<4096x200x64xf32, #tpu.memory_space<hbm>> -> memref<1x200x64xf32, #tpu.memory_space<hbm>>
        %dma_wait3A_703 = tpu.memref_squeeze %dma_wait3A_702 : memref<1x200x64xf32, #tpu.memory_space<hbm>> -> memref<200x64xf32, #tpu.memory_space<hbm>>
        %dma_wait3A_704 = arith.constant 0 : i32
        %dma_wait3A_705 = arith.constant 0 : i32
        %dma_wait3A_706 = tpu.memref_slice %arg6[%add3A_691, %dma_wait3A_704, %dma_wait3A_705] : memref<4096x200x64xf32, #tpu.memory_space<hbm>> -> memref<1x200x64xf32, #tpu.memory_space<hbm>>
        %dma_wait3A_707 = tpu.memref_squeeze %dma_wait3A_706 : memref<1x200x64xf32, #tpu.memory_space<hbm>> -> memref<200x64xf32, #tpu.memory_space<hbm>>
        tpu.wait_dma2 semaphore(%run_scoped3A : memref<!tpu.dma_semaphore, #tpu.memory_space<semaphore_mem>>) src(%arg11 : memref<200x64xf32, #tpu.memory_space<vmem>>) dst(%dma_wait3A_707 : memref<200x64xf32, #tpu.memory_space<hbm>>)
        tpu.yield
      }) : () -> ()
    }
    %scan3A_9 = arith.constant 128 : i32
    return
  }
}

</mosaic_0001>

<sc_bundles>
// kernel: kernel.3.cloned.1.call-start
scs
__scs_entry_jumppad:
0x0: {  	(pc) =	sbr.rel $0x88, $3  }
0x1: {  	(tag) =	ssettag $0x0;
	lr =	simm.s32 $0x1  }
0x2: {  	[smem:$0x3F9E] =	sst lr;
	_ =	strace $0xD0000000  }
0x3: {  	_ = 	snop  }
0x4: {  	_ = 	snop  }
0x5: {  	_ = 	snop  }
0x6: {  	_ = 	snop  }
0x7: {  	_ = 	snop  }
__scs_overlays_trampoline_lowered:
0x8: {  	[smem:$0x3FAD] =	sst s0  }
0x9: {  	[smem:$0x3FAE] =	sst s1  }
0xa: {  	[smem:$0x3FAF] =	sst s2  }
0xb: {  	[smem:$0x3FB0] =	sst s3  }
0xc: {  	[smem:$0x3FB1] =	sst s4  }
0xd: {  	[smem:$0x3FB2] =	sst s5  }
0xe: {  	[smem:$0x3FB3] =	sst s6  }
0xf: {  	[smem:$0x3FB4] =	sst s7  }
0x10: {  	[smem:$0x3FB5] =	sst s8  }
0x11: {  	[smem:$0x3FB6] =	sst s9;
	s0 =	simm.s32 @!p0 $0x0  }
0x12: {  	s1 =	sld [smem:$0x3F9C];
	s0 =	simm.s32 @p0 $0x1  }
0x13: {  	[smem:$0x3FB7] =	sst s0;
	s0 =	simm.s32 @!p1 $0x0  }
0x14: {  	s2 =	sld [smem:$0x3F9B];
	s0 =	simm.s32 @p1 $0x1  }
0x15: {  	[smem:$0x3FB8] =	sst s0;
	s0 =	simm.s32 @!p2 $0x0  }
0x16: {  	s3 =	sld [smem:$0x3FDB];
	s0 =	simm.s32 @p2 $0x1  }
0x17: {  	s4 =	simm.s32 $0x1BF5;
	[smem:$0x3FBA] =	sst s0  }
0x18: {  	s0 =	sld [smem:$0x3F9D];
	_ =	swait.ge [sflag:s4], $0x0  }
0x19: {  	s7 =	sld [smem:$0x3F9E]  }
0x1a: {  	s8 =	sadd.s32 $0xFFFFE003, lr  }
0x1b: {  	s9 =	sadd.s32 $0xFFFFFEF7, lr;
	s5 =	simm.s32 $0xFFFFFFFF;
	p2 =	slt.u32 s8, $0xFFFFF086  }
0x1c: {  	p1 =	slt.u32 s9, $0xF7A;
	s5 =	simm.s32 @!p2 $0x0  }
0x1d: {  	s5 =	simm.s32 @p1 $0x1;
	p0 =	seq.s32 s7, s2  }
0x1e: {  	s7 =	smul.u32 @!p0 $0xF7A, s2;
	p2 =	seq.s32 @!p0 s5, $0x0  }
0x1f: {  	s9 =	smul.u32 $0xF7A, s1;
	s8 =	simm.s32 @!p0 $0x1BF5;
	p2 =	por !p2, p0  }
0x20: {  	[sflag:s8] =	ssyncset.s32 @!p0 $0xFFFFF086;
	s6 =	sadd.s32 @!p0 s3, s7;
	s7 =	simm.s32 @!p0 $0x108  }
0x21: {  	s3 =	sadd.s32 s3, s9;
	s6 =	sadd.s32 @!p0 $0x88, s6;
	s7 =	simm.s32 @p2 $0x1082  }
0x22: {  	[simem:s7], [sflag:s8] =	dma.local @!p0 [hbm:s6], $0xF7A  }
0x23: {  	s9 =	sor.u32 $0xD0000000, s2;
	s6 =	simm.s32 $0x108;
	_ =	swait.ge @!p0 [sflag:s8], $0x0  }
0x24: {  	s3 =	sadd.s32 $0x88, s3;
	s6 =	simm.s32 @!p1 $0x1082;
	[sflag:s4] =	ssyncset.s32 $0xFFFFF086  }
0x25: {  	[simem:s6], [sflag:s4] =	dma.local [hbm:s3], $0xF7A  }
0x26: {  	[smem:$0x3F9E] =	sst s1;
	(tag) =	ssettag s2;
	_ =	strace s9  }
0x27: {  	s1 =	sld [smem:$0x3FAE]  }
0x28: {  	s2 =	sld [smem:$0x3FAF]  }
0x29: {  	s4 =	sld [smem:$0x3FB1]  }
0x2a: {  	p0 =	seq.s32 s5, $0x0;
	s5 =	sld [smem:$0x3FB2]  }
0x2b: {  	s6 =	sld [smem:$0x3FB3]  }
0x2c: {  	s7 =	sld [smem:$0x3FB4]  }
0x2d: {  	s3 =	simm.s32 $0x108;
	s8 =	sld [smem:$0x3FB5]  }
0x2e: {  	s3 =	simm.s32 @!p0 $0x1082;
	s9 =	sld [smem:$0x3FB6]  }
0x2f: {  	lr =	sadd.s32 s0, s3;
	s0 =	sld [smem:$0x3FAD]  }
0x30: {  	s3 =	sld [smem:$0x3FB0]  }
0x31: {  	[smem:$0x3FB9] =	sst s10  }
0x32: {  	s10 =	sld [smem:$0x3FB7];
	_ =	sdelay $0x3  }
0x33: {  	p0 =	seq.s32 s10, $0x1;
	s10 =	sld [smem:$0x3FB9];
	_ =	sdelay $0x3  }
0x34: {  	[smem:$0x3FB9] =	sst s10  }
0x35: {  	s10 =	sld [smem:$0x3FB8];
	_ =	sdelay $0x3  }
0x36: {  	p1 =	seq.s32 s10, $0x1;
	s10 =	sld [smem:$0x3FB9];
	_ =	sdelay $0x3  }
0x37: {  	[smem:$0x3FB9] =	sst s10  }
0x38: {  	s10 =	sld [smem:$0x3FBA]  }
0x39: {  	_ = 	snop;
	(pc) =	sbr.ind lr, $3  }
0x3a: {  	_ = 	snop  }
0x3b: {  	_ = 	snop  }
0x3c: {  	p2 =	seq.s32 s10, $0x1;
	s10 =	sld [smem:$0x3FB9]  }
0x3d: {  	_ =	shalt  }
0x3e: {  	_ =	shalt  }
0x3f: {  	_ =	shalt  }
0x40: {  	_ =	shalt  }
0x41: {  	_ =	shalt  }
0x42: {  	_ =	shalt  }
0x43: {  	_ =	shalt  }
0x44: {  	_ =	shalt  }
0x45: {  	_ =	shalt  }
0x46: {  	_ =	shalt  }
0x47: {  	_ =	shalt  }
0x48: {  	_ =	shalt  }
0x49: {  	_ =	shalt  }
0x4a: {  	_ =	shalt  }
0x4b: {  	_ =	shalt  }
0x4c: {  	_ =	shalt  }
0x4d: {  	_ =	shalt  }
0x4e: {  	_ =	shalt  }
0x4f: {  	_ =	shalt  }
0x50: {  	_ =	shalt  }
0x51: {  	_ =	shalt  }
0x52: {  	_ =	shalt  }
0x53: {  	_ =	shalt  }
0x54: {  	_ =	shalt  }
0x55: {  	_ =	shalt  }
0x56: {  	_ =	shalt  }
0x57: {  	_ =	shalt  }
0x58: {  	_ =	shalt  }
0x59: {  	_ =	shalt  }
0x5a: {  	_ =	shalt  }
0x5b: {  	_ =	shalt  }
0x5c: {  	_ =	shalt  }
0x5d: {  	_ =	shalt  }
0x5e: {  	_ =	shalt  }
0x5f: {  	_ =	shalt  }
0x60: {  	_ =	shalt  }
0x61: {  	_ =	shalt  }
0x62: {  	_ =	shalt  }
0x63: {  	_ =	shalt  }
0x64: {  	_ =	shalt  }
0x65: {  	_ =	shalt  }
0x66: {  	_ =	shalt  }
0x67: {  	_ =	shalt  }
0x68: {  	_ =	shalt  }
0x69: {  	_ =	shalt  }
0x6a: {  	_ =	shalt  }
0x6b: {  	_ =	shalt  }
0x6c: {  	_ =	shalt  }
0x6d: {  	_ =	shalt  }
0x6e: {  	_ =	shalt  }
0x6f: {  	_ =	shalt  }
0x70: {  	_ =	shalt  }
0x71: {  	_ =	shalt  }
0x72: {  	_ =	shalt  }
0x73: {  	_ =	shalt  }
0x74: {  	_ =	shalt  }
0x75: {  	_ =	shalt  }
0x76: {  	_ =	shalt  }
0x77: {  	_ =	shalt  }
0x78: {  	_ =	shalt  }
0x79: {  	_ =	shalt  }
0x7a: {  	_ =	shalt  }
0x7b: {  	_ =	shalt  }
0x7c: {  	_ =	shalt  }
0x7d: {  	_ =	shalt  }
0x7e: {  	_ =	shalt  }
0x7f: {  	_ =	shalt  }
0x80: {  	_ =	shalt  }
0x81: {  	_ =	shalt  }
0x82: {  	_ =	shalt  }
0x83: {  	_ =	shalt  }
0x84: {  	_ =	shalt  }
0x85: {  	_ =	shalt  }
0x86: {  	_ =	shalt  }
0x87: {  	_ =	shalt  }
.Lfunc_end0:
.L_simem_size_0:
called_computation_lowered:
.L_overlay_start_0:
0x88: {  	s2 =	sld [smem:$0x3FD9]  }
0x89: {  	s3 =	sld [smem:$0x3FFE];
	_ =	sdelay $0x1  }
0x8a: {  	s1 =	srdreg.scid  }
0x8b: {  	s0 =	sand.u32 $0x1, s1  }
0x8c: {  	s17 =	sshll.u32 s0, $0xA;
	s2 =	sadd.s32 s3, s2  }
0x8d: {  	s2 =	sadd.s32 s2, s17  }
0x8e: {  	[smem:$0x3FC5] =	sst s2  }
0x8f: {  	_ = 	snop  }
0x90: {  	s2 =	sld [smem:$0x3FD0];
	(tm) =	ssettm $0x1  }
0x91: {  	s18 =	sld [smem:$0x3FFB];
	_ =	sdelay $0x3  }
0x92: {  	_ =	strace s18  }
0x93: {  	s3 =	sld [smem:$0x3FFC];
	_ =	sdelay $0x3  }
0x94: {  	_ =	strace s3  }
0x95: {  	s3 =	sld [smem:$0x3FFD];
	_ =	sdelay $0x3  }
0x96: {  	_ =	strace s3  }
0x97: {  	_ =	strace $0x8FFFFFFF  }
0x98: {  	s19 =	sld [smem:$0x3FDB];
	_ =	sdelay $0x1  }
0x99: {  	s4 =	simm.s32 $_scs_section_size  }
0x9a: {  	s5 =	simm.s32 $_size__tile_overlayer_lowered;
	s6 =	simm.s32 $_tile_overlayer_lowered  }
0x9b: {  	s22 =	simm.s32 $0x1BFF;
	s21 =	sshll.u32 s6, $0x1;
	s3 =	sadd.s32 s4, s19  }
0x9c: {  	s7 =	simm.s32 $0x0;
	s20 =	sshll.u32 s5, $0x1;
	s5 =	sadd.s32 s21, s3  }
0x9d: {  	[timem:s7], [sflag:s22] =	dma.local [hbm:s5], s20  }
0x9e: {  	_ =	swait.ge [sflag:s22], s20  }
0x9f: {  	s4 =	ssub.s32 $0x0, s20;
	[sflag:s22] =	ssyncset.done $0x0  }
0xa0: {  	[sflag:s22] =	ssyncadd.s32 s4;
	_ =	sdelay $0x1  }
0xa1: {  	s23 =	simm.s32 $0x1B8B  }
0xa2: {  	_ =	swait.ge [sflag:s23], $0x1  }
0xa3: {  	[sflag:s23] =	ssyncset.done $0x0  }
0xa4: {  	s25 =	simm.s32 $0x1B8E;
	s24 =	sld [smem:$0x3FFE];
	[sflag:s23] =	ssyncadd.s32 $0xFFFFFFFF  }
0xa5: {  	s26 =	simm.s32 $execute0_lowered;
	[smem:$0x3FD2] =	sst s25  }
0xa6: {  	s5 =	sshll.u32 s26, $0x1;
	_ =	strace $0x80000046;
	[dreg:$0x1] =	wrdreg $0xFFFFFFFF  }
0xa7: {  	s28 =	simm.s32 $_size_execute0_lowered;
	s3 =	sadd.s32 s3, s5;
	[dreg:$0x0] =	wrdreg $0x0  }
0xa8: {  	s5 =	sshll.u32 s28, $0x1;
	[dreg:$0x2] =	wrdreg s3  }
0xa9: {  	[dreg:$0x3] =	wrdreg s5  }
0xaa: {  	[dreg:$0x4] =	wrdreg $0xC0  }
0xab: {  	_ =	task [dreg:s7], $0x5FFFF  }
0xac: {  	[dreg:$0x1] =	wrdreg $0xFFFFFFFF  }
0xad: {  	[dreg:$0x0] =	wrdreg $0x60  }
0xae: {  	[dreg:$0x2] =	wrdreg s24  }
0xaf: {  	[dreg:$0x3] =	wrdreg s2  }
0xb0: {  	[dreg:$0x4] =	wrdreg $0x9  }
0xb1: {  	_ =	task.clear_ibuf [dreg:s7], $0x5FFFF;
	_ =	strace $0x90000046  }
0xb2: {  	s29 =	simm.s32 $0x9;
	_ =	strace $0x80000048  }
0xb3: {  	_ =	swait.ge [sflag:s29], $0x1  }
0xb4: {  	[sflag:s29] =	ssyncadd.s32 $0xFFFFFFFF  }
0xb5: {  	_ =	strace $0x90000048  }
0xb6: {  	_ =	sfence  }
0xb7: {  	s30 =	sld [smem:$0x0];
	_ =	sdelay $0x2  }
0xb8: {  	s31 =	sshll.u32 s1, $0xD;
	s1 =	sshrl.u32 s1, $0x2  }
0xb9: {  	s3 =	sand.u32 $0x4000, s31;
	s1 =	sadd.s32 s1, s30  }
0xba: {  	s0 =	sor.u32 s3, s0;
	s1 =	sshll.u32 s1, $0x11  }
0xbb: {  	s0 =	sor.u32 s1, s0  }
0xbc: {  	s0 =	sadd.s32 $0x8F2B, s0  }
0xbd: {  	[sflag:s0] =	ssyncadd.remote.s32 $0x1  }
0xbe: {  	_ =	sfence.sel $0xFFFF  }
0xbf: {  	[dreg:$0x0] =	wrdreg $0xFFFFFFFF;
	(pc) =	sbr.abs _section_cstart, $3  }
0xc0: {  	[dreg:$0x1] =	wrdreg $0xFFFFFFFF  }
0xc1: {  	_ =	task.clear_ibuf [dreg:s7], $0x2FFFF;
	_ =	strace $0x9FFFFFFF  }
0xc2: {  	(tm) =	ssettm $0x7FFFFFFF  }
0xc3: {  	_ =	shalt  }
tec
execute0_lowered:
.L_overlay_start_1:
0x0: {  	(tag) =	ssettag $0x1  }
0x1: {  	s6 =	rddreg [dreg:$0x0];
	s1 =	srdreg.scid  }
0x2: {  	s0 =	stileid.u32;
	s2 =	rddreg [dreg:$0x1];
	s3 =	simm.s32 $0x0  }
0x3: {  	s11 =	simm.s32 $0x6400;
	s12 =	simm.s32 $0x64;
	s13 =	simm.s32 $0xE500  }
0x4: {  	s14 =	simm.s32 $0x11700;
	s15 =	simm.s32 $0x80;
	s16 =	simm.s32 $0x400  }
0x5: {  	s17 =	simm.s32 $0x1;
	s18 =	simm.s32 $0x14900;
	s19 =	simm.s32 $0x0  }
0x6: {  	s4 =	sand.u32 $0x1, s1;
	s5 =	sshll.u32 s0, $0x1;
	[smem:$0x7FF] =	sst s3  }
0x7: {  	s1 =	rddreg [dreg:$0x2];
	s7 =	sor.u32 s4, s5;
	_ =	strace $0x80000047  }
0x8: {  	s9 =	ssub.s32 $0x2, s4;
	s4 =	sadd.s32 $0xF62C00, s6;
	s5 =	sshll.u32 s7, $0xC  }
0x9: {  	s10 =	sshrl.u32 s9, $0x1;
	s7 =	sshll.u32 s7, $0x7;
	s8 =	sadd.s32 s5, s6  }
0xa: {  	s5 =	sadd.s32 $0x20800, s6;
	s6 =	sadd.s32 $0x21600, s6;
	s9 =	ssub.s32 s9, s10  }
0xb: {  	s10 =	simm.s32 $0x2;
	s8 =	sadd.s32 $0x800, s8;
	s9 =	smax.u32 s9, $0x1  }
.LBB2_1:
0xc: {  	[tilespmem:s3], [sflag:$0x2] =	stream.linear.gather [hbm4b:s5+s3], $0x6400, $0x38;
	[tilespmem:$0x1AD00] =	vst v63  }
0xd: {  	_ =	swait.ge [sflag:s10], $0x6400  }
0xe: {  	[sflag:s10] =	ssyncset.done $0x0  }
0xf: {  	[sflag:s10] =	ssyncadd.s32 $0xFFFF9C00  }
0x10: {  	[tilespmem:s11], [sflag:$0x2] =	stream.linear.gather [hbm4b:s8+s3], $0x8000, $0x38;
	[tilespmem:$0x1AD00] =	vst v63  }
0x11: {  	_ =	swait.ge [sflag:s10], $0x8000  }
0x12: {  	[sflag:s10] =	ssyncset.done $0x0  }
0x13: {  	s20 =	simm.s32 $0x0;
	[sflag:s10] =	ssyncadd.s32 $0xFFFF8000  }
.LBB2_2:
0x14: {  	s21 =	sshll.u32 s20, $0x8  }
0x15: {  	s21 =	sand.u32 $0x3FFFFF00, s21  }
0x16: {  	s22 =	sadd.s32 $0x6400, s21  }
0x17: {  	[tilespmem:s13], [sflag:$0x1] =	stream.indirect.gather [hbm4b:s4+s12], $0x80, s22, s12, $0xb8;
	[tilespmem:$0x1AD00] =	vst v63  }
0x18: {  	s21 =	sadd.s32 $0x6480, s21  }
0x19: {  	[tilespmem:s14], [sflag:$0x1] =	stream.indirect.gather [hbm4b:s4+s12], $0x80, s21, s12, $0xb8;
	[tilespmem:$0x1AD00] =	vst v63  }
0x1a: {  	s31 =	sshll.u32 s20, $0x4;
	s21 =	sadd.s32 s7, s20  }
0x1b: {  	s22 =	sand.u32 $0x70, s31;
	s23 =	sshll.u32 s21, $0x5  }
0x1c: {  	s22 =	sadd.s32 s2, s22;
	s23 =	sand.u32 $0xFFFFF00, s23  }
0x1d: {  	s23 =	sadd.s32 s23, s22;
	s22 =	simm.s32 $0xE400  }
0x1e: {  	[tilespmem:s22], [sflag:$0x1] =	stream.strided.gather [hbm4b:s23+s15], $0x100, s16, s15, $0x38;
	[tilespmem:$0x1AD00] =	vst v63  }
0x1f: {  	_ =	swait.ge [sflag:s17], $0x3200  }
0x20: {  	[sflag:s17] =	ssyncset.done $0x0  }
0x21: {  	[sflag:s17] =	ssyncadd.s32 $0xFFFFCE00  }
0x22: {  	_ =	swait.ge [sflag:s17], $0x3200  }
0x23: {  	[sflag:s17] =	ssyncset.done $0x0  }
0x24: {  	[sflag:s17] =	ssyncadd.s32 $0xFFFFCE00  }
0x25: {  	_ =	swait.ge [sflag:s17], $0x100  }
0x26: {  	[sflag:s17] =	ssyncset.done $0x0  }
0x27: {  	s23 =	simm.s32 $0x0;
	[sflag:s17] =	ssyncadd.s32 $0xFFFFFF00  }
.LBB2_3:
0x28: {  	v0 =	vld [tilespmem:s22+$0x0];
	_ =	sdelay $0x4  }
0x29: {  	(v2sf) =	vpush v0, $0x0;
	_ =	sdelay $0xe  }
0x2a: {  	s25 =	spop (v2sf)  }
0x2b: {  	s24 =	sand.u32 $0x7F, s25;
	s26 =	sshll.u32 s25, $0x2  }
0x2c: {  	s26 =	sand.u32 $0xFFFFFE00, s26;
	s24 =	sshll.u32 s24, $0x2  }
0x2d: {  	s24 =	sor.u32 s24, s26  }
0x2e: {  	s26 =	sshra.s32 s24, $0x2;
	s24 =	sshra.s32 s23, $0x2  }
0x2f: {  	s26 =	sadd.s32 s24, s26;
	v2 =	vld [tilespmem:s24+$0x0]  }
0x30: {  	v1 =	vld [tilespmem:s26+$0xE500];
	_ =	sdelay $0x1  }
0x31: {  	s29 =	sadd.s32 $0x10, s25  }
0x32: {  	s28 =	sand.u32 $0x7F, s29;
	s26 =	sshll.u32 s29, $0x2  }
0x33: {  	s28 =	sshll.u32 s28, $0x2;
	s26 =	sand.u32 $0xFFFFFE00, s26  }
0x34: {  	s26 =	sor.u32 s28, s26;
	v1 =	vadd.f32 v2, v1  }
0x35: {  	s26 =	sshra.s32 s26, $0x2  }
0x36: {  	v60 =	vld [tilespmem:s24+$0x10];
	s26 =	sadd.s32 s24, s26;
	[tilespmem:s24+$0x14900] =	vst v1  }
0x37: {  	v1 =	vld [tilespmem:s26+$0xE500];
	_ =	sdelay $0x1  }
0x38: {  	s30 =	sadd.s32 $0x20, s25  }
0x39: {  	(v2sf) =	vpush v0, $0x1;
	s31 =	sand.u32 $0x7F, s30;
	s26 =	sshll.u32 s30, $0x2  }
0x3a: {  	s28 =	sshll.u32 s31, $0x2;
	s26 =	sand.u32 $0xFFFFFE00, s26  }
0x3b: {  	s26 =	sor.u32 s28, s26;
	v1 =	vadd.f32 v60, v1  }
0x3c: {  	s26 =	sshra.s32 s26, $0x2  }
0x3d: {  	v61 =	vld [tilespmem:s24+$0x20];
	s26 =	sadd.s32 s24, s26;
	[tilespmem:s24+$0x14910] =	vst v1  }
0x3e: {  	v1 =	vld [tilespmem:s26+$0xE500];
	_ =	sdelay $0x1  }
0x3f: {  	s25 =	sadd.s32 $0x30, s25  }
0x40: {  	s28 =	sand.u32 $0x7F, s25;
	s25 =	sshll.u32 s25, $0x2  }
0x41: {  	s25 =	sand.u32 $0xFFFFFE00, s25;
	s26 =	sshll.u32 s28, $0x2  }
0x42: {  	s25 =	sor.u32 s26, s25;
	v1 =	vadd.f32 v61, v1  }
0x43: {  	s25 =	sshra.s32 s25, $0x2  }
0x44: {  	v62 =	vld [tilespmem:s24+$0x30];
	s25 =	sadd.s32 s24, s25;
	[tilespmem:s24+$0x14920] =	vst v1  }
0x45: {  	v1 =	vld [tilespmem:s25+$0xE500];
	_ =	sdelay $0x1  }
0x46: {  	s25 =	spop (v2sf)  }
0x47: {  	s29 =	sand.u32 $0x7F, s25;
	s30 =	sshll.u32 s25, $0x2  }
0x48: {  	s28 =	sand.u32 $0xFFFFFE00, s30;
	s26 =	sshll.u32 s29, $0x2  }
0x49: {  	s26 =	sor.u32 s26, s28;
	v1 =	vadd.f32 v62, v1  }
0x4a: {  	s26 =	sshra.s32 s26, $0x2  }
0x4b: {  	v63 =	vld [tilespmem:s24+$0x80];
	s26 =	sadd.s32 s24, s26;
	[tilespmem:s24+$0x14930] =	vst v1  }
0x4c: {  	v1 =	vld [tilespmem:s26+$0xE580];
	_ =	sdelay $0x1  }
0x4d: {  	s31 =	sadd.s32 $0x10, s25  }
0x4e: {  	s29 =	sand.u32 $0x7F, s31;
	s26 =	sshll.u32 s31, $0x2  }
0x4f: {  	s28 =	sshll.u32 s29, $0x2;
	s26 =	sand.u32 $0xFFFFFE00, s26  }
0x50: {  	s26 =	sor.u32 s28, s26;
	v1 =	vadd.f32 v63, v1  }
0x51: {  	s26 =	sshra.s32 s26, $0x2  }
0x52: {  	v4 =	vld [tilespmem:s24+$0x90];
	s26 =	sadd.s32 s24, s26;
	[tilespmem:s24+$0x14980] =	vst v1  }
0x53: {  	v1 =	vld [tilespmem:s26+$0xE580];
	_ =	sdelay $0x1  }
0x54: {  	s30 =	sadd.s32 $0x20, s25  }
0x55: {  	(v2sf) =	vpush v0, $0x2;
	s31 =	sand.u32 $0x7F, s30;
	s26 =	sshll.u32 s30, $0x2  }
0x56: {  	s28 =	sshll.u32 s31, $0x2;
	s26 =	sand.u32 $0xFFFFFE00, s26  }
0x57: {  	s26 =	sor.u32 s28, s26;
	v1 =	vadd.f32 v4, v1  }
0x58: {  	s26 =	sshra.s32 s26, $0x2  }
0x59: {  	v5 =	vld [tilespmem:s24+$0xA0];
	s26 =	sadd.s32 s24, s26;
	[tilespmem:s24+$0x14990] =	vst v1  }
0x5a: {  	v1 =	vld [tilespmem:s26+$0xE580];
	_ =	sdelay $0x1  }
0x5b: {  	s25 =	sadd.s32 $0x30, s25  }
0x5c: {  	s28 =	sand.u32 $0x7F, s25;
	s25 =	sshll.u32 s25, $0x2  }
0x5d: {  	s25 =	sand.u32 $0xFFFFFE00, s25;
	s26 =	sshll.u32 s28, $0x2  }
0x5e: {  	s25 =	sor.u32 s26, s25;
	v1 =	vadd.f32 v5, v1  }
0x5f: {  	s25 =	sshra.s32 s25, $0x2  }
0x60: {  	v6 =	vld [tilespmem:s24+$0xB0];
	s25 =	sadd.s32 s24, s25;
	[tilespmem:s24+$0x149A0] =	vst v1  }
0x61: {  	v1 =	vld [tilespmem:s25+$0xE580];
	_ =	sdelay $0x1  }
0x62: {  	s25 =	spop (v2sf)  }
0x63: {  	s29 =	sand.u32 $0x7F, s25;
	s30 =	sshll.u32 s25, $0x2  }
0x64: {  	s28 =	sand.u32 $0xFFFFFE00, s30;
	s26 =	sshll.u32 s29, $0x2  }
0x65: {  	s26 =	sor.u32 s26, s28;
	v1 =	vadd.f32 v6, v1  }
0x66: {  	s26 =	sshra.s32 s26, $0x2  }
0x67: {  	v7 =	vld [tilespmem:s24+$0x100];
	s26 =	sadd.s32 s24, s26;
	[tilespmem:s24+$0x149B0] =	vst v1  }
0x68: {  	v1 =	vld [tilespmem:s26+$0xE600];
	_ =	sdelay $0x1  }
0x69: {  	s31 =	sadd.s32 $0x10, s25  }
0x6a: {  	s29 =	sand.u32 $0x7F, s31;
	s26 =	sshll.u32 s31, $0x2  }
0x6b: {  	s28 =	sshll.u32 s29, $0x2;
	s26 =	sand.u32 $0xFFFFFE00, s26  }
0x6c: {  	s26 =	sor.u32 s28, s26;
	v1 =	vadd.f32 v7, v1  }
0x6d: {  	s26 =	sshra.s32 s26, $0x2  }
0x6e: {  	v8 =	vld [tilespmem:s24+$0x110];
	s26 =	sadd.s32 s24, s26;
	[tilespmem:s24+$0x14A00] =	vst v1  }
0x6f: {  	v1 =	vld [tilespmem:s26+$0xE600];
	_ =	sdelay $0x1  }
0x70: {  	s30 =	sadd.s32 $0x20, s25  }
0x71: {  	(v2sf) =	vpush v0, $0x3;
	s31 =	sand.u32 $0x7F, s30;
	s26 =	sshll.u32 s30, $0x2  }
0x72: {  	s28 =	sshll.u32 s31, $0x2;
	s26 =	sand.u32 $0xFFFFFE00, s26  }
0x73: {  	s26 =	sor.u32 s28, s26;
	v1 =	vadd.f32 v8, v1  }
0x74: {  	s26 =	sshra.s32 s26, $0x2  }
0x75: {  	v9 =	vld [tilespmem:s24+$0x120];
	s26 =	sadd.s32 s24, s26;
	[tilespmem:s24+$0x14A10] =	vst v1  }
0x76: {  	v1 =	vld [tilespmem:s26+$0xE600];
	_ =	sdelay $0x1  }
0x77: {  	s25 =	sadd.s32 $0x30, s25  }
0x78: {  	s28 =	sand.u32 $0x7F, s25;
	s25 =	sshll.u32 s25, $0x2  }
0x79: {  	s25 =	sand.u32 $0xFFFFFE00, s25;
	s26 =	sshll.u32 s28, $0x2  }
0x7a: {  	s25 =	sor.u32 s26, s25;
	v1 =	vadd.f32 v9, v1  }
0x7b: {  	s25 =	sshra.s32 s25, $0x2  }
0x7c: {  	v10 =	vld [tilespmem:s24+$0x130];
	s25 =	sadd.s32 s24, s25;
	[tilespmem:s24+$0x14A20] =	vst v1  }
0x7d: {  	v1 =	vld [tilespmem:s25+$0xE600];
	_ =	sdelay $0x1  }
0x7e: {  	s25 =	spop (v2sf)  }
0x7f: {  	s29 =	sand.u32 $0x7F, s25;
	s30 =	sshll.u32 s25, $0x2  }
0x80: {  	s28 =	sand.u32 $0xFFFFFE00, s30;
	s26 =	sshll.u32 s29, $0x2  }
0x81: {  	s26 =	sor.u32 s26, s28;
	v1 =	vadd.f32 v10, v1  }
0x82: {  	s26 =	sshra.s32 s26, $0x2  }
0x83: {  	v11 =	vld [tilespmem:s24+$0x180];
	s26 =	sadd.s32 s24, s26;
	[tilespmem:s24+$0x14A30] =	vst v1  }
0x84: {  	v1 =	vld [tilespmem:s26+$0xE680];
	_ =	sdelay $0x1  }
0x85: {  	s31 =	sadd.s32 $0x10, s25  }
0x86: {  	s29 =	sand.u32 $0x7F, s31;
	s26 =	sshll.u32 s31, $0x2  }
0x87: {  	s28 =	sshll.u32 s29, $0x2;
	s26 =	sand.u32 $0xFFFFFE00, s26  }
0x88: {  	s26 =	sor.u32 s28, s26;
	v1 =	vadd.f32 v11, v1  }
0x89: {  	s26 =	sshra.s32 s26, $0x2  }
0x8a: {  	v12 =	vld [tilespmem:s24+$0x190];
	s26 =	sadd.s32 s24, s26;
	[tilespmem:s24+$0x14A80] =	vst v1  }
0x8b: {  	v1 =	vld [tilespmem:s26+$0xE680];
	_ =	sdelay $0x1  }
0x8c: {  	s30 =	sadd.s32 $0x20, s25  }
0x8d: {  	(v2sf) =	vpush v0, $0x4;
	s31 =	sand.u32 $0x7F, s30;
	s26 =	sshll.u32 s30, $0x2  }
0x8e: {  	s28 =	sshll.u32 s31, $0x2;
	s26 =	sand.u32 $0xFFFFFE00, s26  }
0x8f: {  	s26 =	sor.u32 s28, s26;
	v1 =	vadd.f32 v12, v1  }
0x90: {  	s26 =	sshra.s32 s26, $0x2  }
0x91: {  	v13 =	vld [tilespmem:s24+$0x1A0];
	s26 =	sadd.s32 s24, s26;
	[tilespmem:s24+$0x14A90] =	vst v1  }
0x92: {  	v1 =	vld [tilespmem:s26+$0xE680];
	_ =	sdelay $0x1  }
0x93: {  	s25 =	sadd.s32 $0x30, s25  }
0x94: {  	s28 =	sand.u32 $0x7F, s25;
	s25 =	sshll.u32 s25, $0x2  }
0x95: {  	s25 =	sand.u32 $0xFFFFFE00, s25;
	s26 =	sshll.u32 s28, $0x2  }
0x96: {  	s25 =	sor.u32 s26, s25;
	v1 =	vadd.f32 v13, v1  }
0x97: {  	s25 =	sshra.s32 s25, $0x2  }
0x98: {  	v14 =	vld [tilespmem:s24+$0x1B0];
	s25 =	sadd.s32 s24, s25;
	[tilespmem:s24+$0x14AA0] =	vst v1  }
0x99: {  	v1 =	vld [tilespmem:s25+$0xE680];
	_ =	sdelay $0x1  }
0x9a: {  	s25 =	spop (v2sf)  }
0x9b: {  	s29 =	sand.u32 $0x7F, s25;
	s30 =	sshll.u32 s25, $0x2  }
0x9c: {  	s28 =	sand.u32 $0xFFFFFE00, s30;
	s26 =	sshll.u32 s29, $0x2  }
0x9d: {  	s26 =	sor.u32 s26, s28;
	v1 =	vadd.f32 v14, v1  }
0x9e: {  	s26 =	sshra.s32 s26, $0x2  }
0x9f: {  	v15 =	vld [tilespmem:s24+$0x200];
	s26 =	sadd.s32 s24, s26;
	[tilespmem:s24+$0x14AB0] =	vst v1  }
0xa0: {  	v1 =	vld [tilespmem:s26+$0xE700];
	_ =	sdelay $0x1  }
0xa1: {  	s31 =	sadd.s32 $0x10, s25  }
0xa2: {  	s29 =	sand.u32 $0x7F, s31;
	s26 =	sshll.u32 s31, $0x2  }
0xa3: {  	s28 =	sshll.u32 s29, $0x2;
	s26 =	sand.u32 $0xFFFFFE00, s26  }
0xa4: {  	s26 =	sor.u32 s28, s26;
	v1 =	vadd.f32 v15, v1  }
0xa5: {  	s26 =	sshra.s32 s26, $0x2  }
0xa6: {  	v16 =	vld [tilespmem:s24+$0x210];
	s26 =	sadd.s32 s24, s26;
	[tilespmem:s24+$0x14B00] =	vst v1  }
0xa7: {  	v1 =	vld [tilespmem:s26+$0xE700];
	_ =	sdelay $0x1  }
0xa8: {  	s30 =	sadd.s32 $0x20, s25  }
0xa9: {  	(v2sf) =	vpush v0, $0x5;
	s31 =	sand.u32 $0x7F, s30;
	s26 =	sshll.u32 s30, $0x2  }
0xaa: {  	s28 =	sshll.u32 s31, $0x2;
	s26 =	sand.u32 $0xFFFFFE00, s26  }
0xab: {  	s26 =	sor.u32 s28, s26;
	v1 =	vadd.f32 v16, v1  }
0xac: {  	s26 =	sshra.s32 s26, $0x2  }
0xad: {  	v17 =	vld [tilespmem:s24+$0x220];
	s26 =	sadd.s32 s24, s26;
	[tilespmem:s24+$0x14B10] =	vst v1  }
0xae: {  	v1 =	vld [tilespmem:s26+$0xE700];
	_ =	sdelay $0x1  }
0xaf: {  	s25 =	sadd.s32 $0x30, s25  }
0xb0: {  	s28 =	sand.u32 $0x7F, s25;
	s25 =	sshll.u32 s25, $0x2  }
0xb1: {  	s25 =	sand.u32 $0xFFFFFE00, s25;
	s26 =	sshll.u32 s28, $0x2  }
0xb2: {  	s25 =	sor.u32 s26, s25;
	v1 =	vadd.f32 v17, v1  }
0xb3: {  	s25 =	sshra.s32 s25, $0x2  }
0xb4: {  	v18 =	vld [tilespmem:s24+$0x230];
	s25 =	sadd.s32 s24, s25;
	[tilespmem:s24+$0x14B20] =	vst v1  }
0xb5: {  	v1 =	vld [tilespmem:s25+$0xE700];
	_ =	sdelay $0x1  }
0xb6: {  	s25 =	spop (v2sf)  }
0xb7: {  	s29 =	sand.u32 $0x7F, s25;
	s30 =	sshll.u32 s25, $0x2  }
0xb8: {  	s28 =	sand.u32 $0xFFFFFE00, s30;
	s26 =	sshll.u32 s29, $0x2  }
0xb9: {  	s26 =	sor.u32 s26, s28;
	v1 =	vadd.f32 v18, v1  }
0xba: {  	s26 =	sshra.s32 s26, $0x2  }
0xbb: {  	v19 =	vld [tilespmem:s24+$0x280];
	s26 =	sadd.s32 s24, s26;
	[tilespmem:s24+$0x14B30] =	vst v1  }
0xbc: {  	v1 =	vld [tilespmem:s26+$0xE780];
	_ =	sdelay $0x1  }
0xbd: {  	s31 =	sadd.s32 $0x10, s25  }
0xbe: {  	s29 =	sand.u32 $0x7F, s31;
	s26 =	sshll.u32 s31, $0x2  }
0xbf: {  	s28 =	sshll.u32 s29, $0x2;
	s26 =	sand.u32 $0xFFFFFE00, s26  }
0xc0: {  	s26 =	sor.u32 s28, s26;
	v1 =	vadd.f32 v19, v1  }
0xc1: {  	s26 =	sshra.s32 s26, $0x2  }
0xc2: {  	v20 =	vld [tilespmem:s24+$0x290];
	s26 =	sadd.s32 s24, s26;
	[tilespmem:s24+$0x14B80] =	vst v1  }
0xc3: {  	v1 =	vld [tilespmem:s26+$0xE780];
	_ =	sdelay $0x1  }
0xc4: {  	s30 =	sadd.s32 $0x20, s25  }
0xc5: {  	(v2sf) =	vpush v0, $0x6;
	s31 =	sand.u32 $0x7F, s30;
	s26 =	sshll.u32 s30, $0x2  }
0xc6: {  	s28 =	sshll.u32 s31, $0x2;
	s26 =	sand.u32 $0xFFFFFE00, s26  }
0xc7: {  	s26 =	sor.u32 s28, s26;
	v1 =	vadd.f32 v20, v1  }
0xc8: {  	s26 =	sshra.s32 s26, $0x2  }
0xc9: {  	v21 =	vld [tilespmem:s24+$0x2A0];
	s26 =	sadd.s32 s24, s26;
	[tilespmem:s24+$0x14B90] =	vst v1  }
0xca: {  	v1 =	vld [tilespmem:s26+$0xE780];
	_ =	sdelay $0x1  }
0xcb: {  	s25 =	sadd.s32 $0x30, s25  }
0xcc: {  	s28 =	sand.u32 $0x7F, s25;
	s25 =	sshll.u32 s25, $0x2  }
0xcd: {  	s25 =	sand.u32 $0xFFFFFE00, s25;
	s26 =	sshll.u32 s28, $0x2  }
0xce: {  	s25 =	sor.u32 s26, s25;
	v1 =	vadd.f32 v21, v1  }
0xcf: {  	s25 =	sshra.s32 s25, $0x2  }
0xd0: {  	v22 =	vld [tilespmem:s24+$0x2B0];
	s25 =	sadd.s32 s24, s25;
	[tilespmem:s24+$0x14BA0] =	vst v1  }
0xd1: {  	v1 =	vld [tilespmem:s25+$0xE780];
	_ =	sdelay $0x1  }
0xd2: {  	s25 =	spop (v2sf)  }
0xd3: {  	s29 =	sand.u32 $0x7F, s25;
	s30 =	sshll.u32 s25, $0x2  }
0xd4: {  	s28 =	sand.u32 $0xFFFFFE00, s30;
	s26 =	sshll.u32 s29, $0x2  }
0xd5: {  	s26 =	sor.u32 s26, s28;
	v1 =	vadd.f32 v22, v1  }
0xd6: {  	s26 =	sshra.s32 s26, $0x2  }
0xd7: {  	v23 =	vld [tilespmem:s24+$0x300];
	s26 =	sadd.s32 s24, s26;
	[tilespmem:s24+$0x14BB0] =	vst v1  }
0xd8: {  	v1 =	vld [tilespmem:s26+$0xE800];
	_ =	sdelay $0x1  }
0xd9: {  	s31 =	sadd.s32 $0x10, s25  }
0xda: {  	s29 =	sand.u32 $0x7F, s31;
	s26 =	sshll.u32 s31, $0x2  }
0xdb: {  	s28 =	sshll.u32 s29, $0x2;
	s26 =	sand.u32 $0xFFFFFE00, s26  }
0xdc: {  	s26 =	sor.u32 s28, s26;
	v1 =	vadd.f32 v23, v1  }
0xdd: {  	s26 =	sshra.s32 s26, $0x2  }
0xde: {  	v24 =	vld [tilespmem:s24+$0x310];
	s26 =	sadd.s32 s24, s26;
	[tilespmem:s24+$0x14C00] =	vst v1  }
0xdf: {  	v1 =	vld [tilespmem:s26+$0xE800];
	_ =	sdelay $0x1  }
0xe0: {  	s30 =	sadd.s32 $0x20, s25  }
0xe1: {  	(v2sf) =	vpush v0, $0x7;
	s31 =	sand.u32 $0x7F, s30;
	s26 =	sshll.u32 s30, $0x2  }
0xe2: {  	s28 =	sshll.u32 s31, $0x2;
	s26 =	sand.u32 $0xFFFFFE00, s26  }
0xe3: {  	s26 =	sor.u32 s28, s26;
	v1 =	vadd.f32 v24, v1  }
0xe4: {  	s26 =	sshra.s32 s26, $0x2  }
0xe5: {  	v25 =	vld [tilespmem:s24+$0x320];
	s26 =	sadd.s32 s24, s26;
	[tilespmem:s24+$0x14C10] =	vst v1  }
0xe6: {  	v1 =	vld [tilespmem:s26+$0xE800];
	_ =	sdelay $0x1  }
0xe7: {  	s25 =	sadd.s32 $0x30, s25  }
0xe8: {  	s28 =	sand.u32 $0x7F, s25;
	s25 =	sshll.u32 s25, $0x2  }
0xe9: {  	s25 =	sand.u32 $0xFFFFFE00, s25;
	s26 =	sshll.u32 s28, $0x2  }
0xea: {  	s25 =	sor.u32 s26, s25;
	v1 =	vadd.f32 v25, v1  }
0xeb: {  	s25 =	sshra.s32 s25, $0x2  }
0xec: {  	v26 =	vld [tilespmem:s24+$0x330];
	s25 =	sadd.s32 s24, s25;
	[tilespmem:s24+$0x14C20] =	vst v1  }
0xed: {  	v1 =	vld [tilespmem:s25+$0xE800];
	_ =	sdelay $0x1  }
0xee: {  	s25 =	spop (v2sf)  }
0xef: {  	s29 =	sand.u32 $0x7F, s25;
	s30 =	sshll.u32 s25, $0x2  }
0xf0: {  	s28 =	sand.u32 $0xFFFFFE00, s30;
	s26 =	sshll.u32 s29, $0x2  }
0xf1: {  	s26 =	sor.u32 s26, s28;
	v1 =	vadd.f32 v26, v1  }
0xf2: {  	s26 =	sshra.s32 s26, $0x2  }
0xf3: {  	v27 =	vld [tilespmem:s24+$0x380];
	s26 =	sadd.s32 s24, s26;
	[tilespmem:s24+$0x14C30] =	vst v1  }
0xf4: {  	v1 =	vld [tilespmem:s26+$0xE880];
	_ =	sdelay $0x1  }
0xf5: {  	s31 =	sadd.s32 $0x10, s25  }
0xf6: {  	s29 =	sand.u32 $0x7F, s31;
	s26 =	sshll.u32 s31, $0x2  }
0xf7: {  	s28 =	sshll.u32 s29, $0x2;
	s26 =	sand.u32 $0xFFFFFE00, s26  }
0xf8: {  	s26 =	sor.u32 s28, s26;
	v1 =	vadd.f32 v27, v1  }
0xf9: {  	s26 =	sshra.s32 s26, $0x2  }
0xfa: {  	v28 =	vld [tilespmem:s24+$0x390];
	s26 =	sadd.s32 s24, s26;
	[tilespmem:s24+$0x14C80] =	vst v1  }
0xfb: {  	v1 =	vld [tilespmem:s26+$0xE880];
	_ =	sdelay $0x1  }
0xfc: {  	s30 =	sadd.s32 $0x20, s25  }
0xfd: {  	(v2sf) =	vpush v0, $0x8;
	s31 =	sand.u32 $0x7F, s30;
	s26 =	sshll.u32 s30, $0x2  }
0xfe: {  	s28 =	sshll.u32 s31, $0x2;
	s26 =	sand.u32 $0xFFFFFE00, s26  }
0xff: {  	s26 =	sor.u32 s28, s26;
	v1 =	vadd.f32 v28, v1  }
0x100: {  	s26 =	sshra.s32 s26, $0x2  }
0x101: {  	v29 =	vld [tilespmem:s24+$0x3A0];
	s26 =	sadd.s32 s24, s26;
	[tilespmem:s24+$0x14C90] =	vst v1  }
0x102: {  	v1 =	vld [tilespmem:s26+$0xE880];
	_ =	sdelay $0x1  }
0x103: {  	s25 =	sadd.s32 $0x30, s25  }
0x104: {  	s28 =	sand.u32 $0x7F, s25;
	s25 =	sshll.u32 s25, $0x2  }
0x105: {  	s25 =	sand.u32 $0xFFFFFE00, s25;
	s26 =	sshll.u32 s28, $0x2  }
0x106: {  	s25 =	sor.u32 s26, s25;
	v1 =	vadd.f32 v29, v1  }
0x107: {  	s25 =	sshra.s32 s25, $0x2  }
0x108: {  	v30 =	vld [tilespmem:s24+$0x3B0];
	s25 =	sadd.s32 s24, s25;
	[tilespmem:s24+$0x14CA0] =	vst v1  }
0x109: {  	v1 =	vld [tilespmem:s25+$0xE880];
	_ =	sdelay $0x1  }
0x10a: {  	s25 =	spop (v2sf)  }
0x10b: {  	s29 =	sand.u32 $0x7F, s25;
	s30 =	sshll.u32 s25, $0x2  }
0x10c: {  	s28 =	sand.u32 $0xFFFFFE00, s30;
	s26 =	sshll.u32 s29, $0x2  }
0x10d: {  	s26 =	sor.u32 s26, s28;
	v1 =	vadd.f32 v30, v1  }
0x10e: {  	s26 =	sshra.s32 s26, $0x2  }
0x10f: {  	v31 =	vld [tilespmem:s24+$0x400];
	s26 =	sadd.s32 s24, s26;
	[tilespmem:s24+$0x14CB0] =	vst v1  }
0x110: {  	v1 =	vld [tilespmem:s26+$0xE900];
	_ =	sdelay $0x1  }
0x111: {  	s31 =	sadd.s32 $0x10, s25  }
0x112: {  	s29 =	sand.u32 $0x7F, s31;
	s26 =	sshll.u32 s31, $0x2  }
0x113: {  	s28 =	sshll.u32 s29, $0x2;
	s26 =	sand.u32 $0xFFFFFE00, s26  }
0x114: {  	s26 =	sor.u32 s28, s26;
	v1 =	vadd.f32 v31, v1  }
0x115: {  	s26 =	sshra.s32 s26, $0x2  }
0x116: {  	v32 =	vld [tilespmem:s24+$0x410];
	s26 =	sadd.s32 s24, s26;
	[tilespmem:s24+$0x14D00] =	vst v1  }
0x117: {  	v1 =	vld [tilespmem:s26+$0xE900];
	_ =	sdelay $0x1  }
0x118: {  	s30 =	sadd.s32 $0x20, s25  }
0x119: {  	(v2sf) =	vpush v0, $0x9;
	s31 =	sand.u32 $0x7F, s30;
	s26 =	sshll.u32 s30, $0x2  }
0x11a: {  	s28 =	sshll.u32 s31, $0x2;
	s26 =	sand.u32 $0xFFFFFE00, s26  }
0x11b: {  	s26 =	sor.u32 s28, s26;
	v1 =	vadd.f32 v32, v1  }
0x11c: {  	s26 =	sshra.s32 s26, $0x2  }
0x11d: {  	v33 =	vld [tilespmem:s24+$0x420];
	s26 =	sadd.s32 s24, s26;
	[tilespmem:s24+$0x14D10] =	vst v1  }
0x11e: {  	v1 =	vld [tilespmem:s26+$0xE900];
	_ =	sdelay $0x1  }
0x11f: {  	s25 =	sadd.s32 $0x30, s25  }
0x120: {  	s28 =	sand.u32 $0x7F, s25;
	s25 =	sshll.u32 s25, $0x2  }
0x121: {  	s25 =	sand.u32 $0xFFFFFE00, s25;
	s26 =	sshll.u32 s28, $0x2  }
0x122: {  	s25 =	sor.u32 s26, s25;
	v1 =	vadd.f32 v33, v1  }
0x123: {  	s25 =	sshra.s32 s25, $0x2  }
0x124: {  	v34 =	vld [tilespmem:s24+$0x430];
	s25 =	sadd.s32 s24, s25;
	[tilespmem:s24+$0x14D20] =	vst v1  }
0x125: {  	v1 =	vld [tilespmem:s25+$0xE900];
	_ =	sdelay $0x1  }
0x126: {  	s25 =	spop (v2sf)  }
0x127: {  	s29 =	sand.u32 $0x7F, s25;
	s30 =	sshll.u32 s25, $0x2  }
0x128: {  	s28 =	sand.u32 $0xFFFFFE00, s30;
	s26 =	sshll.u32 s29, $0x2  }
0x129: {  	s26 =	sor.u32 s26, s28;
	v1 =	vadd.f32 v34, v1  }
0x12a: {  	s26 =	sshra.s32 s26, $0x2  }
0x12b: {  	v35 =	vld [tilespmem:s24+$0x480];
	s26 =	sadd.s32 s24, s26;
	[tilespmem:s24+$0x14D30] =	vst v1  }
0x12c: {  	v1 =	vld [tilespmem:s26+$0xE980];
	_ =	sdelay $0x1  }
0x12d: {  	s31 =	sadd.s32 $0x10, s25  }
0x12e: {  	s29 =	sand.u32 $0x7F, s31;
	s26 =	sshll.u32 s31, $0x2  }
0x12f: {  	s28 =	sshll.u32 s29, $0x2;
	s26 =	sand.u32 $0xFFFFFE00, s26  }
0x130: {  	s26 =	sor.u32 s28, s26;
	v1 =	vadd.f32 v35, v1  }
0x131: {  	s26 =	sshra.s32 s26, $0x2  }
0x132: {  	v36 =	vld [tilespmem:s24+$0x490];
	s26 =	sadd.s32 s24, s26;
	[tilespmem:s24+$0x14D80] =	vst v1  }
0x133: {  	v1 =	vld [tilespmem:s26+$0xE980];
	_ =	sdelay $0x1  }
0x134: {  	s30 =	sadd.s32 $0x20, s25  }
0x135: {  	(v2sf) =	vpush v0, $0xA;
	s31 =	sand.u32 $0x7F, s30;
	s26 =	sshll.u32 s30, $0x2  }
0x136: {  	s28 =	sshll.u32 s31, $0x2;
	s26 =	sand.u32 $0xFFFFFE00, s26  }
0x137: {  	s26 =	sor.u32 s28, s26;
	v1 =	vadd.f32 v36, v1  }
0x138: {  	s26 =	sshra.s32 s26, $0x2  }
0x139: {  	v37 =	vld [tilespmem:s24+$0x4A0];
	s26 =	sadd.s32 s24, s26;
	[tilespmem:s24+$0x14D90] =	vst v1  }
0x13a: {  	v1 =	vld [tilespmem:s26+$0xE980];
	_ =	sdelay $0x1  }
0x13b: {  	s25 =	sadd.s32 $0x30, s25  }
0x13c: {  	s28 =	sand.u32 $0x7F, s25;
	s25 =	sshll.u32 s25, $0x2  }
0x13d: {  	s25 =	sand.u32 $0xFFFFFE00, s25;
	s26 =	sshll.u32 s28, $0x2  }
0x13e: {  	s25 =	sor.u32 s26, s25;
	v1 =	vadd.f32 v37, v1  }
0x13f: {  	s25 =	sshra.s32 s25, $0x2  }
0x140: {  	v38 =	vld [tilespmem:s24+$0x4B0];
	s25 =	sadd.s32 s24, s25;
	[tilespmem:s24+$0x14DA0] =	vst v1  }
0x141: {  	v1 =	vld [tilespmem:s25+$0xE980];
	_ =	sdelay $0x1  }
0x142: {  	s25 =	spop (v2sf)  }
0x143: {  	s29 =	sand.u32 $0x7F, s25;
	s30 =	sshll.u32 s25, $0x2  }
0x144: {  	s28 =	sand.u32 $0xFFFFFE00, s30;
	s26 =	sshll.u32 s29, $0x2  }
0x145: {  	s26 =	sor.u32 s26, s28;
	v1 =	vadd.f32 v38, v1  }
0x146: {  	s26 =	sshra.s32 s26, $0x2  }
0x147: {  	v39 =	vld [tilespmem:s24+$0x500];
	s26 =	sadd.s32 s24, s26;
	[tilespmem:s24+$0x14DB0] =	vst v1  }
0x148: {  	v1 =	vld [tilespmem:s26+$0xEA00];
	_ =	sdelay $0x1  }
0x149: {  	s31 =	sadd.s32 $0x10, s25  }
0x14a: {  	s29 =	sand.u32 $0x7F, s31;
	s26 =	sshll.u32 s31, $0x2  }
0x14b: {  	s28 =	sshll.u32 s29, $0x2;
	s26 =	sand.u32 $0xFFFFFE00, s26  }
0x14c: {  	s26 =	sor.u32 s28, s26;
	v1 =	vadd.f32 v39, v1  }
0x14d: {  	s26 =	sshra.s32 s26, $0x2  }
0x14e: {  	v40 =	vld [tilespmem:s24+$0x510];
	s26 =	sadd.s32 s24, s26;
	[tilespmem:s24+$0x14E00] =	vst v1  }
0x14f: {  	v1 =	vld [tilespmem:s26+$0xEA00];
	_ =	sdelay $0x1  }
0x150: {  	s30 =	sadd.s32 $0x20, s25  }
0x151: {  	(v2sf) =	vpush v0, $0xB;
	s31 =	sand.u32 $0x7F, s30;
	s26 =	sshll.u32 s30, $0x2  }
0x152: {  	s28 =	sshll.u32 s31, $0x2;
	s26 =	sand.u32 $0xFFFFFE00, s26  }
0x153: {  	s26 =	sor.u32 s28, s26;
	v1 =	vadd.f32 v40, v1  }
0x154: {  	s26 =	sshra.s32 s26, $0x2  }
0x155: {  	v41 =	vld [tilespmem:s24+$0x520];
	s26 =	sadd.s32 s24, s26;
	[tilespmem:s24+$0x14E10] =	vst v1  }
0x156: {  	v1 =	vld [tilespmem:s26+$0xEA00];
	_ =	sdelay $0x1  }
0x157: {  	s25 =	sadd.s32 $0x30, s25  }
0x158: {  	s28 =	sand.u32 $0x7F, s25;
	s25 =	sshll.u32 s25, $0x2  }
0x159: {  	s25 =	sand.u32 $0xFFFFFE00, s25;
	s26 =	sshll.u32 s28, $0x2  }
0x15a: {  	s25 =	sor.u32 s26, s25;
	v1 =	vadd.f32 v41, v1  }
0x15b: {  	s25 =	sshra.s32 s25, $0x2  }
0x15c: {  	v42 =	vld [tilespmem:s24+$0x530];
	s25 =	sadd.s32 s24, s25;
	[tilespmem:s24+$0x14E20] =	vst v1  }
0x15d: {  	v1 =	vld [tilespmem:s25+$0xEA00];
	_ =	sdelay $0x1  }
0x15e: {  	s25 =	spop (v2sf)  }
0x15f: {  	s29 =	sand.u32 $0x7F, s25;
	s30 =	sshll.u32 s25, $0x2  }
0x160: {  	s28 =	sand.u32 $0xFFFFFE00, s30;
	s26 =	sshll.u32 s29, $0x2  }
0x161: {  	s26 =	sor.u32 s26, s28;
	v1 =	vadd.f32 v42, v1  }
0x162: {  	s26 =	sshra.s32 s26, $0x2  }
0x163: {  	v43 =	vld [tilespmem:s24+$0x580];
	s26 =	sadd.s32 s24, s26;
	[tilespmem:s24+$0x14E30] =	vst v1  }
0x164: {  	v1 =	vld [tilespmem:s26+$0xEA80];
	_ =	sdelay $0x1  }
0x165: {  	s31 =	sadd.s32 $0x10, s25  }
0x166: {  	s29 =	sand.u32 $0x7F, s31;
	s26 =	sshll.u32 s31, $0x2  }
0x167: {  	s28 =	sshll.u32 s29, $0x2;
	s26 =	sand.u32 $0xFFFFFE00, s26  }
0x168: {  	s26 =	sor.u32 s28, s26;
	v1 =	vadd.f32 v43, v1  }
0x169: {  	s26 =	sshra.s32 s26, $0x2  }
0x16a: {  	v44 =	vld [tilespmem:s24+$0x590];
	s26 =	sadd.s32 s24, s26;
	[tilespmem:s24+$0x14E80] =	vst v1  }
0x16b: {  	v1 =	vld [tilespmem:s26+$0xEA80];
	_ =	sdelay $0x1  }
0x16c: {  	s30 =	sadd.s32 $0x20, s25  }
0x16d: {  	(v2sf) =	vpush v0, $0xC;
	s31 =	sand.u32 $0x7F, s30;
	s26 =	sshll.u32 s30, $0x2  }
0x16e: {  	s28 =	sshll.u32 s31, $0x2;
	s26 =	sand.u32 $0xFFFFFE00, s26  }
0x16f: {  	s26 =	sor.u32 s28, s26;
	v1 =	vadd.f32 v44, v1  }
0x170: {  	s26 =	sshra.s32 s26, $0x2  }
0x171: {  	v45 =	vld [tilespmem:s24+$0x5A0];
	s26 =	sadd.s32 s24, s26;
	[tilespmem:s24+$0x14E90] =	vst v1  }
0x172: {  	v1 =	vld [tilespmem:s26+$0xEA80];
	_ =	sdelay $0x1  }
0x173: {  	s25 =	sadd.s32 $0x30, s25  }
0x174: {  	s28 =	sand.u32 $0x7F, s25;
	s25 =	sshll.u32 s25, $0x2  }
0x175: {  	s25 =	sand.u32 $0xFFFFFE00, s25;
	s26 =	sshll.u32 s28, $0x2  }
0x176: {  	s25 =	sor.u32 s26, s25;
	v1 =	vadd.f32 v45, v1  }
0x177: {  	s25 =	sshra.s32 s25, $0x2  }
0x178: {  	v46 =	vld [tilespmem:s24+$0x5B0];
	s25 =	sadd.s32 s24, s25;
	[tilespmem:s24+$0x14EA0] =	vst v1  }
0x179: {  	v1 =	vld [tilespmem:s25+$0xEA80];
	_ =	sdelay $0x1  }
0x17a: {  	s25 =	spop (v2sf)  }
0x17b: {  	s29 =	sand.u32 $0x7F, s25;
	s30 =	sshll.u32 s25, $0x2  }
0x17c: {  	s28 =	sand.u32 $0xFFFFFE00, s30;
	s26 =	sshll.u32 s29, $0x2  }
0x17d: {  	s26 =	sor.u32 s26, s28;
	v1 =	vadd.f32 v46, v1  }
0x17e: {  	s26 =	sshra.s32 s26, $0x2  }
0x17f: {  	v47 =	vld [tilespmem:s24+$0x600];
	s26 =	sadd.s32 s24, s26;
	[tilespmem:s24+$0x14EB0] =	vst v1  }
0x180: {  	v1 =	vld [tilespmem:s26+$0xEB00];
	_ =	sdelay $0x1  }
0x181: {  	s31 =	sadd.s32 $0x10, s25  }
0x182: {  	s29 =	sand.u32 $0x7F, s31;
	s26 =	sshll.u32 s31, $0x2  }
0x183: {  	s28 =	sshll.u32 s29, $0x2;
	s26 =	sand.u32 $0xFFFFFE00, s26  }
0x184: {  	s26 =	sor.u32 s28, s26;
	v1 =	vadd.f32 v47, v1  }
0x185: {  	s26 =	sshra.s32 s26, $0x2  }
0x186: {  	v48 =	vld [tilespmem:s24+$0x610];
	s26 =	sadd.s32 s24, s26;
	[tilespmem:s24+$0x14F00] =	vst v1  }
0x187: {  	v1 =	vld [tilespmem:s26+$0xEB00];
	_ =	sdelay $0x1  }
0x188: {  	s30 =	sadd.s32 $0x20, s25  }
0x189: {  	(v2sf) =	vpush v0, $0xD;
	s31 =	sand.u32 $0x7F, s30;
	s26 =	sshll.u32 s30, $0x2  }
0x18a: {  	s28 =	sshll.u32 s31, $0x2;
	s26 =	sand.u32 $0xFFFFFE00, s26  }
0x18b: {  	s26 =	sor.u32 s28, s26;
	v1 =	vadd.f32 v48, v1  }
0x18c: {  	s26 =	sshra.s32 s26, $0x2  }
0x18d: {  	v49 =	vld [tilespmem:s24+$0x620];
	s26 =	sadd.s32 s24, s26;
	[tilespmem:s24+$0x14F10] =	vst v1  }
0x18e: {  	v1 =	vld [tilespmem:s26+$0xEB00];
	_ =	sdelay $0x1  }
0x18f: {  	s25 =	sadd.s32 $0x30, s25  }
0x190: {  	s28 =	sand.u32 $0x7F, s25;
	s25 =	sshll.u32 s25, $0x2  }
0x191: {  	s25 =	sand.u32 $0xFFFFFE00, s25;
	s26 =	sshll.u32 s28, $0x2  }
0x192: {  	s25 =	sor.u32 s26, s25;
	v1 =	vadd.f32 v49, v1  }
0x193: {  	s25 =	sshra.s32 s25, $0x2  }
0x194: {  	v50 =	vld [tilespmem:s24+$0x630];
	s25 =	sadd.s32 s24, s25;
	[tilespmem:s24+$0x14F20] =	vst v1  }
0x195: {  	v1 =	vld [tilespmem:s25+$0xEB00];
	_ =	sdelay $0x1  }
0x196: {  	s25 =	spop (v2sf)  }
0x197: {  	s29 =	sand.u32 $0x7F, s25;
	s30 =	sshll.u32 s25, $0x2  }
0x198: {  	s28 =	sand.u32 $0xFFFFFE00, s30;
	s26 =	sshll.u32 s29, $0x2  }
0x199: {  	s26 =	sor.u32 s26, s28;
	v1 =	vadd.f32 v50, v1  }
0x19a: {  	s26 =	sshra.s32 s26, $0x2  }
0x19b: {  	v51 =	vld [tilespmem:s24+$0x680];
	s26 =	sadd.s32 s24, s26;
	[tilespmem:s24+$0x14F30] =	vst v1  }
0x19c: {  	v1 =	vld [tilespmem:s26+$0xEB80];
	_ =	sdelay $0x1  }
0x19d: {  	s31 =	sadd.s32 $0x10, s25  }
0x19e: {  	s29 =	sand.u32 $0x7F, s31;
	s26 =	sshll.u32 s31, $0x2  }
0x19f: {  	s28 =	sshll.u32 s29, $0x2;
	s26 =	sand.u32 $0xFFFFFE00, s26  }
0x1a0: {  	s26 =	sor.u32 s28, s26;
	v1 =	vadd.f32 v51, v1  }
0x1a1: {  	s26 =	sshra.s32 s26, $0x2  }
0x1a2: {  	v52 =	vld [tilespmem:s24+$0x690];
	s26 =	sadd.s32 s24, s26;
	[tilespmem:s24+$0x14F80] =	vst v1  }
0x1a3: {  	v1 =	vld [tilespmem:s26+$0xEB80];
	_ =	sdelay $0x1  }
0x1a4: {  	s30 =	sadd.s32 $0x20, s25  }
0x1a5: {  	(v2sf) =	vpush v0, $0xE;
	s31 =	sand.u32 $0x7F, s30;
	s26 =	sshll.u32 s30, $0x2  }
0x1a6: {  	s28 =	sshll.u32 s31, $0x2;
	s26 =	sand.u32 $0xFFFFFE00, s26  }
0x1a7: {  	s26 =	sor.u32 s28, s26;
	v1 =	vadd.f32 v52, v1  }
0x1a8: {  	s26 =	sshra.s32 s26, $0x2  }
0x1a9: {  	v53 =	vld [tilespmem:s24+$0x6A0];
	s26 =	sadd.s32 s24, s26;
	[tilespmem:s24+$0x14F90] =	vst v1  }
0x1aa: {  	v1 =	vld [tilespmem:s26+$0xEB80];
	_ =	sdelay $0x1  }
0x1ab: {  	s25 =	sadd.s32 $0x30, s25  }
0x1ac: {  	s29 =	sand.u32 $0x7F, s25;
	s25 =	sshll.u32 s25, $0x2  }
0x1ad: {  	s25 =	sand.u32 $0xFFFFFE00, s25;
	s26 =	sshll.u32 s29, $0x2  }
0x1ae: {  	s25 =	sor.u32 s26, s25;
	v1 =	vadd.f32 v53, v1  }
0x1af: {  	s25 =	sshra.s32 s25, $0x2  }
0x1b0: {  	v54 =	vld [tilespmem:s24+$0x6B0];
	s25 =	sadd.s32 s24, s25;
	[tilespmem:s24+$0x14FA0] =	vst v1  }
0x1b1: {  	v1 =	vld [tilespmem:s25+$0xEB80];
	_ =	sdelay $0x1  }
0x1b2: {  	s25 =	spop (v2sf)  }
0x1b3: {  	s30 =	sand.u32 $0x7F, s25;
	s31 =	sshll.u32 s25, $0x2  }
0x1b4: {  	s28 =	sand.u32 $0xFFFFFE00, s31;
	s26 =	sshll.u32 s30, $0x2  }
0x1b5: {  	s26 =	sor.u32 s26, s28;
	v1 =	vadd.f32 v54, v1  }
0x1b6: {  	s26 =	sshra.s32 s26, $0x2  }
0x1b7: {  	v55 =	vld [tilespmem:s24+$0x700];
	s26 =	sadd.s32 s24, s26;
	[tilespmem:s24+$0x14FB0] =	vst v1  }
0x1b8: {  	v1 =	vld [tilespmem:s26+$0xEC00];
	_ =	sdelay $0x1  }
0x1b9: {  	s29 =	sadd.s32 $0x10, s25  }
0x1ba: {  	s30 =	sand.u32 $0x7F, s29;
	s26 =	sshll.u32 s29, $0x2  }
0x1bb: {  	s28 =	sshll.u32 s30, $0x2;
	s26 =	sand.u32 $0xFFFFFE00, s26  }
0x1bc: {  	s26 =	sor.u32 s28, s26;
	v1 =	vadd.f32 v55, v1  }
0x1bd: {  	s26 =	sshra.s32 s26, $0x2  }
0x1be: {  	v56 =	vld [tilespmem:s24+$0x710];
	s26 =	sadd.s32 s24, s26;
	[tilespmem:s24+$0x15000] =	vst v1  }
0x1bf: {  	v1 =	vld [tilespmem:s26+$0xEC00];
	_ =	sdelay $0x1  }
0x1c0: {  	s31 =	sadd.s32 $0x20, s25  }
0x1c1: {  	(v2sf) =	vpush v0, $0xF;
	s29 =	sand.u32 $0x7F, s31;
	s26 =	sshll.u32 s31, $0x2  }
0x1c2: {  	s28 =	sshll.u32 s29, $0x2;
	s26 =	sand.u32 $0xFFFFFE00, s26  }
0x1c3: {  	s26 =	sor.u32 s28, s26;
	v1 =	vadd.f32 v56, v1  }
0x1c4: {  	s26 =	sshra.s32 s26, $0x2  }
0x1c5: {  	v58 =	vld [tilespmem:s24+$0x720];
	s26 =	sadd.s32 s24, s26;
	[tilespmem:s24+$0x15010] =	vst v1  }
0x1c6: {  	v57 =	vld [tilespmem:s26+$0xEC00];
	_ =	sdelay $0x1  }
0x1c7: {  	s25 =	sadd.s32 $0x30, s25  }
0x1c8: {  	s30 =	sand.u32 $0x7F, s25;
	s25 =	sshll.u32 s25, $0x2  }
0x1c9: {  	s25 =	sand.u32 $0xFFFFFE00, s25;
	s26 =	sshll.u32 s30, $0x2  }
0x1ca: {  	s25 =	sor.u32 s26, s25;
	v0 =	vadd.f32 v58, v57  }
0x1cb: {  	s25 =	sshra.s32 s25, $0x2  }
0x1cc: {  	v59 =	vld [tilespmem:s24+$0x730];
	s25 =	sadd.s32 s24, s25;
	[tilespmem:s24+$0x15020] =	vst v0  }
0x1cd: {  	v0 =	vld [tilespmem:s25+$0xEC00];
	_ =	sdelay $0x1  }
0x1ce: {  	s25 =	spop (v2sf)  }
0x1cf: {  	s31 =	sand.u32 $0x7F, s25;
	s29 =	sshll.u32 s25, $0x2  }
0x1d0: {  	s28 =	sand.u32 $0xFFFFFE00, s29;
	s26 =	sshll.u32 s31, $0x2  }
0x1d1: {  	s26 =	sor.u32 s26, s28;
	v0 =	vadd.f32 v59, v0  }
0x1d2: {  	s26 =	sshra.s32 s26, $0x2  }
0x1d3: {  	v60 =	vld [tilespmem:s24+$0x780];
	s26 =	sadd.s32 s24, s26;
	[tilespmem:s24+$0x15030] =	vst v0  }
0x1d4: {  	v0 =	vld [tilespmem:s26+$0xEC80];
	_ =	sdelay $0x1  }
0x1d5: {  	s30 =	sadd.s32 $0x10, s25  }
0x1d6: {  	s31 =	sand.u32 $0x7F, s30;
	s26 =	sshll.u32 s30, $0x2  }
0x1d7: {  	s28 =	sshll.u32 s31, $0x2;
	s26 =	sand.u32 $0xFFFFFE00, s26  }
0x1d8: {  	s26 =	sor.u32 s28, s26;
	v0 =	vadd.f32 v60, v0  }
0x1d9: {  	s26 =	sshra.s32 s26, $0x2  }
0x1da: {  	v61 =	vld [tilespmem:s24+$0x790];
	s26 =	sadd.s32 s24, s26;
	[tilespmem:s24+$0x15080] =	vst v0  }
0x1db: {  	v0 =	vld [tilespmem:s26+$0xEC80];
	_ =	sdelay $0x1  }
0x1dc: {  	s29 =	sadd.s32 $0x20, s25  }
0x1dd: {  	s30 =	sand.u32 $0x7F, s29;
	s26 =	sshll.u32 s29, $0x2  }
0x1de: {  	s28 =	sshll.u32 s30, $0x2;
	s26 =	sand.u32 $0xFFFFFE00, s26  }
0x1df: {  	s26 =	sor.u32 s28, s26;
	v0 =	vadd.f32 v61, v0  }
0x1e0: {  	s26 =	sshra.s32 s26, $0x2  }
0x1e1: {  	v62 =	vld [tilespmem:s24+$0x7A0];
	s26 =	sadd.s32 s24, s26;
	[tilespmem:s24+$0x15090] =	vst v0  }
0x1e2: {  	v0 =	vld [tilespmem:s26+$0xEC80];
	_ =	sdelay $0x1  }
0x1e3: {  	s25 =	sadd.s32 $0x30, s25  }
0x1e4: {  	s31 =	sand.u32 $0x7F, s25;
	s25 =	sshll.u32 s25, $0x2  }
0x1e5: {  	s25 =	sand.u32 $0xFFFFFE00, s25;
	s26 =	sshll.u32 s31, $0x2  }
0x1e6: {  	s25 =	sor.u32 s26, s25;
	v0 =	vadd.f32 v62, v0  }
0x1e7: {  	s25 =	sshra.s32 s25, $0x2  }
0x1e8: {  	v63 =	vld [tilespmem:s24+$0x7B0];
	s25 =	sadd.s32 s24, s25;
	[tilespmem:s24+$0x150A0] =	vst v0  }
0x1e9: {  	v0 =	vld [tilespmem:s25+$0xEC80];
	_ =	sdelay $0x1  }
0x1ea: {  	p0 =	sne.s32 s23, $0x16000  }
.Ltmp0:
0x1eb: {  	_ = 	snop;
	(pc) =	sbr.rel @p0 .LBB2_3-.Ltmp0, $3  }
0x1ec: {  	_ = 	snop  }
0x1ed: {  	v0 =	vadd.f32 v63, v0;
	_ =	sdelay $0x1  }
0x1ee: {  	s22 =	sadd.s32 $0x10, s22;
	s23 =	sadd.s32 $0x2000, s23;
	[tilespmem:s24+$0x150B0] =	vst v0  }
0x1ef: {  	v0 =	vld [tilespmem:$0xE4B8];
	_ =	sdelay $0x4  }
0x1f0: {  	(v2sf) =	vpush v0, $0x8;
	_ =	sdelay $0xe  }
0x1f1: {  	v2 =	vld [tilespmem:$0x6000];
	s22 =	spop (v2sf)  }
0x1f2: {  	v1 =	vld [tilespmem:s22+$0x14500];
	_ =	sdelay $0x4  }
0x1f3: {  	v1 =	vadd.f32 v2, v1;
	_ =	sdelay $0x1  }
0x1f4: {  	v32 =	vld [tilespmem:$0x6010];
	[tilespmem:$0x1A900] =	vst v1  }
0x1f5: {  	v1 =	vld [tilespmem:s22+$0x14510];
	_ =	sdelay $0x4  }
0x1f6: {  	v1 =	vadd.f32 v32, v1;
	_ =	sdelay $0x1  }
0x1f7: {  	v33 =	vld [tilespmem:$0x6020];
	[tilespmem:$0x1A910] =	vst v1  }
0x1f8: {  	(v2sf) =	vpush v0, $0x9;
	v1 =	vld [tilespmem:s22+$0x14520];
	_ =	sdelay $0x4  }
0x1f9: {  	v1 =	vadd.f32 v33, v1;
	_ =	sdelay $0x1  }
0x1fa: {  	v34 =	vld [tilespmem:$0x6030];
	[tilespmem:$0x1A920] =	vst v1  }
0x1fb: {  	v1 =	vld [tilespmem:s22+$0x14530];
	_ =	sdelay $0x4  }
0x1fc: {  	v1 =	vadd.f32 v34, v1;
	_ =	sdelay $0x1  }
0x1fd: {  	v35 =	vld [tilespmem:$0x6080];
	s24 =	spop (v2sf);
	[tilespmem:$0x1A930] =	vst v1  }
0x1fe: {  	v1 =	vld [tilespmem:s24+$0x14580];
	_ =	sdelay $0x4  }
0x1ff: {  	v1 =	vadd.f32 v35, v1;
	_ =	sdelay $0x1  }
0x200: {  	v36 =	vld [tilespmem:$0x6090];
	[tilespmem:$0x1A980] =	vst v1  }
0x201: {  	v1 =	vld [tilespmem:s24+$0x14590];
	_ =	sdelay $0x4  }
0x202: {  	v1 =	vadd.f32 v36, v1;
	_ =	sdelay $0x1  }
0x203: {  	v37 =	vld [tilespmem:$0x60A0];
	[tilespmem:$0x1A990] =	vst v1  }
0x204: {  	(v2sf) =	vpush v0, $0xA;
	v1 =	vld [tilespmem:s24+$0x145A0];
	_ =	sdelay $0x4  }
0x205: {  	v1 =	vadd.f32 v37, v1;
	_ =	sdelay $0x1  }
0x206: {  	v38 =	vld [tilespmem:$0x60B0];
	[tilespmem:$0x1A9A0] =	vst v1  }
0x207: {  	v1 =	vld [tilespmem:s24+$0x145B0];
	_ =	sdelay $0x4  }
0x208: {  	v1 =	vadd.f32 v38, v1;
	_ =	sdelay $0x1  }
0x209: {  	v39 =	vld [tilespmem:$0x6100];
	s25 =	spop (v2sf);
	[tilespmem:$0x1A9B0] =	vst v1  }
0x20a: {  	v1 =	vld [tilespmem:s25+$0x14600];
	_ =	sdelay $0x4  }
0x20b: {  	v1 =	vadd.f32 v39, v1;
	_ =	sdelay $0x1  }
0x20c: {  	v40 =	vld [tilespmem:$0x6110];
	[tilespmem:$0x1AA00] =	vst v1  }
0x20d: {  	v1 =	vld [tilespmem:s25+$0x14610];
	_ =	sdelay $0x4  }
0x20e: {  	v1 =	vadd.f32 v40, v1;
	_ =	sdelay $0x1  }
0x20f: {  	v41 =	vld [tilespmem:$0x6120];
	[tilespmem:$0x1AA10] =	vst v1  }
0x210: {  	(v2sf) =	vpush v0, $0xB;
	v1 =	vld [tilespmem:s25+$0x14620];
	_ =	sdelay $0x4  }
0x211: {  	v1 =	vadd.f32 v41, v1;
	_ =	sdelay $0x1  }
0x212: {  	v42 =	vld [tilespmem:$0x6130];
	[tilespmem:$0x1AA20] =	vst v1  }
0x213: {  	v1 =	vld [tilespmem:s25+$0x14630];
	_ =	sdelay $0x4  }
0x214: {  	v1 =	vadd.f32 v42, v1;
	_ =	sdelay $0x1  }
0x215: {  	v43 =	vld [tilespmem:$0x6180];
	s26 =	spop (v2sf);
	[tilespmem:$0x1AA30] =	vst v1  }
0x216: {  	v1 =	vld [tilespmem:s26+$0x14680];
	_ =	sdelay $0x4  }
0x217: {  	v1 =	vadd.f32 v43, v1;
	_ =	sdelay $0x1  }
0x218: {  	v44 =	vld [tilespmem:$0x6190];
	[tilespmem:$0x1AA80] =	vst v1  }
0x219: {  	v1 =	vld [tilespmem:s26+$0x14690];
	_ =	sdelay $0x4  }
0x21a: {  	v1 =	vadd.f32 v44, v1;
	_ =	sdelay $0x1  }
0x21b: {  	v45 =	vld [tilespmem:$0x61A0];
	[tilespmem:$0x1AA90] =	vst v1  }
0x21c: {  	(v2sf) =	vpush v0, $0xC;
	v1 =	vld [tilespmem:s26+$0x146A0];
	_ =	sdelay $0x4  }
0x21d: {  	v1 =	vadd.f32 v45, v1;
	_ =	sdelay $0x1  }
0x21e: {  	v46 =	vld [tilespmem:$0x61B0];
	[tilespmem:$0x1AAA0] =	vst v1  }
0x21f: {  	v1 =	vld [tilespmem:s26+$0x146B0];
	_ =	sdelay $0x4  }
0x220: {  	v1 =	vadd.f32 v46, v1;
	_ =	sdelay $0x1  }
0x221: {  	v47 =	vld [tilespmem:$0x6200];
	s28 =	spop (v2sf);
	[tilespmem:$0x1AAB0] =	vst v1  }
0x222: {  	v1 =	vld [tilespmem:s28+$0x14700];
	_ =	sdelay $0x4  }
0x223: {  	v1 =	vadd.f32 v47, v1;
	_ =	sdelay $0x1  }
0x224: {  	v48 =	vld [tilespmem:$0x6210];
	[tilespmem:$0x1AB00] =	vst v1  }
0x225: {  	v1 =	vld [tilespmem:s28+$0x14710];
	_ =	sdelay $0x4  }
0x226: {  	v1 =	vadd.f32 v48, v1;
	_ =	sdelay $0x1  }
0x227: {  	v49 =	vld [tilespmem:$0x6220];
	[tilespmem:$0x1AB10] =	vst v1  }
0x228: {  	(v2sf) =	vpush v0, $0xD;
	v1 =	vld [tilespmem:s28+$0x14720];
	_ =	sdelay $0x4  }
0x229: {  	v1 =	vadd.f32 v49, v1;
	_ =	sdelay $0x1  }
0x22a: {  	v50 =	vld [tilespmem:$0x6230];
	[tilespmem:$0x1AB20] =	vst v1  }
0x22b: {  	v1 =	vld [tilespmem:s28+$0x14730];
	_ =	sdelay $0x4  }
0x22c: {  	v1 =	vadd.f32 v50, v1;
	_ =	sdelay $0x1  }
0x22d: {  	v51 =	vld [tilespmem:$0x6280];
	s29 =	spop (v2sf);
	[tilespmem:$0x1AB30] =	vst v1  }
0x22e: {  	v1 =	vld [tilespmem:s29+$0x14780];
	_ =	sdelay $0x4  }
0x22f: {  	v1 =	vadd.f32 v51, v1;
	_ =	sdelay $0x1  }
0x230: {  	v52 =	vld [tilespmem:$0x6290];
	[tilespmem:$0x1AB80] =	vst v1  }
0x231: {  	v1 =	vld [tilespmem:s29+$0x14790];
	_ =	sdelay $0x4  }
0x232: {  	v1 =	vadd.f32 v52, v1;
	_ =	sdelay $0x1  }
0x233: {  	v53 =	vld [tilespmem:$0x62A0];
	[tilespmem:$0x1AB90] =	vst v1  }
0x234: {  	(v2sf) =	vpush v0, $0xE;
	v1 =	vld [tilespmem:s29+$0x147A0];
	_ =	sdelay $0x4  }
0x235: {  	v1 =	vadd.f32 v53, v1;
	_ =	sdelay $0x1  }
0x236: {  	v54 =	vld [tilespmem:$0x62B0];
	[tilespmem:$0x1ABA0] =	vst v1  }
0x237: {  	v1 =	vld [tilespmem:s29+$0x147B0];
	_ =	sdelay $0x4  }
0x238: {  	v1 =	vadd.f32 v54, v1;
	_ =	sdelay $0x1  }
0x239: {  	v55 =	vld [tilespmem:$0x6300];
	s30 =	spop (v2sf);
	[tilespmem:$0x1ABB0] =	vst v1  }
0x23a: {  	v1 =	vld [tilespmem:s30+$0x14800];
	_ =	sdelay $0x4  }
0x23b: {  	v1 =	vadd.f32 v55, v1;
	_ =	sdelay $0x1  }
0x23c: {  	v56 =	vld [tilespmem:$0x6310];
	[tilespmem:$0x1AC00] =	vst v1  }
0x23d: {  	v1 =	vld [tilespmem:s30+$0x14810];
	_ =	sdelay $0x4  }
0x23e: {  	v1 =	vadd.f32 v56, v1;
	_ =	sdelay $0x1  }
0x23f: {  	v57 =	vld [tilespmem:$0x6320];
	[tilespmem:$0x1AC10] =	vst v1  }
0x240: {  	(v2sf) =	vpush v0, $0xF;
	v1 =	vld [tilespmem:s30+$0x14820];
	_ =	sdelay $0x4  }
0x241: {  	v58 =	vadd.f32 v57, v1;
	_ =	sdelay $0x1  }
0x242: {  	v59 =	vld [tilespmem:$0x6330];
	[tilespmem:$0x1AC20] =	vst v58  }
0x243: {  	v0 =	vld [tilespmem:s30+$0x14830];
	_ =	sdelay $0x4  }
0x244: {  	v0 =	vadd.f32 v59, v0;
	_ =	sdelay $0x1  }
0x245: {  	v60 =	vld [tilespmem:$0x6380];
	s31 =	spop (v2sf);
	[tilespmem:$0x1AC30] =	vst v0  }
0x246: {  	v0 =	vld [tilespmem:s31+$0x14880];
	_ =	sdelay $0x4  }
0x247: {  	v0 =	vadd.f32 v60, v0;
	_ =	sdelay $0x1  }
0x248: {  	v61 =	vld [tilespmem:$0x6390];
	[tilespmem:$0x1AC80] =	vst v0  }
0x249: {  	v0 =	vld [tilespmem:s31+$0x14890];
	_ =	sdelay $0x4  }
0x24a: {  	v0 =	vadd.f32 v61, v0;
	_ =	sdelay $0x1  }
0x24b: {  	v62 =	vld [tilespmem:$0x63A0];
	[tilespmem:$0x1AC90] =	vst v0  }
0x24c: {  	v0 =	vld [tilespmem:s31+$0x148A0];
	_ =	sdelay $0x4  }
0x24d: {  	v0 =	vadd.f32 v62, v0;
	_ =	sdelay $0x1  }
0x24e: {  	v63 =	vld [tilespmem:$0x63B0];
	[tilespmem:$0x1ACA0] =	vst v0  }
0x24f: {  	v0 =	vld [tilespmem:s31+$0x148B0];
	_ =	sdelay $0x4  }
0x250: {  	s21 =	smul.u32 $0xC80, s21;
	s20 =	sadd.s32 $0x1, s20;
	v0 =	vadd.f32 v63, v0  }
0x251: {  	p0 =	sne.s32 s20, $0x80  }
.Ltmp1:
0x252: {  	s21 =	sadd.s32 s6, s21;
	[tilespmem:$0x1ACB0] =	vst v0;
	(pc) =	sbr.rel @p0 .LBB2_2-.Ltmp1, $4  }
0x253: {  	[hbm4b:s21+s3] =	stream.linear.scatter [tilespmem:s18], [sflag:$0x2], $0x6400, $0x38;
	[tilespmem:$0x1AD00] =	vst v63  }
0x254: {  	_ =	swait.ge [sflag:s10], $0x6400  }
0x255: {  	[sflag:s10] =	ssyncset.done $0x0  }
0x256: {  	[sflag:s10] =	ssyncadd.s32 $0xFFFF9C00  }
0x257: {  	s19 =	sadd.s32 $0x1, s19  }
0x258: {  	p0 =	sne.s32 s19, s9  }
.Ltmp2:
0x259: {  	_ = 	snop;
	(pc) =	sbr.rel @p0 .LBB2_1-.Ltmp2, $1  }
0x25a: {  	_ =	sdelay $0x3  }
0x25b: {  	_ =	sfence.sel $0x180000  }
0x25c: {  	[bflag:$0x0] =	sbarrier.arrive $0xFFFF  }
0x25d: {  	p0 =	sne.s32 s0, $0x0;
	_ =	strace $0x90000047  }
0x25e: {  	s0 =	sadd.s32 @!p0 $0x100000, s1;
	[bflag:$0x2] =	sbarrier.arrive $0xFFFF  }
0x25f: {  	[sflag:s0] =	ssyncadd.tile.s32 @!p0 $0x1;
	_ =	shalt  }
.Lfunc_end2:
_tile_overlayer_lowered:
.L_overlay_start_2:
0x260: {  	(tag) =	ssettag $0x2  }
0x261: {  	s0 =	rddreg [dreg:$0x0];
	s2 =	stileid.u32  }
0x262: {  	s1 =	rddreg [dreg:$0x1];
	p0 =	sne.s32 s2, $0x0  }
0x263: {  	s3 =	rddreg [dreg:$0x2];
	[bflag:$0x3] =	sbarrier.arrive $0xFFFF;
	s2 =	simm.s32 @!p0 $0x1C02  }
0x264: {  	[timem:s3], [sflag:s2] =	dma.local @!p0 [hbm:s0], s1  }
0x265: {  	s0 =	simm.s32 @!p0 $0x2  }
0x266: {  	_ =	swait.ge @!p0 [sflag:s0], s1  }
0x267: {  	s1 =	ssub.s32 @!p0 $0x0, s1;
	[sflag:s0] =	ssyncset.done @!p0 $0x0  }
0x268: {  	[sflag:s0] =	ssyncadd.s32 @!p0 s1  }
0x269: {  	[bflag:$0x3] =	sbarrier.arrive $0xFFFF  }
0x26a: {  	_ =	shalt  }

</sc_bundles>
